<compile_context>
chip_gen: v7x
topology: tpu7x:2x2x1
jax: 0.10.2.dev20260603
libtpu: 0.0.44.dev20260713+nightly
codegen_flags: <defaults>
</compile_context>

<pallas_src>
import functools

import jax
import jax.numpy as jnp
from jax import lax
from jax.experimental import pallas as pl
from jax.experimental.pallas import tpu as pltpu
from jax.experimental.pallas import tpu_sc as plsc

_MIN_SPEED = 0.5
_MAX_SPEED = 2.0

_NUM_CORES = 2
_NUM_SUBCORES = 16
_NW = _NUM_CORES * _NUM_SUBCORES
_L = 16


def _make_sc_call(N, C, T, ROW):
    UL = T * ROW
    ULP = ((UL + 15) // 16) * 16
    NG = (T + _L - 1) // _L
    TP = ((NG * _L + 15) // 16) * 16
    LWS = 2 * TP
    OV = NG * _L * ROW
    OVP = max(OV, ULP)
    UNITS = N * C
    UPW = UNITS // _NW
    assert UNITS % _NW == 0 and UPW % 2 == 0
    assert ULP % 16 == 0 and LWS % 16 == 0

    mesh = plsc.VectorSubcoreMesh(
        core_axis_name="c", subcore_axis_name="s",
        num_cores=_NUM_CORES, num_subcores=_NUM_SUBCORES)

    def compute(in_v, lw_v, out_v):
        iota = lax.iota(jnp.int32, _L)

        def group_body(g, gcarry):
            lf = lw_v[pl.ds(g * _L, _L)]
            w = lw_v[pl.ds(TP + g * _L, _L)]
            li = lf.astype(jnp.int32)
            ri = jnp.minimum(li + 1, T - 1)
            bl = li * ROW
            br = ri * ROW
            ob = (g * _L + iota) * ROW
            for j in range(ROW):
                a = plsc.load_gather(in_v, [bl])
                b = plsc.load_gather(in_v, [br])
                res = a + w * (b - a)
                plsc.store_scatter(out_v, [ob], res)
                if j + 1 < ROW:
                    bl = bl + 1
                    br = br + 1
                    ob = ob + 1
            return gcarry

        lax.fori_loop(0, NG, group_body, 0)

    @functools.partial(
        pl.kernel,
        out_type=jax.ShapeDtypeStruct((UNITS * ULP,), jnp.float32),
        mesh=mesh,
        scratch_types=[
            pltpu.VMEM((ULP,), jnp.float32),
            pltpu.VMEM((ULP,), jnp.float32),
            pltpu.VMEM((OVP,), jnp.float32),
            pltpu.VMEM((OVP,), jnp.float32),
            pltpu.VMEM((LWS,), jnp.float32),
            pltpu.VMEM((LWS,), jnp.float32),
            pltpu.SemaphoreType.DMA,
            pltpu.SemaphoreType.DMA,
            pltpu.SemaphoreType.DMA,
            pltpu.SemaphoreType.DMA,
        ],
        compiler_params=pltpu.CompilerParams(needs_layout_passes=False),
    )
    def sc_call(x_hbm, lw_hbm, out_hbm,
                in0, in1, o0, o1, lw0, lw1, si0, si1, so0, so1):
        wid = lax.axis_index("s") * _NUM_CORES + lax.axis_index("c")
        base = wid * UPW
        ins, outs, lws = (in0, in1), (o0, o1), (lw0, lw1)
        isems, osems = (si0, si1), (so0, so1)

        def start_in(b, u):
            n = u // C
            pltpu.async_copy(lw_hbm.at[pl.ds(n * LWS, LWS)], lws[b], isems[b])
            pltpu.async_copy(x_hbm.at[pl.ds(u * ULP, ULP)], ins[b], isems[b])

        def wait_in(b):
            pltpu.make_async_copy(
                lw_hbm.at[pl.ds(0, LWS)], lws[b], isems[b]).wait()
            pltpu.make_async_copy(
                x_hbm.at[pl.ds(0, ULP)], ins[b], isems[b]).wait()

        def start_out(b, u):
            pltpu.async_copy(outs[b].at[pl.ds(0, ULP)],
                             out_hbm.at[pl.ds(u * ULP, ULP)], osems[b])

        def wait_out(b):
            pltpu.make_async_copy(outs[b].at[pl.ds(0, ULP)],
                                  out_hbm.at[pl.ds(0, ULP)], osems[b]).wait()

        start_in(0, base)
        start_in(1, base + 1)

        def k2_body(k2, carry):
            for b in (0, 1):
                u = base + k2 * 2 + b
                wait_in(b)

                @pl.when(k2 > 0)
                def _():
                    wait_out(b)

                compute(ins[b], lws[b], outs[b])
                start_out(b, u)

                @pl.when(k2 < UPW // 2 - 1)
                def _():
                    start_in(b, u + 2)
            return carry

        lax.fori_loop(0, UPW // 2, k2_body, 0)
        wait_out(0)
        wait_out(1)

    return sc_call, ULP, TP, LWS


def kernel(x):
    N, C, T, V, M = x.shape
    ROW = V * M
    UL = T * ROW

    skey = jax.random.key(42)
    speed = (jax.random.uniform(skey, (N,), dtype=jnp.float32)
             * (_MAX_SPEED - _MIN_SPEED) + _MIN_SPEED)

    sc_call, ULP, TP, LWS = _make_sc_call(N, C, T, ROW)

    t = jnp.arange(T, dtype=jnp.float32)[None, :]
    t_new = jnp.clip(t / speed[:, None], 0.0, float(T - 1))
    lf = jnp.floor(t_new)
    w = t_new - lf
    lw = jnp.zeros((N, LWS), jnp.float32)
    lw = lw.at[:, :T].set(lf).at[:, TP:TP + T].set(w)

    x2 = jnp.pad(x.reshape(N * C, UL), ((0, 0), (0, ULP - UL)))
    out_flat = sc_call(x2.reshape(-1), lw.reshape(-1))
    out = out_flat.reshape(N * C, ULP)[:, :UL]
    return out.reshape(N, C, T, V, M), speed

# --- scband reference (transcript-rebuilt; emitter-appended) ---
"""Pipeline reference for scband-random-temporal-intervention-32452772888615 (READ-ONLY COPY).

The authoritative reference and input builder live on the scoring server;
editing this copy changes nothing except your own understanding.
"""

import jax, jax.numpy as jnp
import numpy as np

MIN_SPEED = 0.5
MAX_SPEED = 2.0

def setup_inputs(seed: int = 0) -> dict:
    key = jax.random.key(seed)
    x = jax.random.normal(key, (256, 3, 300, 25, 2), dtype=jnp.float32)
    return {"x": x}

def reference(x):
    N, C, T, V, M = x.shape
    skey = jax.random.key(42)
    speed_factors = jax.random.uniform(skey, (N,), dtype=jnp.float32) * (MAX_SPEED - MIN_SPEED) + MIN_SPEED
    t = jnp.arange(T, dtype=jnp.float32)[None, :]
    t = jnp.broadcast_to(t, (N, T))
    t_new = t / speed_factors[:, None]
    t_new = jnp.clip(t_new, 0.0, float(T - 1))
    x_flat = jnp.transpose(x, (0, 1, 3, 4, 2)).reshape(N, -1, T)
    left = jnp.floor(t_new).astype(jnp.int32)
    right = jnp.ceil(t_new).astype(jnp.int32)
    w = (t_new - left.astype(jnp.float32))[:, None, :]
    ch = x_flat.shape[1]
    left_idx = jnp.broadcast_to(left[:, None, :], (N, ch, T))
    right_idx = jnp.broadcast_to(right[:, None, :], (N, ch, T))
    left_vals = jnp.take_along_axis(x_flat, left_idx, axis=2)
    right_vals = jnp.take_along_axis(x_flat, right_idx, axis=2)
    x_warp_flat = (1.0 - w) * left_vals + w * right_vals
    x_warp = jnp.transpose(x_warp_flat.reshape(N, C, V, M, T), (0, 1, 4, 2, 3))
    return (x_warp, speed_factors)

if __name__ == "__main__":
    import jax
    _d = setup_inputs()
    print(jax.jit(kernel)(*tuple(_d.values())))

</pallas_src>

<mosaic_0001>
#map = affine_map<(d0, d1) -> (0)>
module attributes {stable_mosaic.version = 14 : i64} {
  func.func @sc_call(%arg0: i32, %arg1: i32, %arg2: memref<11526144xf32, #tpu.memory_space<hbm>>, %arg3: memref<155648xf32, #tpu.memory_space<hbm>>, %arg4: memref<11526144xf32, #tpu.memory_space<hbm>>, %arg5: memref<15008xf32, #tpu.memory_space<vmem>>, %arg6: memref<15008xf32, #tpu.memory_space<vmem>>, %arg7: memref<15200xf32, #tpu.memory_space<vmem>>, %arg8: memref<15200xf32, #tpu.memory_space<vmem>>, %arg9: memref<608xf32, #tpu.memory_space<vmem>>, %arg10: memref<608xf32, #tpu.memory_space<vmem>>, %arg11: memref<!tpu.dma_semaphore, #tpu.memory_space<semaphore_mem>>, %arg12: memref<!tpu.dma_semaphore, #tpu.memory_space<semaphore_mem>>, %arg13: memref<!tpu.dma_semaphore, #tpu.memory_space<semaphore_mem>>, %arg14: memref<!tpu.dma_semaphore, #tpu.memory_space<semaphore_mem>>) attributes {dimension_semantics = [#tpu.dimension_semantics<core_parallel>, #tpu.dimension_semantics<subcore_parallel>], iteration_bounds = array<i64: 2, 16>, scalar_prefetch = 0 : i64, scratch_operands = 10 : i64, tpu.core_type = #tpu.core_type<sc_vector_subcore>, window_params = [{transform_indices = #map}, {transform_indices = #map}, {transform_indices = #map}]} {
    %mul3A = arith.constant 2 : i32
    %mul3A_0 = arith.muli %arg1, %mul3A : i32
    %add3A = arith.addi %mul3A_0, %arg0 : i32
    %mul3A_1 = arith.constant 24 : i32
    %mul3A_2 = arith.muli %add3A, %mul3A_1 : i32
    %jit3A = arith.constant 3 : i32
    %div3A = arith.divsi %mul3A_2, %jit3A : i32
    %sign3A = arith.constant 0 : i32
    %sign3A_3 = arith.cmpi sgt, %mul3A_2, %sign3A : i32
    %sign3A_4 = arith.extui %sign3A_3 : i1 to i32
    %sign3A_5 = arith.constant 0 : i32
    %sign3A_6 = arith.cmpi slt, %mul3A_2, %sign3A_5 : i32
    %sign3A_7 = arith.extui %sign3A_6 : i1 to i32
    %sign3A_8 = arith.subi %sign3A_4, %sign3A_7 : i32
    %sign3A_9 = arith.constant 0 : i32
    %sign3A_10 = arith.cmpi sgt, %jit3A, %sign3A_9 : i32
    %sign3A_11 = arith.extui %sign3A_10 : i1 to i32
    %sign3A_12 = arith.constant 0 : i32
    %sign3A_13 = arith.cmpi slt, %jit3A, %sign3A_12 : i32
    %sign3A_14 = arith.extui %sign3A_13 : i1 to i32
    %sign3A_15 = arith.subi %sign3A_11, %sign3A_14 : i32
    %ne3A = arith.cmpi ne, %sign3A_8, %sign3A_15 : i32
    %rem3A = arith.remsi %mul3A_2, %jit3A : i32
    %ne3A_16 = arith.constant 0 : i32
    %ne3A_17 = arith.cmpi ne, %rem3A, %ne3A_16 : i32
    %and3A = arith.andi %ne3A, %ne3A_17 : i1
    %sub3A = arith.constant 1 : i32
    %sub3A_18 = arith.subi %div3A, %sub3A : i32
    %select_n3A = arith.select %and3A, %sub3A_18, %div3A : i32
    %mul3A_19 = arith.constant 608 : i32
    %mul3A_20 = arith.muli %select_n3A, %mul3A_19 : i32
    %dma_start3A = tpu.memref_slice %arg3[%mul3A_20] : memref<155648xf32, #tpu.memory_space<hbm>> -> memref<608xf32, #tpu.memory_space<hbm>>
    %dma_start3A_21 = tpu.memref_slice %arg3[%mul3A_20] : memref<155648xf32, #tpu.memory_space<hbm>> -> memref<608xf32, #tpu.memory_space<hbm>>
    tpu.enqueue_dma source(%dma_start3A_21 : memref<608xf32, #tpu.memory_space<hbm>>) target(%arg9 : memref<608xf32, #tpu.memory_space<vmem>>) target_semaphore(%arg11 : memref<!tpu.dma_semaphore, #tpu.memory_space<semaphore_mem>>)
    %mul3A_22 = arith.constant 15008 : i32
    %mul3A_23 = arith.muli %mul3A_2, %mul3A_22 : i32
    %dma_start3A_24 = tpu.memref_slice %arg2[%mul3A_23] : memref<11526144xf32, #tpu.memory_space<hbm>> -> memref<15008xf32, #tpu.memory_space<hbm>>
    %dma_start3A_25 = tpu.memref_slice %arg2[%mul3A_23] : memref<11526144xf32, #tpu.memory_space<hbm>> -> memref<15008xf32, #tpu.memory_space<hbm>>
    tpu.enqueue_dma source(%dma_start3A_25 : memref<15008xf32, #tpu.memory_space<hbm>>) target(%arg5 : memref<15008xf32, #tpu.memory_space<vmem>>) target_semaphore(%arg11 : memref<!tpu.dma_semaphore, #tpu.memory_space<semaphore_mem>>)
    %add3A_26 = arith.constant 1 : i32
    %add3A_27 = arith.addi %mul3A_2, %add3A_26 : i32
    %jit3A_28 = arith.constant 3 : i32
    %div3A_29 = arith.divsi %add3A_27, %jit3A_28 : i32
    %sign3A_30 = arith.constant 0 : i32
    %sign3A_31 = arith.cmpi sgt, %add3A_27, %sign3A_30 : i32
    %sign3A_32 = arith.extui %sign3A_31 : i1 to i32
    %sign3A_33 = arith.constant 0 : i32
    %sign3A_34 = arith.cmpi slt, %add3A_27, %sign3A_33 : i32
    %sign3A_35 = arith.extui %sign3A_34 : i1 to i32
    %sign3A_36 = arith.subi %sign3A_32, %sign3A_35 : i32
    %sign3A_37 = arith.constant 0 : i32
    %sign3A_38 = arith.cmpi sgt, %jit3A_28, %sign3A_37 : i32
    %sign3A_39 = arith.extui %sign3A_38 : i1 to i32
    %sign3A_40 = arith.constant 0 : i32
    %sign3A_41 = arith.cmpi slt, %jit3A_28, %sign3A_40 : i32
    %sign3A_42 = arith.extui %sign3A_41 : i1 to i32
    %sign3A_43 = arith.subi %sign3A_39, %sign3A_42 : i32
    %ne3A_44 = arith.cmpi ne, %sign3A_36, %sign3A_43 : i32
    %rem3A_45 = arith.remsi %add3A_27, %jit3A_28 : i32
    %ne3A_46 = arith.constant 0 : i32
    %ne3A_47 = arith.cmpi ne, %rem3A_45, %ne3A_46 : i32
    %and3A_48 = arith.andi %ne3A_44, %ne3A_47 : i1
    %sub3A_49 = arith.constant 1 : i32
    %sub3A_50 = arith.subi %div3A_29, %sub3A_49 : i32
    %select_n3A_51 = arith.select %and3A_48, %sub3A_50, %div3A_29 : i32
    %mul3A_52 = arith.constant 608 : i32
    %mul3A_53 = arith.muli %select_n3A_51, %mul3A_52 : i32
    %dma_start3A_54 = tpu.memref_slice %arg3[%mul3A_53] : memref<155648xf32, #tpu.memory_space<hbm>> -> memref<608xf32, #tpu.memory_space<hbm>>
    %dma_start3A_55 = tpu.memref_slice %arg3[%mul3A_53] : memref<155648xf32, #tpu.memory_space<hbm>> -> memref<608xf32, #tpu.memory_space<hbm>>
    tpu.enqueue_dma source(%dma_start3A_55 : memref<608xf32, #tpu.memory_space<hbm>>) target(%arg10 : memref<608xf32, #tpu.memory_space<vmem>>) target_semaphore(%arg12 : memref<!tpu.dma_semaphore, #tpu.memory_space<semaphore_mem>>)
    %mul3A_56 = arith.constant 15008 : i32
    %mul3A_57 = arith.muli %add3A_27, %mul3A_56 : i32
    %dma_start3A_58 = tpu.memref_slice %arg2[%mul3A_57] : memref<11526144xf32, #tpu.memory_space<hbm>> -> memref<15008xf32, #tpu.memory_space<hbm>>
    %dma_start3A_59 = tpu.memref_slice %arg2[%mul3A_57] : memref<11526144xf32, #tpu.memory_space<hbm>> -> memref<15008xf32, #tpu.memory_space<hbm>>
    tpu.enqueue_dma source(%dma_start3A_59 : memref<15008xf32, #tpu.memory_space<hbm>>) target(%arg6 : memref<15008xf32, #tpu.memory_space<vmem>>) target_semaphore(%arg12 : memref<!tpu.dma_semaphore, #tpu.memory_space<semaphore_mem>>)
    %scan3A = arith.constant 0 : i32
    %scan3A_60 = arith.constant 0 : i32
    %scan3A_61 = arith.constant 12 : i32
    %scan3A_62 = arith.addi %scan3A_60, %scan3A_61 : i32
    %scan3A_63 = arith.constant 1 : i32
    scf.for %scan3A_80 = %scan3A_60 to %scan3A_62 step %scan3A_63  : i32 {
      %mul3A_81 = arith.constant 2 : i32
      %mul3A_82 = arith.muli %scan3A_80, %mul3A_81 : i32
      %add3A_83 = arith.addi %mul3A_2, %mul3A_82 : i32
      %add3A_84 = arith.constant 0 : i32
      %add3A_85 = arith.addi %add3A_83, %add3A_84 : i32
      %dma_wait3A_86 = arith.constant 0 : i32
      %dma_wait3A_87 = tpu.memref_slice %arg3[%dma_wait3A_86] : memref<155648xf32, #tpu.memory_space<hbm>> -> memref<608xf32, #tpu.memory_space<hbm>>
      %dma_wait3A_88 = arith.constant 0 : i32
      %dma_wait3A_89 = tpu.memref_slice %arg3[%dma_wait3A_88] : memref<155648xf32, #tpu.memory_space<hbm>> -> memref<608xf32, #tpu.memory_space<hbm>>
      tpu.wait_dma2 semaphore(%arg11 : memref<!tpu.dma_semaphore, #tpu.memory_space<semaphore_mem>>) src(%dma_wait3A_89 : memref<608xf32, #tpu.memory_space<hbm>>) dst(%arg9 : memref<608xf32, #tpu.memory_space<vmem>>)
      %dma_wait3A_90 = arith.constant 0 : i32
      %dma_wait3A_91 = tpu.memref_slice %arg2[%dma_wait3A_90] : memref<11526144xf32, #tpu.memory_space<hbm>> -> memref<15008xf32, #tpu.memory_space<hbm>>
      %dma_wait3A_92 = arith.constant 0 : i32
      %dma_wait3A_93 = tpu.memref_slice %arg2[%dma_wait3A_92] : memref<11526144xf32, #tpu.memory_space<hbm>> -> memref<15008xf32, #tpu.memory_space<hbm>>
      tpu.wait_dma2 semaphore(%arg11 : memref<!tpu.dma_semaphore, #tpu.memory_space<semaphore_mem>>) src(%dma_wait3A_93 : memref<15008xf32, #tpu.memory_space<hbm>>) dst(%arg5 : memref<15008xf32, #tpu.memory_space<vmem>>)
      %gt3A = arith.constant 0 : i32
      %gt3A_94 = arith.cmpi sgt, %scan3A_80, %gt3A : i32
      %convert_element_type3A = arith.extui %gt3A_94 : i1 to i32
      %cond3A = arith.constant 0 : i32
      %cond3A_95 = arith.cmpi ne, %convert_element_type3A, %cond3A : i32
      scf.if %cond3A_95 {
        %dma_wait3A_152 = arith.constant 0 : i32
        %dma_wait3A_153 = tpu.memref_slice %arg7[%dma_wait3A_152] : memref<15200xf32, #tpu.memory_space<vmem>> -> memref<15008xf32, #tpu.memory_space<vmem>>
        %dma_wait3A_154 = arith.constant 0 : i32
        %dma_wait3A_155 = tpu.memref_slice %arg4[%dma_wait3A_154] : memref<11526144xf32, #tpu.memory_space<hbm>> -> memref<15008xf32, #tpu.memory_space<hbm>>
        %dma_wait3A_156 = arith.constant 0 : i32
        %dma_wait3A_157 = tpu.memref_slice %arg4[%dma_wait3A_156] : memref<11526144xf32, #tpu.memory_space<hbm>> -> memref<15008xf32, #tpu.memory_space<hbm>>
        %dma_wait3A_158 = arith.constant 0 : i32
        %dma_wait3A_159 = tpu.memref_slice %arg7[%dma_wait3A_158] : memref<15200xf32, #tpu.memory_space<vmem>> -> memref<15008xf32, #tpu.memory_space<vmem>>
        tpu.wait_dma2 semaphore(%arg13 : memref<!tpu.dma_semaphore, #tpu.memory_space<semaphore_mem>>) src(%dma_wait3A_159 : memref<15008xf32, #tpu.memory_space<vmem>>) dst(%dma_wait3A_157 : memref<15008xf32, #tpu.memory_space<hbm>>)
      } else {
      }
      %iota3A = tpu.iota {dimensions = array<i32: 0>} : vector<16xi32>
      %scan3A_96 = arith.constant 0 : i32
      %scan3A_97 = arith.constant 0 : i32
      %scan3A_98 = arith.constant 19 : i32
      %scan3A_99 = arith.addi %scan3A_97, %scan3A_98 : i32
      %scan3A_100 = arith.constant 1 : i32
      scf.for %scan3A_152 = %scan3A_97 to %scan3A_99 step %scan3A_100  : i32 {
        %mul3A_153 = arith.constant 16 : i32
        %mul3A_154 = arith.muli %scan3A_152, %mul3A_153 : i32
        %get3A = arith.index_cast %mul3A_154 : i32 to index
        %get3A_155 = tpu.vector_load %arg9[%get3A] {strides = array<i32>} : memref<608xf32, #tpu.memory_space<vmem>>, vector<16xf32>,
        %mul3A_156 = arith.constant 16 : i32
        %mul3A_157 = arith.muli %scan3A_152, %mul3A_156 : i32
        %add3A_158 = arith.constant 304 : i32
        %add3A_159 = arith.addi %add3A_158, %mul3A_157 : i32
        %get3A_160 = arith.index_cast %add3A_159 : i32 to index
        %get3A_161 = tpu.vector_load %arg9[%get3A_160] {strides = array<i32>} : memref<608xf32, #tpu.memory_space<vmem>>, vector<16xf32>,
        %convert_element_type3A_162 = arith.fptosi %get3A_155 : vector<16xf32> to vector<16xi32>
        %add3A_163 = arith.constant 1 : i32
        %add3A_164 = vector.broadcast %add3A_163 : i32 to vector<16xi32>
        %add3A_165 = arith.addi %convert_element_type3A_162, %add3A_164 : vector<16xi32>
        %min3A = arith.constant 299 : i32
        %min3A_166 = vector.broadcast %min3A : i32 to vector<16xi32>
        %min3A_167 = arith.minsi %add3A_165, %min3A_166 : vector<16xi32>
        %mul3A_168 = arith.constant 50 : i32
        %mul3A_169 = vector.broadcast %mul3A_168 : i32 to vector<16xi32>
        %mul3A_170 = arith.muli %convert_element_type3A_162, %mul3A_169 : vector<16xi32>
        %mul3A_171 = arith.constant 50 : i32
        %mul3A_172 = vector.broadcast %mul3A_171 : i32 to vector<16xi32>
        %mul3A_173 = arith.muli %min3A_167, %mul3A_172 : vector<16xi32>
        %mul3A_174 = arith.constant 16 : i32
        %mul3A_175 = arith.muli %scan3A_152, %mul3A_174 : i32
        %add3A_176 = vector.broadcast %mul3A_175 : i32 to vector<16xi32>
        %add3A_177 = arith.addi %add3A_176, %iota3A : vector<16xi32>
        %mul3A_178 = arith.constant 50 : i32
        %mul3A_179 = vector.broadcast %mul3A_178 : i32 to vector<16xi32>
        %mul3A_180 = arith.muli %add3A_177, %mul3A_179 : vector<16xi32>
        %gather3A = tpu.vector_load_idx %arg5[%mul3A_170] : memref<15008xf32, #tpu.memory_space<vmem>>[vector<16xi32>], vector<16xf32>,
        %gather3A_181 = tpu.vector_load_idx %arg5[%mul3A_173] : memref<15008xf32, #tpu.memory_space<vmem>>[vector<16xi32>], vector<16xf32>,
        %sub3A_182 = arith.subf %gather3A_181, %gather3A : vector<16xf32>
        %mul3A_183 = arith.mulf %get3A_161, %sub3A_182 : vector<16xf32>
        %add3A_184 = arith.addf %gather3A, %mul3A_183 : vector<16xf32>
        tpu.vector_store_idx %arg7[%mul3A_180], %add3A_184 : memref<15200xf32, #tpu.memory_space<vmem>>[vector<16xi32>], vector<16xf32>,
        %add3A_185 = arith.constant 1 : i32
        %add3A_186 = vector.broadcast %add3A_185 : i32 to vector<16xi32>
        %add3A_187 = arith.addi %mul3A_170, %add3A_186 : vector<16xi32>
        %add3A_188 = arith.constant 1 : i32
        %add3A_189 = vector.broadcast %add3A_188 : i32 to vector<16xi32>
        %add3A_190 = arith.addi %mul3A_173, %add3A_189 : vector<16xi32>
        %add3A_191 = arith.constant 1 : i32
        %add3A_192 = vector.broadcast %add3A_191 : i32 to vector<16xi32>
        %add3A_193 = arith.addi %mul3A_180, %add3A_192 : vector<16xi32>
        %gather3A_194 = tpu.vector_load_idx %arg5[%add3A_187] : memref<15008xf32, #tpu.memory_space<vmem>>[vector<16xi32>], vector<16xf32>,
        %gather3A_195 = tpu.vector_load_idx %arg5[%add3A_190] : memref<15008xf32, #tpu.memory_space<vmem>>[vector<16xi32>], vector<16xf32>,
        %sub3A_196 = arith.subf %gather3A_195, %gather3A_194 : vector<16xf32>
        %mul3A_197 = arith.mulf %get3A_161, %sub3A_196 : vector<16xf32>
        %add3A_198 = arith.addf %gather3A_194, %mul3A_197 : vector<16xf32>
        tpu.vector_store_idx %arg7[%add3A_193], %add3A_198 : memref<15200xf32, #tpu.memory_space<vmem>>[vector<16xi32>], vector<16xf32>,
        %add3A_199 = arith.constant 1 : i32
        %add3A_200 = vector.broadcast %add3A_199 : i32 to vector<16xi32>
        %add3A_201 = arith.addi %add3A_187, %add3A_200 : vector<16xi32>
        %add3A_202 = arith.constant 1 : i32
        %add3A_203 = vector.broadcast %add3A_202 : i32 to vector<16xi32>
        %add3A_204 = arith.addi %add3A_190, %add3A_203 : vector<16xi32>
        %add3A_205 = arith.constant 1 : i32
        %add3A_206 = vector.broadcast %add3A_205 : i32 to vector<16xi32>
        %add3A_207 = arith.addi %add3A_193, %add3A_206 : vector<16xi32>
        %gather3A_208 = tpu.vector_load_idx %arg5[%add3A_201] : memref<15008xf32, #tpu.memory_space<vmem>>[vector<16xi32>], vector<16xf32>,
        %gather3A_209 = tpu.vector_load_idx %arg5[%add3A_204] : memref<15008xf32, #tpu.memory_space<vmem>>[vector<16xi32>], vector<16xf32>,
        %sub3A_210 = arith.subf %gather3A_209, %gather3A_208 : vector<16xf32>
        %mul3A_211 = arith.mulf %get3A_161, %sub3A_210 : vector<16xf32>
        %add3A_212 = arith.addf %gather3A_208, %mul3A_211 : vector<16xf32>
        tpu.vector_store_idx %arg7[%add3A_207], %add3A_212 : memref<15200xf32, #tpu.memory_space<vmem>>[vector<16xi32>], vector<16xf32>,
        %add3A_213 = arith.constant 1 : i32
        %add3A_214 = vector.broadcast %add3A_213 : i32 to vector<16xi32>
        %add3A_215 = arith.addi %add3A_201, %add3A_214 : vector<16xi32>
        %add3A_216 = arith.constant 1 : i32
        %add3A_217 = vector.broadcast %add3A_216 : i32 to vector<16xi32>
        %add3A_218 = arith.addi %add3A_204, %add3A_217 : vector<16xi32>
        %add3A_219 = arith.constant 1 : i32
        %add3A_220 = vector.broadcast %add3A_219 : i32 to vector<16xi32>
        %add3A_221 = arith.addi %add3A_207, %add3A_220 : vector<16xi32>
        %gather3A_222 = tpu.vector_load_idx %arg5[%add3A_215] : memref<15008xf32, #tpu.memory_space<vmem>>[vector<16xi32>], vector<16xf32>,
        %gather3A_223 = tpu.vector_load_idx %arg5[%add3A_218] : memref<15008xf32, #tpu.memory_space<vmem>>[vector<16xi32>], vector<16xf32>,
        %sub3A_224 = arith.subf %gather3A_223, %gather3A_222 : vector<16xf32>
        %mul3A_225 = arith.mulf %get3A_161, %sub3A_224 : vector<16xf32>
        %add3A_226 = arith.addf %gather3A_222, %mul3A_225 : vector<16xf32>
        tpu.vector_store_idx %arg7[%add3A_221], %add3A_226 : memref<15200xf32, #tpu.memory_space<vmem>>[vector<16xi32>], vector<16xf32>,
        %add3A_227 = arith.constant 1 : i32
        %add3A_228 = vector.broadcast %add3A_227 : i32 to vector<16xi32>
        %add3A_229 = arith.addi %add3A_215, %add3A_228 : vector<16xi32>
        %add3A_230 = arith.constant 1 : i32
        %add3A_231 = vector.broadcast %add3A_230 : i32 to vector<16xi32>
        %add3A_232 = arith.addi %add3A_218, %add3A_231 : vector<16xi32>
        %add3A_233 = arith.constant 1 : i32
        %add3A_234 = vector.broadcast %add3A_233 : i32 to vector<16xi32>
        %add3A_235 = arith.addi %add3A_221, %add3A_234 : vector<16xi32>
        %gather3A_236 = tpu.vector_load_idx %arg5[%add3A_229] : memref<15008xf32, #tpu.memory_space<vmem>>[vector<16xi32>], vector<16xf32>,
        %gather3A_237 = tpu.vector_load_idx %arg5[%add3A_232] : memref<15008xf32, #tpu.memory_space<vmem>>[vector<16xi32>], vector<16xf32>,
        %sub3A_238 = arith.subf %gather3A_237, %gather3A_236 : vector<16xf32>
        %mul3A_239 = arith.mulf %get3A_161, %sub3A_238 : vector<16xf32>
        %add3A_240 = arith.addf %gather3A_236, %mul3A_239 : vector<16xf32>
        tpu.vector_store_idx %arg7[%add3A_235], %add3A_240 : memref<15200xf32, #tpu.memory_space<vmem>>[vector<16xi32>], vector<16xf32>,
        %add3A_241 = arith.constant 1 : i32
        %add3A_242 = vector.broadcast %add3A_241 : i32 to vector<16xi32>
        %add3A_243 = arith.addi %add3A_229, %add3A_242 : vector<16xi32>
        %add3A_244 = arith.constant 1 : i32
        %add3A_245 = vector.broadcast %add3A_244 : i32 to vector<16xi32>
        %add3A_246 = arith.addi %add3A_232, %add3A_245 : vector<16xi32>
        %add3A_247 = arith.constant 1 : i32
        %add3A_248 = vector.broadcast %add3A_247 : i32 to vector<16xi32>
        %add3A_249 = arith.addi %add3A_235, %add3A_248 : vector<16xi32>
        %gather3A_250 = tpu.vector_load_idx %arg5[%add3A_243] : memref<15008xf32, #tpu.memory_space<vmem>>[vector<16xi32>], vector<16xf32>,
        %gather3A_251 = tpu.vector_load_idx %arg5[%add3A_246] : memref<15008xf32, #tpu.memory_space<vmem>>[vector<16xi32>], vector<16xf32>,
        %sub3A_252 = arith.subf %gather3A_251, %gather3A_250 : vector<16xf32>
        %mul3A_253 = arith.mulf %get3A_161, %sub3A_252 : vector<16xf32>
        %add3A_254 = arith.addf %gather3A_250, %mul3A_253 : vector<16xf32>
        tpu.vector_store_idx %arg7[%add3A_249], %add3A_254 : memref<15200xf32, #tpu.memory_space<vmem>>[vector<16xi32>], vector<16xf32>,
        %add3A_255 = arith.constant 1 : i32
        %add3A_256 = vector.broadcast %add3A_255 : i32 to vector<16xi32>
        %add3A_257 = arith.addi %add3A_243, %add3A_256 : vector<16xi32>
        %add3A_258 = arith.constant 1 : i32
        %add3A_259 = vector.broadcast %add3A_258 : i32 to vector<16xi32>
        %add3A_260 = arith.addi %add3A_246, %add3A_259 : vector<16xi32>
        %add3A_261 = arith.constant 1 : i32
        %add3A_262 = vector.broadcast %add3A_261 : i32 to vector<16xi32>
        %add3A_263 = arith.addi %add3A_249, %add3A_262 : vector<16xi32>
        %gather3A_264 = tpu.vector_load_idx %arg5[%add3A_257] : memref<15008xf32, #tpu.memory_space<vmem>>[vector<16xi32>], vector<16xf32>,
        %gather3A_265 = tpu.vector_load_idx %arg5[%add3A_260] : memref<15008xf32, #tpu.memory_space<vmem>>[vector<16xi32>], vector<16xf32>,
        %sub3A_266 = arith.subf %gather3A_265, %gather3A_264 : vector<16xf32>
        %mul3A_267 = arith.mulf %get3A_161, %sub3A_266 : vector<16xf32>
        %add3A_268 = arith.addf %gather3A_264, %mul3A_267 : vector<16xf32>
        tpu.vector_store_idx %arg7[%add3A_263], %add3A_268 : memref<15200xf32, #tpu.memory_space<vmem>>[vector<16xi32>], vector<16xf32>,
        %add3A_269 = arith.constant 1 : i32
        %add3A_270 = vector.broadcast %add3A_269 : i32 to vector<16xi32>
        %add3A_271 = arith.addi %add3A_257, %add3A_270 : vector<16xi32>
        %add3A_272 = arith.constant 1 : i32
        %add3A_273 = vector.broadcast %add3A_272 : i32 to vector<16xi32>
        %add3A_274 = arith.addi %add3A_260, %add3A_273 : vector<16xi32>
        %add3A_275 = arith.constant 1 : i32
        %add3A_276 = vector.broadcast %add3A_275 : i32 to vector<16xi32>
        %add3A_277 = arith.addi %add3A_263, %add3A_276 : vector<16xi32>
        %gather3A_278 = tpu.vector_load_idx %arg5[%add3A_271] : memref<15008xf32, #tpu.memory_space<vmem>>[vector<16xi32>], vector<16xf32>,
        %gather3A_279 = tpu.vector_load_idx %arg5[%add3A_274] : memref<15008xf32, #tpu.memory_space<vmem>>[vector<16xi32>], vector<16xf32>,
        %sub3A_280 = arith.subf %gather3A_279, %gather3A_278 : vector<16xf32>
        %mul3A_281 = arith.mulf %get3A_161, %sub3A_280 : vector<16xf32>
        %add3A_282 = arith.addf %gather3A_278, %mul3A_281 : vector<16xf32>
        tpu.vector_store_idx %arg7[%add3A_277], %add3A_282 : memref<15200xf32, #tpu.memory_space<vmem>>[vector<16xi32>], vector<16xf32>,
        %add3A_283 = arith.constant 1 : i32
        %add3A_284 = vector.broadcast %add3A_283 : i32 to vector<16xi32>
        %add3A_285 = arith.addi %add3A_271, %add3A_284 : vector<16xi32>
        %add3A_286 = arith.constant 1 : i32
        %add3A_287 = vector.broadcast %add3A_286 : i32 to vector<16xi32>
        %add3A_288 = arith.addi %add3A_274, %add3A_287 : vector<16xi32>
        %add3A_289 = arith.constant 1 : i32
        %add3A_290 = vector.broadcast %add3A_289 : i32 to vector<16xi32>
        %add3A_291 = arith.addi %add3A_277, %add3A_290 : vector<16xi32>
        %gather3A_292 = tpu.vector_load_idx %arg5[%add3A_285] : memref<15008xf32, #tpu.memory_space<vmem>>[vector<16xi32>], vector<16xf32>,
        %gather3A_293 = tpu.vector_load_idx %arg5[%add3A_288] : memref<15008xf32, #tpu.memory_space<vmem>>[vector<16xi32>], vector<16xf32>,
        %sub3A_294 = arith.subf %gather3A_293, %gather3A_292 : vector<16xf32>
        %mul3A_295 = arith.mulf %get3A_161, %sub3A_294 : vector<16xf32>
        %add3A_296 = arith.addf %gather3A_292, %mul3A_295 : vector<16xf32>
        tpu.vector_store_idx %arg7[%add3A_291], %add3A_296 : memref<15200xf32, #tpu.memory_space<vmem>>[vector<16xi32>], vector<16xf32>,
        %add3A_297 = arith.constant 1 : i32
        %add3A_298 = vector.broadcast %add3A_297 : i32 to vector<16xi32>
        %add3A_299 = arith.addi %add3A_285, %add3A_298 : vector<16xi32>
        %add3A_300 = arith.constant 1 : i32
        %add3A_301 = vector.broadcast %add3A_300 : i32 to vector<16xi32>
        %add3A_302 = arith.addi %add3A_288, %add3A_301 : vector<16xi32>
        %add3A_303 = arith.constant 1 : i32
        %add3A_304 = vector.broadcast %add3A_303 : i32 to vector<16xi32>
        %add3A_305 = arith.addi %add3A_291, %add3A_304 : vector<16xi32>
        %gather3A_306 = tpu.vector_load_idx %arg5[%add3A_299] : memref<15008xf32, #tpu.memory_space<vmem>>[vector<16xi32>], vector<16xf32>,
        %gather3A_307 = tpu.vector_load_idx %arg5[%add3A_302] : memref<15008xf32, #tpu.memory_space<vmem>>[vector<16xi32>], vector<16xf32>,
        %sub3A_308 = arith.subf %gather3A_307, %gather3A_306 : vector<16xf32>
        %mul3A_309 = arith.mulf %get3A_161, %sub3A_308 : vector<16xf32>
        %add3A_310 = arith.addf %gather3A_306, %mul3A_309 : vector<16xf32>
        tpu.vector_store_idx %arg7[%add3A_305], %add3A_310 : memref<15200xf32, #tpu.memory_space<vmem>>[vector<16xi32>], vector<16xf32>,
        %add3A_311 = arith.constant 1 : i32
        %add3A_312 = vector.broadcast %add3A_311 : i32 to vector<16xi32>
        %add3A_313 = arith.addi %add3A_299, %add3A_312 : vector<16xi32>
        %add3A_314 = arith.constant 1 : i32
        %add3A_315 = vector.broadcast %add3A_314 : i32 to vector<16xi32>
        %add3A_316 = arith.addi %add3A_302, %add3A_315 : vector<16xi32>
        %add3A_317 = arith.constant 1 : i32
        %add3A_318 = vector.broadcast %add3A_317 : i32 to vector<16xi32>
        %add3A_319 = arith.addi %add3A_305, %add3A_318 : vector<16xi32>
        %gather3A_320 = tpu.vector_load_idx %arg5[%add3A_313] : memref<15008xf32, #tpu.memory_space<vmem>>[vector<16xi32>], vector<16xf32>,
        %gather3A_321 = tpu.vector_load_idx %arg5[%add3A_316] : memref<15008xf32, #tpu.memory_space<vmem>>[vector<16xi32>], vector<16xf32>,
        %sub3A_322 = arith.subf %gather3A_321, %gather3A_320 : vector<16xf32>
        %mul3A_323 = arith.mulf %get3A_161, %sub3A_322 : vector<16xf32>
        %add3A_324 = arith.addf %gather3A_320, %mul3A_323 : vector<16xf32>
        tpu.vector_store_idx %arg7[%add3A_319], %add3A_324 : memref<15200xf32, #tpu.memory_space<vmem>>[vector<16xi32>], vector<16xf32>,
        %add3A_325 = arith.constant 1 : i32
        %add3A_326 = vector.broadcast %add3A_325 : i32 to vector<16xi32>
        %add3A_327 = arith.addi %add3A_313, %add3A_326 : vector<16xi32>
        %add3A_328 = arith.constant 1 : i32
        %add3A_329 = vector.broadcast %add3A_328 : i32 to vector<16xi32>
        %add3A_330 = arith.addi %add3A_316, %add3A_329 : vector<16xi32>
        %add3A_331 = arith.constant 1 : i32
        %add3A_332 = vector.broadcast %add3A_331 : i32 to vector<16xi32>
        %add3A_333 = arith.addi %add3A_319, %add3A_332 : vector<16xi32>
        %gather3A_334 = tpu.vector_load_idx %arg5[%add3A_327] : memref<15008xf32, #tpu.memory_space<vmem>>[vector<16xi32>], vector<16xf32>,
        %gather3A_335 = tpu.vector_load_idx %arg5[%add3A_330] : memref<15008xf32, #tpu.memory_space<vmem>>[vector<16xi32>], vector<16xf32>,
        %sub3A_336 = arith.subf %gather3A_335, %gather3A_334 : vector<16xf32>
        %mul3A_337 = arith.mulf %get3A_161, %sub3A_336 : vector<16xf32>
        %add3A_338 = arith.addf %gather3A_334, %mul3A_337 : vector<16xf32>
        tpu.vector_store_idx %arg7[%add3A_333], %add3A_338 : memref<15200xf32, #tpu.memory_space<vmem>>[vector<16xi32>], vector<16xf32>,
        %add3A_339 = arith.constant 1 : i32
        %add3A_340 = vector.broadcast %add3A_339 : i32 to vector<16xi32>
        %add3A_341 = arith.addi %add3A_327, %add3A_340 : vector<16xi32>
        %add3A_342 = arith.constant 1 : i32
        %add3A_343 = vector.broadcast %add3A_342 : i32 to vector<16xi32>
        %add3A_344 = arith.addi %add3A_330, %add3A_343 : vector<16xi32>
        %add3A_345 = arith.constant 1 : i32
        %add3A_346 = vector.broadcast %add3A_345 : i32 to vector<16xi32>
        %add3A_347 = arith.addi %add3A_333, %add3A_346 : vector<16xi32>
        %gather3A_348 = tpu.vector_load_idx %arg5[%add3A_341] : memref<15008xf32, #tpu.memory_space<vmem>>[vector<16xi32>], vector<16xf32>,
        %gather3A_349 = tpu.vector_load_idx %arg5[%add3A_344] : memref<15008xf32, #tpu.memory_space<vmem>>[vector<16xi32>], vector<16xf32>,
        %sub3A_350 = arith.subf %gather3A_349, %gather3A_348 : vector<16xf32>
        %mul3A_351 = arith.mulf %get3A_161, %sub3A_350 : vector<16xf32>
        %add3A_352 = arith.addf %gather3A_348, %mul3A_351 : vector<16xf32>
        tpu.vector_store_idx %arg7[%add3A_347], %add3A_352 : memref<15200xf32, #tpu.memory_space<vmem>>[vector<16xi32>], vector<16xf32>,
        %add3A_353 = arith.constant 1 : i32
        %add3A_354 = vector.broadcast %add3A_353 : i32 to vector<16xi32>
        %add3A_355 = arith.addi %add3A_341, %add3A_354 : vector<16xi32>
        %add3A_356 = arith.constant 1 : i32
        %add3A_357 = vector.broadcast %add3A_356 : i32 to vector<16xi32>
        %add3A_358 = arith.addi %add3A_344, %add3A_357 : vector<16xi32>
        %add3A_359 = arith.constant 1 : i32
        %add3A_360 = vector.broadcast %add3A_359 : i32 to vector<16xi32>
        %add3A_361 = arith.addi %add3A_347, %add3A_360 : vector<16xi32>
        %gather3A_362 = tpu.vector_load_idx %arg5[%add3A_355] : memref<15008xf32, #tpu.memory_space<vmem>>[vector<16xi32>], vector<16xf32>,
        %gather3A_363 = tpu.vector_load_idx %arg5[%add3A_358] : memref<15008xf32, #tpu.memory_space<vmem>>[vector<16xi32>], vector<16xf32>,
        %sub3A_364 = arith.subf %gather3A_363, %gather3A_362 : vector<16xf32>
        %mul3A_365 = arith.mulf %get3A_161, %sub3A_364 : vector<16xf32>
        %add3A_366 = arith.addf %gather3A_362, %mul3A_365 : vector<16xf32>
        tpu.vector_store_idx %arg7[%add3A_361], %add3A_366 : memref<15200xf32, #tpu.memory_space<vmem>>[vector<16xi32>], vector<16xf32>,
        %add3A_367 = arith.constant 1 : i32
        %add3A_368 = vector.broadcast %add3A_367 : i32 to vector<16xi32>
        %add3A_369 = arith.addi %add3A_355, %add3A_368 : vector<16xi32>
        %add3A_370 = arith.constant 1 : i32
        %add3A_371 = vector.broadcast %add3A_370 : i32 to vector<16xi32>
        %add3A_372 = arith.addi %add3A_358, %add3A_371 : vector<16xi32>
        %add3A_373 = arith.constant 1 : i32
        %add3A_374 = vector.broadcast %add3A_373 : i32 to vector<16xi32>
        %add3A_375 = arith.addi %add3A_361, %add3A_374 : vector<16xi32>
        %gather3A_376 = tpu.vector_load_idx %arg5[%add3A_369] : memref<15008xf32, #tpu.memory_space<vmem>>[vector<16xi32>], vector<16xf32>,
        %gather3A_377 = tpu.vector_load_idx %arg5[%add3A_372] : memref<15008xf32, #tpu.memory_space<vmem>>[vector<16xi32>], vector<16xf32>,
        %sub3A_378 = arith.subf %gather3A_377, %gather3A_376 : vector<16xf32>
        %mul3A_379 = arith.mulf %get3A_161, %sub3A_378 : vector<16xf32>
        %add3A_380 = arith.addf %gather3A_376, %mul3A_379 : vector<16xf32>
        tpu.vector_store_idx %arg7[%add3A_375], %add3A_380 : memref<15200xf32, #tpu.memory_space<vmem>>[vector<16xi32>], vector<16xf32>,
        %add3A_381 = arith.constant 1 : i32
        %add3A_382 = vector.broadcast %add3A_381 : i32 to vector<16xi32>
        %add3A_383 = arith.addi %add3A_369, %add3A_382 : vector<16xi32>
        %add3A_384 = arith.constant 1 : i32
        %add3A_385 = vector.broadcast %add3A_384 : i32 to vector<16xi32>
        %add3A_386 = arith.addi %add3A_372, %add3A_385 : vector<16xi32>
        %add3A_387 = arith.constant 1 : i32
        %add3A_388 = vector.broadcast %add3A_387 : i32 to vector<16xi32>
        %add3A_389 = arith.addi %add3A_375, %add3A_388 : vector<16xi32>
        %gather3A_390 = tpu.vector_load_idx %arg5[%add3A_383] : memref<15008xf32, #tpu.memory_space<vmem>>[vector<16xi32>], vector<16xf32>,
        %gather3A_391 = tpu.vector_load_idx %arg5[%add3A_386] : memref<15008xf32, #tpu.memory_space<vmem>>[vector<16xi32>], vector<16xf32>,
        %sub3A_392 = arith.subf %gather3A_391, %gather3A_390 : vector<16xf32>
        %mul3A_393 = arith.mulf %get3A_161, %sub3A_392 : vector<16xf32>
        %add3A_394 = arith.addf %gather3A_390, %mul3A_393 : vector<16xf32>
        tpu.vector_store_idx %arg7[%add3A_389], %add3A_394 : memref<15200xf32, #tpu.memory_space<vmem>>[vector<16xi32>], vector<16xf32>,
        %add3A_395 = arith.constant 1 : i32
        %add3A_396 = vector.broadcast %add3A_395 : i32 to vector<16xi32>
        %add3A_397 = arith.addi %add3A_383, %add3A_396 : vector<16xi32>
        %add3A_398 = arith.constant 1 : i32
        %add3A_399 = vector.broadcast %add3A_398 : i32 to vector<16xi32>
        %add3A_400 = arith.addi %add3A_386, %add3A_399 : vector<16xi32>
        %add3A_401 = arith.constant 1 : i32
        %add3A_402 = vector.broadcast %add3A_401 : i32 to vector<16xi32>
        %add3A_403 = arith.addi %add3A_389, %add3A_402 : vector<16xi32>
        %gather3A_404 = tpu.vector_load_idx %arg5[%add3A_397] : memref<15008xf32, #tpu.memory_space<vmem>>[vector<16xi32>], vector<16xf32>,
        %gather3A_405 = tpu.vector_load_idx %arg5[%add3A_400] : memref<15008xf32, #tpu.memory_space<vmem>>[vector<16xi32>], vector<16xf32>,
        %sub3A_406 = arith.subf %gather3A_405, %gather3A_404 : vector<16xf32>
        %mul3A_407 = arith.mulf %get3A_161, %sub3A_406 : vector<16xf32>
        %add3A_408 = arith.addf %gather3A_404, %mul3A_407 : vector<16xf32>
        tpu.vector_store_idx %arg7[%add3A_403], %add3A_408 : memref<15200xf32, #tpu.memory_space<vmem>>[vector<16xi32>], vector<16xf32>,
        %add3A_409 = arith.constant 1 : i32
        %add3A_410 = vector.broadcast %add3A_409 : i32 to vector<16xi32>
        %add3A_411 = arith.addi %add3A_397, %add3A_410 : vector<16xi32>
        %add3A_412 = arith.constant 1 : i32
        %add3A_413 = vector.broadcast %add3A_412 : i32 to vector<16xi32>
        %add3A_414 = arith.addi %add3A_400, %add3A_413 : vector<16xi32>
        %add3A_415 = arith.constant 1 : i32
        %add3A_416 = vector.broadcast %add3A_415 : i32 to vector<16xi32>
        %add3A_417 = arith.addi %add3A_403, %add3A_416 : vector<16xi32>
        %gather3A_418 = tpu.vector_load_idx %arg5[%add3A_411] : memref<15008xf32, #tpu.memory_space<vmem>>[vector<16xi32>], vector<16xf32>,
        %gather3A_419 = tpu.vector_load_idx %arg5[%add3A_414] : memref<15008xf32, #tpu.memory_space<vmem>>[vector<16xi32>], vector<16xf32>,
        %sub3A_420 = arith.subf %gather3A_419, %gather3A_418 : vector<16xf32>
        %mul3A_421 = arith.mulf %get3A_161, %sub3A_420 : vector<16xf32>
        %add3A_422 = arith.addf %gather3A_418, %mul3A_421 : vector<16xf32>
        tpu.vector_store_idx %arg7[%add3A_417], %add3A_422 : memref<15200xf32, #tpu.memory_space<vmem>>[vector<16xi32>], vector<16xf32>,
        %add3A_423 = arith.constant 1 : i32
        %add3A_424 = vector.broadcast %add3A_423 : i32 to vector<16xi32>
        %add3A_425 = arith.addi %add3A_411, %add3A_424 : vector<16xi32>
        %add3A_426 = arith.constant 1 : i32
        %add3A_427 = vector.broadcast %add3A_426 : i32 to vector<16xi32>
        %add3A_428 = arith.addi %add3A_414, %add3A_427 : vector<16xi32>
        %add3A_429 = arith.constant 1 : i32
        %add3A_430 = vector.broadcast %add3A_429 : i32 to vector<16xi32>
        %add3A_431 = arith.addi %add3A_417, %add3A_430 : vector<16xi32>
        %gather3A_432 = tpu.vector_load_idx %arg5[%add3A_425] : memref<15008xf32, #tpu.memory_space<vmem>>[vector<16xi32>], vector<16xf32>,
        %gather3A_433 = tpu.vector_load_idx %arg5[%add3A_428] : memref<15008xf32, #tpu.memory_space<vmem>>[vector<16xi32>], vector<16xf32>,
        %sub3A_434 = arith.subf %gather3A_433, %gather3A_432 : vector<16xf32>
        %mul3A_435 = arith.mulf %get3A_161, %sub3A_434 : vector<16xf32>
        %add3A_436 = arith.addf %gather3A_432, %mul3A_435 : vector<16xf32>
        tpu.vector_store_idx %arg7[%add3A_431], %add3A_436 : memref<15200xf32, #tpu.memory_space<vmem>>[vector<16xi32>], vector<16xf32>,
        %add3A_437 = arith.constant 1 : i32
        %add3A_438 = vector.broadcast %add3A_437 : i32 to vector<16xi32>
        %add3A_439 = arith.addi %add3A_425, %add3A_438 : vector<16xi32>
        %add3A_440 = arith.constant 1 : i32
        %add3A_441 = vector.broadcast %add3A_440 : i32 to vector<16xi32>
        %add3A_442 = arith.addi %add3A_428, %add3A_441 : vector<16xi32>
        %add3A_443 = arith.constant 1 : i32
        %add3A_444 = vector.broadcast %add3A_443 : i32 to vector<16xi32>
        %add3A_445 = arith.addi %add3A_431, %add3A_444 : vector<16xi32>
        %gather3A_446 = tpu.vector_load_idx %arg5[%add3A_439] : memref<15008xf32, #tpu.memory_space<vmem>>[vector<16xi32>], vector<16xf32>,
        %gather3A_447 = tpu.vector_load_idx %arg5[%add3A_442] : memref<15008xf32, #tpu.memory_space<vmem>>[vector<16xi32>], vector<16xf32>,
        %sub3A_448 = arith.subf %gather3A_447, %gather3A_446 : vector<16xf32>
        %mul3A_449 = arith.mulf %get3A_161, %sub3A_448 : vector<16xf32>
        %add3A_450 = arith.addf %gather3A_446, %mul3A_449 : vector<16xf32>
        tpu.vector_store_idx %arg7[%add3A_445], %add3A_450 : memref<15200xf32, #tpu.memory_space<vmem>>[vector<16xi32>], vector<16xf32>,
        %add3A_451 = arith.constant 1 : i32
        %add3A_452 = vector.broadcast %add3A_451 : i32 to vector<16xi32>
        %add3A_453 = arith.addi %add3A_439, %add3A_452 : vector<16xi32>
        %add3A_454 = arith.constant 1 : i32
        %add3A_455 = vector.broadcast %add3A_454 : i32 to vector<16xi32>
        %add3A_456 = arith.addi %add3A_442, %add3A_455 : vector<16xi32>
        %add3A_457 = arith.constant 1 : i32
        %add3A_458 = vector.broadcast %add3A_457 : i32 to vector<16xi32>
        %add3A_459 = arith.addi %add3A_445, %add3A_458 : vector<16xi32>
        %gather3A_460 = tpu.vector_load_idx %arg5[%add3A_453] : memref<15008xf32, #tpu.memory_space<vmem>>[vector<16xi32>], vector<16xf32>,
        %gather3A_461 = tpu.vector_load_idx %arg5[%add3A_456] : memref<15008xf32, #tpu.memory_space<vmem>>[vector<16xi32>], vector<16xf32>,
        %sub3A_462 = arith.subf %gather3A_461, %gather3A_460 : vector<16xf32>
        %mul3A_463 = arith.mulf %get3A_161, %sub3A_462 : vector<16xf32>
        %add3A_464 = arith.addf %gather3A_460, %mul3A_463 : vector<16xf32>
        tpu.vector_store_idx %arg7[%add3A_459], %add3A_464 : memref<15200xf32, #tpu.memory_space<vmem>>[vector<16xi32>], vector<16xf32>,
        %add3A_465 = arith.constant 1 : i32
        %add3A_466 = vector.broadcast %add3A_465 : i32 to vector<16xi32>
        %add3A_467 = arith.addi %add3A_453, %add3A_466 : vector<16xi32>
        %add3A_468 = arith.constant 1 : i32
        %add3A_469 = vector.broadcast %add3A_468 : i32 to vector<16xi32>
        %add3A_470 = arith.addi %add3A_456, %add3A_469 : vector<16xi32>
        %add3A_471 = arith.constant 1 : i32
        %add3A_472 = vector.broadcast %add3A_471 : i32 to vector<16xi32>
        %add3A_473 = arith.addi %add3A_459, %add3A_472 : vector<16xi32>
        %gather3A_474 = tpu.vector_load_idx %arg5[%add3A_467] : memref<15008xf32, #tpu.memory_space<vmem>>[vector<16xi32>], vector<16xf32>,
        %gather3A_475 = tpu.vector_load_idx %arg5[%add3A_470] : memref<15008xf32, #tpu.memory_space<vmem>>[vector<16xi32>], vector<16xf32>,
        %sub3A_476 = arith.subf %gather3A_475, %gather3A_474 : vector<16xf32>
        %mul3A_477 = arith.mulf %get3A_161, %sub3A_476 : vector<16xf32>
        %add3A_478 = arith.addf %gather3A_474, %mul3A_477 : vector<16xf32>
        tpu.vector_store_idx %arg7[%add3A_473], %add3A_478 : memref<15200xf32, #tpu.memory_space<vmem>>[vector<16xi32>], vector<16xf32>,
        %add3A_479 = arith.constant 1 : i32
        %add3A_480 = vector.broadcast %add3A_479 : i32 to vector<16xi32>
        %add3A_481 = arith.addi %add3A_467, %add3A_480 : vector<16xi32>
        %add3A_482 = arith.constant 1 : i32
        %add3A_483 = vector.broadcast %add3A_482 : i32 to vector<16xi32>
        %add3A_484 = arith.addi %add3A_470, %add3A_483 : vector<16xi32>
        %add3A_485 = arith.constant 1 : i32
        %add3A_486 = vector.broadcast %add3A_485 : i32 to vector<16xi32>
        %add3A_487 = arith.addi %add3A_473, %add3A_486 : vector<16xi32>
        %gather3A_488 = tpu.vector_load_idx %arg5[%add3A_481] : memref<15008xf32, #tpu.memory_space<vmem>>[vector<16xi32>], vector<16xf32>,
        %gather3A_489 = tpu.vector_load_idx %arg5[%add3A_484] : memref<15008xf32, #tpu.memory_space<vmem>>[vector<16xi32>], vector<16xf32>,
        %sub3A_490 = arith.subf %gather3A_489, %gather3A_488 : vector<16xf32>
        %mul3A_491 = arith.mulf %get3A_161, %sub3A_490 : vector<16xf32>
        %add3A_492 = arith.addf %gather3A_488, %mul3A_491 : vector<16xf32>
        tpu.vector_store_idx %arg7[%add3A_487], %add3A_492 : memref<15200xf32, #tpu.memory_space<vmem>>[vector<16xi32>], vector<16xf32>,
        %add3A_493 = arith.constant 1 : i32
        %add3A_494 = vector.broadcast %add3A_493 : i32 to vector<16xi32>
        %add3A_495 = arith.addi %add3A_481, %add3A_494 : vector<16xi32>
        %add3A_496 = arith.constant 1 : i32
        %add3A_497 = vector.broadcast %add3A_496 : i32 to vector<16xi32>
        %add3A_498 = arith.addi %add3A_484, %add3A_497 : vector<16xi32>
        %add3A_499 = arith.constant 1 : i32
        %add3A_500 = vector.broadcast %add3A_499 : i32 to vector<16xi32>
        %add3A_501 = arith.addi %add3A_487, %add3A_500 : vector<16xi32>
        %gather3A_502 = tpu.vector_load_idx %arg5[%add3A_495] : memref<15008xf32, #tpu.memory_space<vmem>>[vector<16xi32>], vector<16xf32>,
        %gather3A_503 = tpu.vector_load_idx %arg5[%add3A_498] : memref<15008xf32, #tpu.memory_space<vmem>>[vector<16xi32>], vector<16xf32>,
        %sub3A_504 = arith.subf %gather3A_503, %gather3A_502 : vector<16xf32>
        %mul3A_505 = arith.mulf %get3A_161, %sub3A_504 : vector<16xf32>
        %add3A_506 = arith.addf %gather3A_502, %mul3A_505 : vector<16xf32>
        tpu.vector_store_idx %arg7[%add3A_501], %add3A_506 : memref<15200xf32, #tpu.memory_space<vmem>>[vector<16xi32>], vector<16xf32>,
        %add3A_507 = arith.constant 1 : i32
        %add3A_508 = vector.broadcast %add3A_507 : i32 to vector<16xi32>
        %add3A_509 = arith.addi %add3A_495, %add3A_508 : vector<16xi32>
        %add3A_510 = arith.constant 1 : i32
        %add3A_511 = vector.broadcast %add3A_510 : i32 to vector<16xi32>
        %add3A_512 = arith.addi %add3A_498, %add3A_511 : vector<16xi32>
        %add3A_513 = arith.constant 1 : i32
        %add3A_514 = vector.broadcast %add3A_513 : i32 to vector<16xi32>
        %add3A_515 = arith.addi %add3A_501, %add3A_514 : vector<16xi32>
        %gather3A_516 = tpu.vector_load_idx %arg5[%add3A_509] : memref<15008xf32, #tpu.memory_space<vmem>>[vector<16xi32>], vector<16xf32>,
        %gather3A_517 = tpu.vector_load_idx %arg5[%add3A_512] : memref<15008xf32, #tpu.memory_space<vmem>>[vector<16xi32>], vector<16xf32>,
        %sub3A_518 = arith.subf %gather3A_517, %gather3A_516 : vector<16xf32>
        %mul3A_519 = arith.mulf %get3A_161, %sub3A_518 : vector<16xf32>
        %add3A_520 = arith.addf %gather3A_516, %mul3A_519 : vector<16xf32>
        tpu.vector_store_idx %arg7[%add3A_515], %add3A_520 : memref<15200xf32, #tpu.memory_space<vmem>>[vector<16xi32>], vector<16xf32>,
        %add3A_521 = arith.constant 1 : i32
        %add3A_522 = vector.broadcast %add3A_521 : i32 to vector<16xi32>
        %add3A_523 = arith.addi %add3A_509, %add3A_522 : vector<16xi32>
        %add3A_524 = arith.constant 1 : i32
        %add3A_525 = vector.broadcast %add3A_524 : i32 to vector<16xi32>
        %add3A_526 = arith.addi %add3A_512, %add3A_525 : vector<16xi32>
        %add3A_527 = arith.constant 1 : i32
        %add3A_528 = vector.broadcast %add3A_527 : i32 to vector<16xi32>
        %add3A_529 = arith.addi %add3A_515, %add3A_528 : vector<16xi32>
        %gather3A_530 = tpu.vector_load_idx %arg5[%add3A_523] : memref<15008xf32, #tpu.memory_space<vmem>>[vector<16xi32>], vector<16xf32>,
        %gather3A_531 = tpu.vector_load_idx %arg5[%add3A_526] : memref<15008xf32, #tpu.memory_space<vmem>>[vector<16xi32>], vector<16xf32>,
        %sub3A_532 = arith.subf %gather3A_531, %gather3A_530 : vector<16xf32>
        %mul3A_533 = arith.mulf %get3A_161, %sub3A_532 : vector<16xf32>
        %add3A_534 = arith.addf %gather3A_530, %mul3A_533 : vector<16xf32>
        tpu.vector_store_idx %arg7[%add3A_529], %add3A_534 : memref<15200xf32, #tpu.memory_space<vmem>>[vector<16xi32>], vector<16xf32>,
        %add3A_535 = arith.constant 1 : i32
        %add3A_536 = vector.broadcast %add3A_535 : i32 to vector<16xi32>
        %add3A_537 = arith.addi %add3A_523, %add3A_536 : vector<16xi32>
        %add3A_538 = arith.constant 1 : i32
        %add3A_539 = vector.broadcast %add3A_538 : i32 to vector<16xi32>
        %add3A_540 = arith.addi %add3A_526, %add3A_539 : vector<16xi32>
        %add3A_541 = arith.constant 1 : i32
        %add3A_542 = vector.broadcast %add3A_541 : i32 to vector<16xi32>
        %add3A_543 = arith.addi %add3A_529, %add3A_542 : vector<16xi32>
        %gather3A_544 = tpu.vector_load_idx %arg5[%add3A_537] : memref<15008xf32, #tpu.memory_space<vmem>>[vector<16xi32>], vector<16xf32>,
        %gather3A_545 = tpu.vector_load_idx %arg5[%add3A_540] : memref<15008xf32, #tpu.memory_space<vmem>>[vector<16xi32>], vector<16xf32>,
        %sub3A_546 = arith.subf %gather3A_545, %gather3A_544 : vector<16xf32>
        %mul3A_547 = arith.mulf %get3A_161, %sub3A_546 : vector<16xf32>
        %add3A_548 = arith.addf %gather3A_544, %mul3A_547 : vector<16xf32>
        tpu.vector_store_idx %arg7[%add3A_543], %add3A_548 : memref<15200xf32, #tpu.memory_space<vmem>>[vector<16xi32>], vector<16xf32>,
        %add3A_549 = arith.constant 1 : i32
        %add3A_550 = vector.broadcast %add3A_549 : i32 to vector<16xi32>
        %add3A_551 = arith.addi %add3A_537, %add3A_550 : vector<16xi32>
        %add3A_552 = arith.constant 1 : i32
        %add3A_553 = vector.broadcast %add3A_552 : i32 to vector<16xi32>
        %add3A_554 = arith.addi %add3A_540, %add3A_553 : vector<16xi32>
        %add3A_555 = arith.constant 1 : i32
        %add3A_556 = vector.broadcast %add3A_555 : i32 to vector<16xi32>
        %add3A_557 = arith.addi %add3A_543, %add3A_556 : vector<16xi32>
        %gather3A_558 = tpu.vector_load_idx %arg5[%add3A_551] : memref<15008xf32, #tpu.memory_space<vmem>>[vector<16xi32>], vector<16xf32>,
        %gather3A_559 = tpu.vector_load_idx %arg5[%add3A_554] : memref<15008xf32, #tpu.memory_space<vmem>>[vector<16xi32>], vector<16xf32>,
        %sub3A_560 = arith.subf %gather3A_559, %gather3A_558 : vector<16xf32>
        %mul3A_561 = arith.mulf %get3A_161, %sub3A_560 : vector<16xf32>
        %add3A_562 = arith.addf %gather3A_558, %mul3A_561 : vector<16xf32>
        tpu.vector_store_idx %arg7[%add3A_557], %add3A_562 : memref<15200xf32, #tpu.memory_space<vmem>>[vector<16xi32>], vector<16xf32>,
        %add3A_563 = arith.constant 1 : i32
        %add3A_564 = vector.broadcast %add3A_563 : i32 to vector<16xi32>
        %add3A_565 = arith.addi %add3A_551, %add3A_564 : vector<16xi32>
        %add3A_566 = arith.constant 1 : i32
        %add3A_567 = vector.broadcast %add3A_566 : i32 to vector<16xi32>
        %add3A_568 = arith.addi %add3A_554, %add3A_567 : vector<16xi32>
        %add3A_569 = arith.constant 1 : i32
        %add3A_570 = vector.broadcast %add3A_569 : i32 to vector<16xi32>
        %add3A_571 = arith.addi %add3A_557, %add3A_570 : vector<16xi32>
        %gather3A_572 = tpu.vector_load_idx %arg5[%add3A_565] : memref<15008xf32, #tpu.memory_space<vmem>>[vector<16xi32>], vector<16xf32>,
        %gather3A_573 = tpu.vector_load_idx %arg5[%add3A_568] : memref<15008xf32, #tpu.memory_space<vmem>>[vector<16xi32>], vector<16xf32>,
        %sub3A_574 = arith.subf %gather3A_573, %gather3A_572 : vector<16xf32>
        %mul3A_575 = arith.mulf %get3A_161, %sub3A_574 : vector<16xf32>
        %add3A_576 = arith.addf %gather3A_572, %mul3A_575 : vector<16xf32>
        tpu.vector_store_idx %arg7[%add3A_571], %add3A_576 : memref<15200xf32, #tpu.memory_space<vmem>>[vector<16xi32>], vector<16xf32>,
        %add3A_577 = arith.constant 1 : i32
        %add3A_578 = vector.broadcast %add3A_577 : i32 to vector<16xi32>
        %add3A_579 = arith.addi %add3A_565, %add3A_578 : vector<16xi32>
        %add3A_580 = arith.constant 1 : i32
        %add3A_581 = vector.broadcast %add3A_580 : i32 to vector<16xi32>
        %add3A_582 = arith.addi %add3A_568, %add3A_581 : vector<16xi32>
        %add3A_583 = arith.constant 1 : i32
        %add3A_584 = vector.broadcast %add3A_583 : i32 to vector<16xi32>
        %add3A_585 = arith.addi %add3A_571, %add3A_584 : vector<16xi32>
        %gather3A_586 = tpu.vector_load_idx %arg5[%add3A_579] : memref<15008xf32, #tpu.memory_space<vmem>>[vector<16xi32>], vector<16xf32>,
        %gather3A_587 = tpu.vector_load_idx %arg5[%add3A_582] : memref<15008xf32, #tpu.memory_space<vmem>>[vector<16xi32>], vector<16xf32>,
        %sub3A_588 = arith.subf %gather3A_587, %gather3A_586 : vector<16xf32>
        %mul3A_589 = arith.mulf %get3A_161, %sub3A_588 : vector<16xf32>
        %add3A_590 = arith.addf %gather3A_586, %mul3A_589 : vector<16xf32>
        tpu.vector_store_idx %arg7[%add3A_585], %add3A_590 : memref<15200xf32, #tpu.memory_space<vmem>>[vector<16xi32>], vector<16xf32>,
        %add3A_591 = arith.constant 1 : i32
        %add3A_592 = vector.broadcast %add3A_591 : i32 to vector<16xi32>
        %add3A_593 = arith.addi %add3A_579, %add3A_592 : vector<16xi32>
        %add3A_594 = arith.constant 1 : i32
        %add3A_595 = vector.broadcast %add3A_594 : i32 to vector<16xi32>
        %add3A_596 = arith.addi %add3A_582, %add3A_595 : vector<16xi32>
        %add3A_597 = arith.constant 1 : i32
        %add3A_598 = vector.broadcast %add3A_597 : i32 to vector<16xi32>
        %add3A_599 = arith.addi %add3A_585, %add3A_598 : vector<16xi32>
        %gather3A_600 = tpu.vector_load_idx %arg5[%add3A_593] : memref<15008xf32, #tpu.memory_space<vmem>>[vector<16xi32>], vector<16xf32>,
        %gather3A_601 = tpu.vector_load_idx %arg5[%add3A_596] : memref<15008xf32, #tpu.memory_space<vmem>>[vector<16xi32>], vector<16xf32>,
        %sub3A_602 = arith.subf %gather3A_601, %gather3A_600 : vector<16xf32>
        %mul3A_603 = arith.mulf %get3A_161, %sub3A_602 : vector<16xf32>
        %add3A_604 = arith.addf %gather3A_600, %mul3A_603 : vector<16xf32>
        tpu.vector_store_idx %arg7[%add3A_599], %add3A_604 : memref<15200xf32, #tpu.memory_space<vmem>>[vector<16xi32>], vector<16xf32>,
        %add3A_605 = arith.constant 1 : i32
        %add3A_606 = vector.broadcast %add3A_605 : i32 to vector<16xi32>
        %add3A_607 = arith.addi %add3A_593, %add3A_606 : vector<16xi32>
        %add3A_608 = arith.constant 1 : i32
        %add3A_609 = vector.broadcast %add3A_608 : i32 to vector<16xi32>
        %add3A_610 = arith.addi %add3A_596, %add3A_609 : vector<16xi32>
        %add3A_611 = arith.constant 1 : i32
        %add3A_612 = vector.broadcast %add3A_611 : i32 to vector<16xi32>
        %add3A_613 = arith.addi %add3A_599, %add3A_612 : vector<16xi32>
        %gather3A_614 = tpu.vector_load_idx %arg5[%add3A_607] : memref<15008xf32, #tpu.memory_space<vmem>>[vector<16xi32>], vector<16xf32>,
        %gather3A_615 = tpu.vector_load_idx %arg5[%add3A_610] : memref<15008xf32, #tpu.memory_space<vmem>>[vector<16xi32>], vector<16xf32>,
        %sub3A_616 = arith.subf %gather3A_615, %gather3A_614 : vector<16xf32>
        %mul3A_617 = arith.mulf %get3A_161, %sub3A_616 : vector<16xf32>
        %add3A_618 = arith.addf %gather3A_614, %mul3A_617 : vector<16xf32>
        tpu.vector_store_idx %arg7[%add3A_613], %add3A_618 : memref<15200xf32, #tpu.memory_space<vmem>>[vector<16xi32>], vector<16xf32>,
        %add3A_619 = arith.constant 1 : i32
        %add3A_620 = vector.broadcast %add3A_619 : i32 to vector<16xi32>
        %add3A_621 = arith.addi %add3A_607, %add3A_620 : vector<16xi32>
        %add3A_622 = arith.constant 1 : i32
        %add3A_623 = vector.broadcast %add3A_622 : i32 to vector<16xi32>
        %add3A_624 = arith.addi %add3A_610, %add3A_623 : vector<16xi32>
        %add3A_625 = arith.constant 1 : i32
        %add3A_626 = vector.broadcast %add3A_625 : i32 to vector<16xi32>
        %add3A_627 = arith.addi %add3A_613, %add3A_626 : vector<16xi32>
        %gather3A_628 = tpu.vector_load_idx %arg5[%add3A_621] : memref<15008xf32, #tpu.memory_space<vmem>>[vector<16xi32>], vector<16xf32>,
        %gather3A_629 = tpu.vector_load_idx %arg5[%add3A_624] : memref<15008xf32, #tpu.memory_space<vmem>>[vector<16xi32>], vector<16xf32>,
        %sub3A_630 = arith.subf %gather3A_629, %gather3A_628 : vector<16xf32>
        %mul3A_631 = arith.mulf %get3A_161, %sub3A_630 : vector<16xf32>
        %add3A_632 = arith.addf %gather3A_628, %mul3A_631 : vector<16xf32>
        tpu.vector_store_idx %arg7[%add3A_627], %add3A_632 : memref<15200xf32, #tpu.memory_space<vmem>>[vector<16xi32>], vector<16xf32>,
        %add3A_633 = arith.constant 1 : i32
        %add3A_634 = vector.broadcast %add3A_633 : i32 to vector<16xi32>
        %add3A_635 = arith.addi %add3A_621, %add3A_634 : vector<16xi32>
        %add3A_636 = arith.constant 1 : i32
        %add3A_637 = vector.broadcast %add3A_636 : i32 to vector<16xi32>
        %add3A_638 = arith.addi %add3A_624, %add3A_637 : vector<16xi32>
        %add3A_639 = arith.constant 1 : i32
        %add3A_640 = vector.broadcast %add3A_639 : i32 to vector<16xi32>
        %add3A_641 = arith.addi %add3A_627, %add3A_640 : vector<16xi32>
        %gather3A_642 = tpu.vector_load_idx %arg5[%add3A_635] : memref<15008xf32, #tpu.memory_space<vmem>>[vector<16xi32>], vector<16xf32>,
        %gather3A_643 = tpu.vector_load_idx %arg5[%add3A_638] : memref<15008xf32, #tpu.memory_space<vmem>>[vector<16xi32>], vector<16xf32>,
        %sub3A_644 = arith.subf %gather3A_643, %gather3A_642 : vector<16xf32>
        %mul3A_645 = arith.mulf %get3A_161, %sub3A_644 : vector<16xf32>
        %add3A_646 = arith.addf %gather3A_642, %mul3A_645 : vector<16xf32>
        tpu.vector_store_idx %arg7[%add3A_641], %add3A_646 : memref<15200xf32, #tpu.memory_space<vmem>>[vector<16xi32>], vector<16xf32>,
        %add3A_647 = arith.constant 1 : i32
        %add3A_648 = vector.broadcast %add3A_647 : i32 to vector<16xi32>
        %add3A_649 = arith.addi %add3A_635, %add3A_648 : vector<16xi32>
        %add3A_650 = arith.constant 1 : i32
        %add3A_651 = vector.broadcast %add3A_650 : i32 to vector<16xi32>
        %add3A_652 = arith.addi %add3A_638, %add3A_651 : vector<16xi32>
        %add3A_653 = arith.constant 1 : i32
        %add3A_654 = vector.broadcast %add3A_653 : i32 to vector<16xi32>
        %add3A_655 = arith.addi %add3A_641, %add3A_654 : vector<16xi32>
        %gather3A_656 = tpu.vector_load_idx %arg5[%add3A_649] : memref<15008xf32, #tpu.memory_space<vmem>>[vector<16xi32>], vector<16xf32>,
        %gather3A_657 = tpu.vector_load_idx %arg5[%add3A_652] : memref<15008xf32, #tpu.memory_space<vmem>>[vector<16xi32>], vector<16xf32>,
        %sub3A_658 = arith.subf %gather3A_657, %gather3A_656 : vector<16xf32>
        %mul3A_659 = arith.mulf %get3A_161, %sub3A_658 : vector<16xf32>
        %add3A_660 = arith.addf %gather3A_656, %mul3A_659 : vector<16xf32>
        tpu.vector_store_idx %arg7[%add3A_655], %add3A_660 : memref<15200xf32, #tpu.memory_space<vmem>>[vector<16xi32>], vector<16xf32>,
        %add3A_661 = arith.constant 1 : i32
        %add3A_662 = vector.broadcast %add3A_661 : i32 to vector<16xi32>
        %add3A_663 = arith.addi %add3A_649, %add3A_662 : vector<16xi32>
        %add3A_664 = arith.constant 1 : i32
        %add3A_665 = vector.broadcast %add3A_664 : i32 to vector<16xi32>
        %add3A_666 = arith.addi %add3A_652, %add3A_665 : vector<16xi32>
        %add3A_667 = arith.constant 1 : i32
        %add3A_668 = vector.broadcast %add3A_667 : i32 to vector<16xi32>
        %add3A_669 = arith.addi %add3A_655, %add3A_668 : vector<16xi32>
        %gather3A_670 = tpu.vector_load_idx %arg5[%add3A_663] : memref<15008xf32, #tpu.memory_space<vmem>>[vector<16xi32>], vector<16xf32>,
        %gather3A_671 = tpu.vector_load_idx %arg5[%add3A_666] : memref<15008xf32, #tpu.memory_space<vmem>>[vector<16xi32>], vector<16xf32>,
        %sub3A_672 = arith.subf %gather3A_671, %gather3A_670 : vector<16xf32>
        %mul3A_673 = arith.mulf %get3A_161, %sub3A_672 : vector<16xf32>
        %add3A_674 = arith.addf %gather3A_670, %mul3A_673 : vector<16xf32>
        tpu.vector_store_idx %arg7[%add3A_669], %add3A_674 : memref<15200xf32, #tpu.memory_space<vmem>>[vector<16xi32>], vector<16xf32>,
        %add3A_675 = arith.constant 1 : i32
        %add3A_676 = vector.broadcast %add3A_675 : i32 to vector<16xi32>
        %add3A_677 = arith.addi %add3A_663, %add3A_676 : vector<16xi32>
        %add3A_678 = arith.constant 1 : i32
        %add3A_679 = vector.broadcast %add3A_678 : i32 to vector<16xi32>
        %add3A_680 = arith.addi %add3A_666, %add3A_679 : vector<16xi32>
        %add3A_681 = arith.constant 1 : i32
        %add3A_682 = vector.broadcast %add3A_681 : i32 to vector<16xi32>
        %add3A_683 = arith.addi %add3A_669, %add3A_682 : vector<16xi32>
        %gather3A_684 = tpu.vector_load_idx %arg5[%add3A_677] : memref<15008xf32, #tpu.memory_space<vmem>>[vector<16xi32>], vector<16xf32>,
        %gather3A_685 = tpu.vector_load_idx %arg5[%add3A_680] : memref<15008xf32, #tpu.memory_space<vmem>>[vector<16xi32>], vector<16xf32>,
        %sub3A_686 = arith.subf %gather3A_685, %gather3A_684 : vector<16xf32>
        %mul3A_687 = arith.mulf %get3A_161, %sub3A_686 : vector<16xf32>
        %add3A_688 = arith.addf %gather3A_684, %mul3A_687 : vector<16xf32>
        tpu.vector_store_idx %arg7[%add3A_683], %add3A_688 : memref<15200xf32, #tpu.memory_space<vmem>>[vector<16xi32>], vector<16xf32>,
        %add3A_689 = arith.constant 1 : i32
        %add3A_690 = vector.broadcast %add3A_689 : i32 to vector<16xi32>
        %add3A_691 = arith.addi %add3A_677, %add3A_690 : vector<16xi32>
        %add3A_692 = arith.constant 1 : i32
        %add3A_693 = vector.broadcast %add3A_692 : i32 to vector<16xi32>
        %add3A_694 = arith.addi %add3A_680, %add3A_693 : vector<16xi32>
        %add3A_695 = arith.constant 1 : i32
        %add3A_696 = vector.broadcast %add3A_695 : i32 to vector<16xi32>
        %add3A_697 = arith.addi %add3A_683, %add3A_696 : vector<16xi32>
        %gather3A_698 = tpu.vector_load_idx %arg5[%add3A_691] : memref<15008xf32, #tpu.memory_space<vmem>>[vector<16xi32>], vector<16xf32>,
        %gather3A_699 = tpu.vector_load_idx %arg5[%add3A_694] : memref<15008xf32, #tpu.memory_space<vmem>>[vector<16xi32>], vector<16xf32>,
        %sub3A_700 = arith.subf %gather3A_699, %gather3A_698 : vector<16xf32>
        %mul3A_701 = arith.mulf %get3A_161, %sub3A_700 : vector<16xf32>
        %add3A_702 = arith.addf %gather3A_698, %mul3A_701 : vector<16xf32>
        tpu.vector_store_idx %arg7[%add3A_697], %add3A_702 : memref<15200xf32, #tpu.memory_space<vmem>>[vector<16xi32>], vector<16xf32>,
        %add3A_703 = arith.constant 1 : i32
        %add3A_704 = vector.broadcast %add3A_703 : i32 to vector<16xi32>
        %add3A_705 = arith.addi %add3A_691, %add3A_704 : vector<16xi32>
        %add3A_706 = arith.constant 1 : i32
        %add3A_707 = vector.broadcast %add3A_706 : i32 to vector<16xi32>
        %add3A_708 = arith.addi %add3A_694, %add3A_707 : vector<16xi32>
        %add3A_709 = arith.constant 1 : i32
        %add3A_710 = vector.broadcast %add3A_709 : i32 to vector<16xi32>
        %add3A_711 = arith.addi %add3A_697, %add3A_710 : vector<16xi32>
        %gather3A_712 = tpu.vector_load_idx %arg5[%add3A_705] : memref<15008xf32, #tpu.memory_space<vmem>>[vector<16xi32>], vector<16xf32>,
        %gather3A_713 = tpu.vector_load_idx %arg5[%add3A_708] : memref<15008xf32, #tpu.memory_space<vmem>>[vector<16xi32>], vector<16xf32>,
        %sub3A_714 = arith.subf %gather3A_713, %gather3A_712 : vector<16xf32>
        %mul3A_715 = arith.mulf %get3A_161, %sub3A_714 : vector<16xf32>
        %add3A_716 = arith.addf %gather3A_712, %mul3A_715 : vector<16xf32>
        tpu.vector_store_idx %arg7[%add3A_711], %add3A_716 : memref<15200xf32, #tpu.memory_space<vmem>>[vector<16xi32>], vector<16xf32>,
        %add3A_717 = arith.constant 1 : i32
        %add3A_718 = vector.broadcast %add3A_717 : i32 to vector<16xi32>
        %add3A_719 = arith.addi %add3A_705, %add3A_718 : vector<16xi32>
        %add3A_720 = arith.constant 1 : i32
        %add3A_721 = vector.broadcast %add3A_720 : i32 to vector<16xi32>
        %add3A_722 = arith.addi %add3A_708, %add3A_721 : vector<16xi32>
        %add3A_723 = arith.constant 1 : i32
        %add3A_724 = vector.broadcast %add3A_723 : i32 to vector<16xi32>
        %add3A_725 = arith.addi %add3A_711, %add3A_724 : vector<16xi32>
        %gather3A_726 = tpu.vector_load_idx %arg5[%add3A_719] : memref<15008xf32, #tpu.memory_space<vmem>>[vector<16xi32>], vector<16xf32>,
        %gather3A_727 = tpu.vector_load_idx %arg5[%add3A_722] : memref<15008xf32, #tpu.memory_space<vmem>>[vector<16xi32>], vector<16xf32>,
        %sub3A_728 = arith.subf %gather3A_727, %gather3A_726 : vector<16xf32>
        %mul3A_729 = arith.mulf %get3A_161, %sub3A_728 : vector<16xf32>
        %add3A_730 = arith.addf %gather3A_726, %mul3A_729 : vector<16xf32>
        tpu.vector_store_idx %arg7[%add3A_725], %add3A_730 : memref<15200xf32, #tpu.memory_space<vmem>>[vector<16xi32>], vector<16xf32>,
        %add3A_731 = arith.constant 1 : i32
        %add3A_732 = vector.broadcast %add3A_731 : i32 to vector<16xi32>
        %add3A_733 = arith.addi %add3A_719, %add3A_732 : vector<16xi32>
        %add3A_734 = arith.constant 1 : i32
        %add3A_735 = vector.broadcast %add3A_734 : i32 to vector<16xi32>
        %add3A_736 = arith.addi %add3A_722, %add3A_735 : vector<16xi32>
        %add3A_737 = arith.constant 1 : i32
        %add3A_738 = vector.broadcast %add3A_737 : i32 to vector<16xi32>
        %add3A_739 = arith.addi %add3A_725, %add3A_738 : vector<16xi32>
        %gather3A_740 = tpu.vector_load_idx %arg5[%add3A_733] : memref<15008xf32, #tpu.memory_space<vmem>>[vector<16xi32>], vector<16xf32>,
        %gather3A_741 = tpu.vector_load_idx %arg5[%add3A_736] : memref<15008xf32, #tpu.memory_space<vmem>>[vector<16xi32>], vector<16xf32>,
        %sub3A_742 = arith.subf %gather3A_741, %gather3A_740 : vector<16xf32>
        %mul3A_743 = arith.mulf %get3A_161, %sub3A_742 : vector<16xf32>
        %add3A_744 = arith.addf %gather3A_740, %mul3A_743 : vector<16xf32>
        tpu.vector_store_idx %arg7[%add3A_739], %add3A_744 : memref<15200xf32, #tpu.memory_space<vmem>>[vector<16xi32>], vector<16xf32>,
        %add3A_745 = arith.constant 1 : i32
        %add3A_746 = vector.broadcast %add3A_745 : i32 to vector<16xi32>
        %add3A_747 = arith.addi %add3A_733, %add3A_746 : vector<16xi32>
        %add3A_748 = arith.constant 1 : i32
        %add3A_749 = vector.broadcast %add3A_748 : i32 to vector<16xi32>
        %add3A_750 = arith.addi %add3A_736, %add3A_749 : vector<16xi32>
        %add3A_751 = arith.constant 1 : i32
        %add3A_752 = vector.broadcast %add3A_751 : i32 to vector<16xi32>
        %add3A_753 = arith.addi %add3A_739, %add3A_752 : vector<16xi32>
        %gather3A_754 = tpu.vector_load_idx %arg5[%add3A_747] : memref<15008xf32, #tpu.memory_space<vmem>>[vector<16xi32>], vector<16xf32>,
        %gather3A_755 = tpu.vector_load_idx %arg5[%add3A_750] : memref<15008xf32, #tpu.memory_space<vmem>>[vector<16xi32>], vector<16xf32>,
        %sub3A_756 = arith.subf %gather3A_755, %gather3A_754 : vector<16xf32>
        %mul3A_757 = arith.mulf %get3A_161, %sub3A_756 : vector<16xf32>
        %add3A_758 = arith.addf %gather3A_754, %mul3A_757 : vector<16xf32>
        tpu.vector_store_idx %arg7[%add3A_753], %add3A_758 : memref<15200xf32, #tpu.memory_space<vmem>>[vector<16xi32>], vector<16xf32>,
        %add3A_759 = arith.constant 1 : i32
        %add3A_760 = vector.broadcast %add3A_759 : i32 to vector<16xi32>
        %add3A_761 = arith.addi %add3A_747, %add3A_760 : vector<16xi32>
        %add3A_762 = arith.constant 1 : i32
        %add3A_763 = vector.broadcast %add3A_762 : i32 to vector<16xi32>
        %add3A_764 = arith.addi %add3A_750, %add3A_763 : vector<16xi32>
        %add3A_765 = arith.constant 1 : i32
        %add3A_766 = vector.broadcast %add3A_765 : i32 to vector<16xi32>
        %add3A_767 = arith.addi %add3A_753, %add3A_766 : vector<16xi32>
        %gather3A_768 = tpu.vector_load_idx %arg5[%add3A_761] : memref<15008xf32, #tpu.memory_space<vmem>>[vector<16xi32>], vector<16xf32>,
        %gather3A_769 = tpu.vector_load_idx %arg5[%add3A_764] : memref<15008xf32, #tpu.memory_space<vmem>>[vector<16xi32>], vector<16xf32>,
        %sub3A_770 = arith.subf %gather3A_769, %gather3A_768 : vector<16xf32>
        %mul3A_771 = arith.mulf %get3A_161, %sub3A_770 : vector<16xf32>
        %add3A_772 = arith.addf %gather3A_768, %mul3A_771 : vector<16xf32>
        tpu.vector_store_idx %arg7[%add3A_767], %add3A_772 : memref<15200xf32, #tpu.memory_space<vmem>>[vector<16xi32>], vector<16xf32>,
        %add3A_773 = arith.constant 1 : i32
        %add3A_774 = vector.broadcast %add3A_773 : i32 to vector<16xi32>
        %add3A_775 = arith.addi %add3A_761, %add3A_774 : vector<16xi32>
        %add3A_776 = arith.constant 1 : i32
        %add3A_777 = vector.broadcast %add3A_776 : i32 to vector<16xi32>
        %add3A_778 = arith.addi %add3A_764, %add3A_777 : vector<16xi32>
        %add3A_779 = arith.constant 1 : i32
        %add3A_780 = vector.broadcast %add3A_779 : i32 to vector<16xi32>
        %add3A_781 = arith.addi %add3A_767, %add3A_780 : vector<16xi32>
        %gather3A_782 = tpu.vector_load_idx %arg5[%add3A_775] : memref<15008xf32, #tpu.memory_space<vmem>>[vector<16xi32>], vector<16xf32>,
        %gather3A_783 = tpu.vector_load_idx %arg5[%add3A_778] : memref<15008xf32, #tpu.memory_space<vmem>>[vector<16xi32>], vector<16xf32>,
        %sub3A_784 = arith.subf %gather3A_783, %gather3A_782 : vector<16xf32>
        %mul3A_785 = arith.mulf %get3A_161, %sub3A_784 : vector<16xf32>
        %add3A_786 = arith.addf %gather3A_782, %mul3A_785 : vector<16xf32>
        tpu.vector_store_idx %arg7[%add3A_781], %add3A_786 : memref<15200xf32, #tpu.memory_space<vmem>>[vector<16xi32>], vector<16xf32>,
        %add3A_787 = arith.constant 1 : i32
        %add3A_788 = vector.broadcast %add3A_787 : i32 to vector<16xi32>
        %add3A_789 = arith.addi %add3A_775, %add3A_788 : vector<16xi32>
        %add3A_790 = arith.constant 1 : i32
        %add3A_791 = vector.broadcast %add3A_790 : i32 to vector<16xi32>
        %add3A_792 = arith.addi %add3A_778, %add3A_791 : vector<16xi32>
        %add3A_793 = arith.constant 1 : i32
        %add3A_794 = vector.broadcast %add3A_793 : i32 to vector<16xi32>
        %add3A_795 = arith.addi %add3A_781, %add3A_794 : vector<16xi32>
        %gather3A_796 = tpu.vector_load_idx %arg5[%add3A_789] : memref<15008xf32, #tpu.memory_space<vmem>>[vector<16xi32>], vector<16xf32>,
        %gather3A_797 = tpu.vector_load_idx %arg5[%add3A_792] : memref<15008xf32, #tpu.memory_space<vmem>>[vector<16xi32>], vector<16xf32>,
        %sub3A_798 = arith.subf %gather3A_797, %gather3A_796 : vector<16xf32>
        %mul3A_799 = arith.mulf %get3A_161, %sub3A_798 : vector<16xf32>
        %add3A_800 = arith.addf %gather3A_796, %mul3A_799 : vector<16xf32>
        tpu.vector_store_idx %arg7[%add3A_795], %add3A_800 : memref<15200xf32, #tpu.memory_space<vmem>>[vector<16xi32>], vector<16xf32>,
        %add3A_801 = arith.constant 1 : i32
        %add3A_802 = vector.broadcast %add3A_801 : i32 to vector<16xi32>
        %add3A_803 = arith.addi %add3A_789, %add3A_802 : vector<16xi32>
        %add3A_804 = arith.constant 1 : i32
        %add3A_805 = vector.broadcast %add3A_804 : i32 to vector<16xi32>
        %add3A_806 = arith.addi %add3A_792, %add3A_805 : vector<16xi32>
        %add3A_807 = arith.constant 1 : i32
        %add3A_808 = vector.broadcast %add3A_807 : i32 to vector<16xi32>
        %add3A_809 = arith.addi %add3A_795, %add3A_808 : vector<16xi32>
        %gather3A_810 = tpu.vector_load_idx %arg5[%add3A_803] : memref<15008xf32, #tpu.memory_space<vmem>>[vector<16xi32>], vector<16xf32>,
        %gather3A_811 = tpu.vector_load_idx %arg5[%add3A_806] : memref<15008xf32, #tpu.memory_space<vmem>>[vector<16xi32>], vector<16xf32>,
        %sub3A_812 = arith.subf %gather3A_811, %gather3A_810 : vector<16xf32>
        %mul3A_813 = arith.mulf %get3A_161, %sub3A_812 : vector<16xf32>
        %add3A_814 = arith.addf %gather3A_810, %mul3A_813 : vector<16xf32>
        tpu.vector_store_idx %arg7[%add3A_809], %add3A_814 : memref<15200xf32, #tpu.memory_space<vmem>>[vector<16xi32>], vector<16xf32>,
        %add3A_815 = arith.constant 1 : i32
        %add3A_816 = vector.broadcast %add3A_815 : i32 to vector<16xi32>
        %add3A_817 = arith.addi %add3A_803, %add3A_816 : vector<16xi32>
        %add3A_818 = arith.constant 1 : i32
        %add3A_819 = vector.broadcast %add3A_818 : i32 to vector<16xi32>
        %add3A_820 = arith.addi %add3A_806, %add3A_819 : vector<16xi32>
        %add3A_821 = arith.constant 1 : i32
        %add3A_822 = vector.broadcast %add3A_821 : i32 to vector<16xi32>
        %add3A_823 = arith.addi %add3A_809, %add3A_822 : vector<16xi32>
        %gather3A_824 = tpu.vector_load_idx %arg5[%add3A_817] : memref<15008xf32, #tpu.memory_space<vmem>>[vector<16xi32>], vector<16xf32>,
        %gather3A_825 = tpu.vector_load_idx %arg5[%add3A_820] : memref<15008xf32, #tpu.memory_space<vmem>>[vector<16xi32>], vector<16xf32>,
        %sub3A_826 = arith.subf %gather3A_825, %gather3A_824 : vector<16xf32>
        %mul3A_827 = arith.mulf %get3A_161, %sub3A_826 : vector<16xf32>
        %add3A_828 = arith.addf %gather3A_824, %mul3A_827 : vector<16xf32>
        tpu.vector_store_idx %arg7[%add3A_823], %add3A_828 : memref<15200xf32, #tpu.memory_space<vmem>>[vector<16xi32>], vector<16xf32>,
        %add3A_829 = arith.constant 1 : i32
        %add3A_830 = vector.broadcast %add3A_829 : i32 to vector<16xi32>
        %add3A_831 = arith.addi %add3A_817, %add3A_830 : vector<16xi32>
        %add3A_832 = arith.constant 1 : i32
        %add3A_833 = vector.broadcast %add3A_832 : i32 to vector<16xi32>
        %add3A_834 = arith.addi %add3A_820, %add3A_833 : vector<16xi32>
        %add3A_835 = arith.constant 1 : i32
        %add3A_836 = vector.broadcast %add3A_835 : i32 to vector<16xi32>
        %add3A_837 = arith.addi %add3A_823, %add3A_836 : vector<16xi32>
        %gather3A_838 = tpu.vector_load_idx %arg5[%add3A_831] : memref<15008xf32, #tpu.memory_space<vmem>>[vector<16xi32>], vector<16xf32>,
        %gather3A_839 = tpu.vector_load_idx %arg5[%add3A_834] : memref<15008xf32, #tpu.memory_space<vmem>>[vector<16xi32>], vector<16xf32>,
        %sub3A_840 = arith.subf %gather3A_839, %gather3A_838 : vector<16xf32>
        %mul3A_841 = arith.mulf %get3A_161, %sub3A_840 : vector<16xf32>
        %add3A_842 = arith.addf %gather3A_838, %mul3A_841 : vector<16xf32>
        tpu.vector_store_idx %arg7[%add3A_837], %add3A_842 : memref<15200xf32, #tpu.memory_space<vmem>>[vector<16xi32>], vector<16xf32>,
        %add3A_843 = arith.constant 1 : i32
        %add3A_844 = vector.broadcast %add3A_843 : i32 to vector<16xi32>
        %add3A_845 = arith.addi %add3A_831, %add3A_844 : vector<16xi32>
        %add3A_846 = arith.constant 1 : i32
        %add3A_847 = vector.broadcast %add3A_846 : i32 to vector<16xi32>
        %add3A_848 = arith.addi %add3A_834, %add3A_847 : vector<16xi32>
        %add3A_849 = arith.constant 1 : i32
        %add3A_850 = vector.broadcast %add3A_849 : i32 to vector<16xi32>
        %add3A_851 = arith.addi %add3A_837, %add3A_850 : vector<16xi32>
        %gather3A_852 = tpu.vector_load_idx %arg5[%add3A_845] : memref<15008xf32, #tpu.memory_space<vmem>>[vector<16xi32>], vector<16xf32>,
        %gather3A_853 = tpu.vector_load_idx %arg5[%add3A_848] : memref<15008xf32, #tpu.memory_space<vmem>>[vector<16xi32>], vector<16xf32>,
        %sub3A_854 = arith.subf %gather3A_853, %gather3A_852 : vector<16xf32>
        %mul3A_855 = arith.mulf %get3A_161, %sub3A_854 : vector<16xf32>
        %add3A_856 = arith.addf %gather3A_852, %mul3A_855 : vector<16xf32>
        tpu.vector_store_idx %arg7[%add3A_851], %add3A_856 : memref<15200xf32, #tpu.memory_space<vmem>>[vector<16xi32>], vector<16xf32>,
        %add3A_857 = arith.constant 1 : i32
        %add3A_858 = vector.broadcast %add3A_857 : i32 to vector<16xi32>
        %add3A_859 = arith.addi %add3A_845, %add3A_858 : vector<16xi32>
        %add3A_860 = arith.constant 1 : i32
        %add3A_861 = vector.broadcast %add3A_860 : i32 to vector<16xi32>
        %add3A_862 = arith.addi %add3A_848, %add3A_861 : vector<16xi32>
        %add3A_863 = arith.constant 1 : i32
        %add3A_864 = vector.broadcast %add3A_863 : i32 to vector<16xi32>
        %add3A_865 = arith.addi %add3A_851, %add3A_864 : vector<16xi32>
        %gather3A_866 = tpu.vector_load_idx %arg5[%add3A_859] : memref<15008xf32, #tpu.memory_space<vmem>>[vector<16xi32>], vector<16xf32>,
        %gather3A_867 = tpu.vector_load_idx %arg5[%add3A_862] : memref<15008xf32, #tpu.memory_space<vmem>>[vector<16xi32>], vector<16xf32>,
        %sub3A_868 = arith.subf %gather3A_867, %gather3A_866 : vector<16xf32>
        %mul3A_869 = arith.mulf %get3A_161, %sub3A_868 : vector<16xf32>
        %add3A_870 = arith.addf %gather3A_866, %mul3A_869 : vector<16xf32>
        tpu.vector_store_idx %arg7[%add3A_865], %add3A_870 : memref<15200xf32, #tpu.memory_space<vmem>>[vector<16xi32>], vector<16xf32>,
      }
      %scan3A_101 = arith.constant 19 : i32
      %mul3A_102 = arith.constant 15008 : i32
      %mul3A_103 = arith.muli %add3A_85, %mul3A_102 : i32
      %dma_start3A_104 = arith.constant 0 : i32
      %dma_start3A_105 = tpu.memref_slice %arg7[%dma_start3A_104] : memref<15200xf32, #tpu.memory_space<vmem>> -> memref<15008xf32, #tpu.memory_space<vmem>>
      %dma_start3A_106 = tpu.memref_slice %arg4[%mul3A_103] : memref<11526144xf32, #tpu.memory_space<hbm>> -> memref<15008xf32, #tpu.memory_space<hbm>>
      %dma_start3A_107 = tpu.memref_slice %arg4[%mul3A_103] : memref<11526144xf32, #tpu.memory_space<hbm>> -> memref<15008xf32, #tpu.memory_space<hbm>>
      %dma_start3A_108 = arith.constant 0 : i32
      %dma_start3A_109 = tpu.memref_slice %arg7[%dma_start3A_108] : memref<15200xf32, #tpu.memory_space<vmem>> -> memref<15008xf32, #tpu.memory_space<vmem>>
      tpu.enqueue_dma source(%dma_start3A_109 : memref<15008xf32, #tpu.memory_space<vmem>>) target(%dma_start3A_107 : memref<15008xf32, #tpu.memory_space<hbm>>) target_semaphore(%arg13 : memref<!tpu.dma_semaphore, #tpu.memory_space<semaphore_mem>>)
      %lt3A = arith.constant 11 : i32
      %lt3A_110 = arith.cmpi slt, %scan3A_80, %lt3A : i32
      %convert_element_type3A_111 = arith.extui %lt3A_110 : i1 to i32
      %cond3A_112 = arith.constant 0 : i32
      %cond3A_113 = arith.cmpi ne, %convert_element_type3A_111, %cond3A_112 : i32
      scf.if %cond3A_113 {
        %add3A_152 = arith.constant 2 : i32
        %add3A_153 = arith.addi %add3A_85, %add3A_152 : i32
        %jit3A_154 = arith.constant 3 : i32
        %div3A_155 = arith.divsi %add3A_153, %jit3A_154 : i32
        %sign3A_156 = arith.constant 0 : i32
        %sign3A_157 = arith.cmpi sgt, %add3A_153, %sign3A_156 : i32
        %sign3A_158 = arith.extui %sign3A_157 : i1 to i32
        %sign3A_159 = arith.constant 0 : i32
        %sign3A_160 = arith.cmpi slt, %add3A_153, %sign3A_159 : i32
        %sign3A_161 = arith.extui %sign3A_160 : i1 to i32
        %sign3A_162 = arith.subi %sign3A_158, %sign3A_161 : i32
        %sign3A_163 = arith.constant 0 : i32
        %sign3A_164 = arith.cmpi sgt, %jit3A_154, %sign3A_163 : i32
        %sign3A_165 = arith.extui %sign3A_164 : i1 to i32
        %sign3A_166 = arith.constant 0 : i32
        %sign3A_167 = arith.cmpi slt, %jit3A_154, %sign3A_166 : i32
        %sign3A_168 = arith.extui %sign3A_167 : i1 to i32
        %sign3A_169 = arith.subi %sign3A_165, %sign3A_168 : i32
        %ne3A_170 = arith.cmpi ne, %sign3A_162, %sign3A_169 : i32
        %rem3A_171 = arith.remsi %add3A_153, %jit3A_154 : i32
        %ne3A_172 = arith.constant 0 : i32
        %ne3A_173 = arith.cmpi ne, %rem3A_171, %ne3A_172 : i32
        %and3A_174 = arith.andi %ne3A_170, %ne3A_173 : i1
        %sub3A_175 = arith.constant 1 : i32
        %sub3A_176 = arith.subi %div3A_155, %sub3A_175 : i32
        %select_n3A_177 = arith.select %and3A_174, %sub3A_176, %div3A_155 : i32
        %mul3A_178 = arith.constant 608 : i32
        %mul3A_179 = arith.muli %select_n3A_177, %mul3A_178 : i32
        %dma_start3A_180 = tpu.memref_slice %arg3[%mul3A_179] : memref<155648xf32, #tpu.memory_space<hbm>> -> memref<608xf32, #tpu.memory_space<hbm>>
        %dma_start3A_181 = tpu.memref_slice %arg3[%mul3A_179] : memref<155648xf32, #tpu.memory_space<hbm>> -> memref<608xf32, #tpu.memory_space<hbm>>
        tpu.enqueue_dma source(%dma_start3A_181 : memref<608xf32, #tpu.memory_space<hbm>>) target(%arg9 : memref<608xf32, #tpu.memory_space<vmem>>) target_semaphore(%arg11 : memref<!tpu.dma_semaphore, #tpu.memory_space<semaphore_mem>>)
        %mul3A_182 = arith.constant 15008 : i32
        %mul3A_183 = arith.muli %add3A_153, %mul3A_182 : i32
        %dma_start3A_184 = tpu.memref_slice %arg2[%mul3A_183] : memref<11526144xf32, #tpu.memory_space<hbm>> -> memref<15008xf32, #tpu.memory_space<hbm>>
        %dma_start3A_185 = tpu.memref_slice %arg2[%mul3A_183] : memref<11526144xf32, #tpu.memory_space<hbm>> -> memref<15008xf32, #tpu.memory_space<hbm>>
        tpu.enqueue_dma source(%dma_start3A_185 : memref<15008xf32, #tpu.memory_space<hbm>>) target(%arg5 : memref<15008xf32, #tpu.memory_space<vmem>>) target_semaphore(%arg11 : memref<!tpu.dma_semaphore, #tpu.memory_space<semaphore_mem>>)
      } else {
      }
      %mul3A_114 = arith.constant 2 : i32
      %mul3A_115 = arith.muli %scan3A_80, %mul3A_114 : i32
      %add3A_116 = arith.addi %mul3A_2, %mul3A_115 : i32
      %add3A_117 = arith.constant 1 : i32
      %add3A_118 = arith.addi %add3A_116, %add3A_117 : i32
      %dma_wait3A_119 = arith.constant 0 : i32
      %dma_wait3A_120 = tpu.memref_slice %arg3[%dma_wait3A_119] : memref<155648xf32, #tpu.memory_space<hbm>> -> memref<608xf32, #tpu.memory_space<hbm>>
      %dma_wait3A_121 = arith.constant 0 : i32
      %dma_wait3A_122 = tpu.memref_slice %arg3[%dma_wait3A_121] : memref<155648xf32, #tpu.memory_space<hbm>> -> memref<608xf32, #tpu.memory_space<hbm>>
      tpu.wait_dma2 semaphore(%arg12 : memref<!tpu.dma_semaphore, #tpu.memory_space<semaphore_mem>>) src(%dma_wait3A_122 : memref<608xf32, #tpu.memory_space<hbm>>) dst(%arg10 : memref<608xf32, #tpu.memory_space<vmem>>)
      %dma_wait3A_123 = arith.constant 0 : i32
      %dma_wait3A_124 = tpu.memref_slice %arg2[%dma_wait3A_123] : memref<11526144xf32, #tpu.memory_space<hbm>> -> memref<15008xf32, #tpu.memory_space<hbm>>
      %dma_wait3A_125 = arith.constant 0 : i32
      %dma_wait3A_126 = tpu.memref_slice %arg2[%dma_wait3A_125] : memref<11526144xf32, #tpu.memory_space<hbm>> -> memref<15008xf32, #tpu.memory_space<hbm>>
      tpu.wait_dma2 semaphore(%arg12 : memref<!tpu.dma_semaphore, #tpu.memory_space<semaphore_mem>>) src(%dma_wait3A_126 : memref<15008xf32, #tpu.memory_space<hbm>>) dst(%arg6 : memref<15008xf32, #tpu.memory_space<vmem>>)
      %gt3A_127 = arith.constant 0 : i32
      %gt3A_128 = arith.cmpi sgt, %scan3A_80, %gt3A_127 : i32
      %convert_element_type3A_129 = arith.extui %gt3A_128 : i1 to i32
      %cond3A_130 = arith.constant 0 : i32
      %cond3A_131 = arith.cmpi ne, %convert_element_type3A_129, %cond3A_130 : i32
      scf.if %cond3A_131 {
        %dma_wait3A_152 = arith.constant 0 : i32
        %dma_wait3A_153 = tpu.memref_slice %arg8[%dma_wait3A_152] : memref<15200xf32, #tpu.memory_space<vmem>> -> memref<15008xf32, #tpu.memory_space<vmem>>
        %dma_wait3A_154 = arith.constant 0 : i32
        %dma_wait3A_155 = tpu.memref_slice %arg4[%dma_wait3A_154] : memref<11526144xf32, #tpu.memory_space<hbm>> -> memref<15008xf32, #tpu.memory_space<hbm>>
        %dma_wait3A_156 = arith.constant 0 : i32
        %dma_wait3A_157 = tpu.memref_slice %arg4[%dma_wait3A_156] : memref<11526144xf32, #tpu.memory_space<hbm>> -> memref<15008xf32, #tpu.memory_space<hbm>>
        %dma_wait3A_158 = arith.constant 0 : i32
        %dma_wait3A_159 = tpu.memref_slice %arg8[%dma_wait3A_158] : memref<15200xf32, #tpu.memory_space<vmem>> -> memref<15008xf32, #tpu.memory_space<vmem>>
        tpu.wait_dma2 semaphore(%arg14 : memref<!tpu.dma_semaphore, #tpu.memory_space<semaphore_mem>>) src(%dma_wait3A_159 : memref<15008xf32, #tpu.memory_space<vmem>>) dst(%dma_wait3A_157 : memref<15008xf32, #tpu.memory_space<hbm>>)
      } else {
      }
      %iota3A_132 = tpu.iota {dimensions = array<i32: 0>} : vector<16xi32>
      %scan3A_133 = arith.constant 0 : i32
      %scan3A_134 = arith.constant 0 : i32
      %scan3A_135 = arith.constant 19 : i32
      %scan3A_136 = arith.addi %scan3A_134, %scan3A_135 : i32
      %scan3A_137 = arith.constant 1 : i32
      scf.for %scan3A_152 = %scan3A_134 to %scan3A_136 step %scan3A_137  : i32 {
        %mul3A_153 = arith.constant 16 : i32
        %mul3A_154 = arith.muli %scan3A_152, %mul3A_153 : i32
        %get3A = arith.index_cast %mul3A_154 : i32 to index
        %get3A_155 = tpu.vector_load %arg10[%get3A] {strides = array<i32>} : memref<608xf32, #tpu.memory_space<vmem>>, vector<16xf32>,
        %mul3A_156 = arith.constant 16 : i32
        %mul3A_157 = arith.muli %scan3A_152, %mul3A_156 : i32
        %add3A_158 = arith.constant 304 : i32
        %add3A_159 = arith.addi %add3A_158, %mul3A_157 : i32
        %get3A_160 = arith.index_cast %add3A_159 : i32 to index
        %get3A_161 = tpu.vector_load %arg10[%get3A_160] {strides = array<i32>} : memref<608xf32, #tpu.memory_space<vmem>>, vector<16xf32>,
        %convert_element_type3A_162 = arith.fptosi %get3A_155 : vector<16xf32> to vector<16xi32>
        %add3A_163 = arith.constant 1 : i32
        %add3A_164 = vector.broadcast %add3A_163 : i32 to vector<16xi32>
        %add3A_165 = arith.addi %convert_element_type3A_162, %add3A_164 : vector<16xi32>
        %min3A = arith.constant 299 : i32
        %min3A_166 = vector.broadcast %min3A : i32 to vector<16xi32>
        %min3A_167 = arith.minsi %add3A_165, %min3A_166 : vector<16xi32>
        %mul3A_168 = arith.constant 50 : i32
        %mul3A_169 = vector.broadcast %mul3A_168 : i32 to vector<16xi32>
        %mul3A_170 = arith.muli %convert_element_type3A_162, %mul3A_169 : vector<16xi32>
        %mul3A_171 = arith.constant 50 : i32
        %mul3A_172 = vector.broadcast %mul3A_171 : i32 to vector<16xi32>
        %mul3A_173 = arith.muli %min3A_167, %mul3A_172 : vector<16xi32>
        %mul3A_174 = arith.constant 16 : i32
        %mul3A_175 = arith.muli %scan3A_152, %mul3A_174 : i32
        %add3A_176 = vector.broadcast %mul3A_175 : i32 to vector<16xi32>
        %add3A_177 = arith.addi %add3A_176, %iota3A_132 : vector<16xi32>
        %mul3A_178 = arith.constant 50 : i32
        %mul3A_179 = vector.broadcast %mul3A_178 : i32 to vector<16xi32>
        %mul3A_180 = arith.muli %add3A_177, %mul3A_179 : vector<16xi32>
        %gather3A = tpu.vector_load_idx %arg6[%mul3A_170] : memref<15008xf32, #tpu.memory_space<vmem>>[vector<16xi32>], vector<16xf32>,
        %gather3A_181 = tpu.vector_load_idx %arg6[%mul3A_173] : memref<15008xf32, #tpu.memory_space<vmem>>[vector<16xi32>], vector<16xf32>,
        %sub3A_182 = arith.subf %gather3A_181, %gather3A : vector<16xf32>
        %mul3A_183 = arith.mulf %get3A_161, %sub3A_182 : vector<16xf32>
        %add3A_184 = arith.addf %gather3A, %mul3A_183 : vector<16xf32>
        tpu.vector_store_idx %arg8[%mul3A_180], %add3A_184 : memref<15200xf32, #tpu.memory_space<vmem>>[vector<16xi32>], vector<16xf32>,
        %add3A_185 = arith.constant 1 : i32
        %add3A_186 = vector.broadcast %add3A_185 : i32 to vector<16xi32>
        %add3A_187 = arith.addi %mul3A_170, %add3A_186 : vector<16xi32>
        %add3A_188 = arith.constant 1 : i32
        %add3A_189 = vector.broadcast %add3A_188 : i32 to vector<16xi32>
        %add3A_190 = arith.addi %mul3A_173, %add3A_189 : vector<16xi32>
        %add3A_191 = arith.constant 1 : i32
        %add3A_192 = vector.broadcast %add3A_191 : i32 to vector<16xi32>
        %add3A_193 = arith.addi %mul3A_180, %add3A_192 : vector<16xi32>
        %gather3A_194 = tpu.vector_load_idx %arg6[%add3A_187] : memref<15008xf32, #tpu.memory_space<vmem>>[vector<16xi32>], vector<16xf32>,
        %gather3A_195 = tpu.vector_load_idx %arg6[%add3A_190] : memref<15008xf32, #tpu.memory_space<vmem>>[vector<16xi32>], vector<16xf32>,
        %sub3A_196 = arith.subf %gather3A_195, %gather3A_194 : vector<16xf32>
        %mul3A_197 = arith.mulf %get3A_161, %sub3A_196 : vector<16xf32>
        %add3A_198 = arith.addf %gather3A_194, %mul3A_197 : vector<16xf32>
        tpu.vector_store_idx %arg8[%add3A_193], %add3A_198 : memref<15200xf32, #tpu.memory_space<vmem>>[vector<16xi32>], vector<16xf32>,
        %add3A_199 = arith.constant 1 : i32
        %add3A_200 = vector.broadcast %add3A_199 : i32 to vector<16xi32>
        %add3A_201 = arith.addi %add3A_187, %add3A_200 : vector<16xi32>
        %add3A_202 = arith.constant 1 : i32
        %add3A_203 = vector.broadcast %add3A_202 : i32 to vector<16xi32>
        %add3A_204 = arith.addi %add3A_190, %add3A_203 : vector<16xi32>
        %add3A_205 = arith.constant 1 : i32
        %add3A_206 = vector.broadcast %add3A_205 : i32 to vector<16xi32>
        %add3A_207 = arith.addi %add3A_193, %add3A_206 : vector<16xi32>
        %gather3A_208 = tpu.vector_load_idx %arg6[%add3A_201] : memref<15008xf32, #tpu.memory_space<vmem>>[vector<16xi32>], vector<16xf32>,
        %gather3A_209 = tpu.vector_load_idx %arg6[%add3A_204] : memref<15008xf32, #tpu.memory_space<vmem>>[vector<16xi32>], vector<16xf32>,
        %sub3A_210 = arith.subf %gather3A_209, %gather3A_208 : vector<16xf32>
        %mul3A_211 = arith.mulf %get3A_161, %sub3A_210 : vector<16xf32>
        %add3A_212 = arith.addf %gather3A_208, %mul3A_211 : vector<16xf32>
        tpu.vector_store_idx %arg8[%add3A_207], %add3A_212 : memref<15200xf32, #tpu.memory_space<vmem>>[vector<16xi32>], vector<16xf32>,
        %add3A_213 = arith.constant 1 : i32
        %add3A_214 = vector.broadcast %add3A_213 : i32 to vector<16xi32>
        %add3A_215 = arith.addi %add3A_201, %add3A_214 : vector<16xi32>
        %add3A_216 = arith.constant 1 : i32
        %add3A_217 = vector.broadcast %add3A_216 : i32 to vector<16xi32>
        %add3A_218 = arith.addi %add3A_204, %add3A_217 : vector<16xi32>
        %add3A_219 = arith.constant 1 : i32
        %add3A_220 = vector.broadcast %add3A_219 : i32 to vector<16xi32>
        %add3A_221 = arith.addi %add3A_207, %add3A_220 : vector<16xi32>
        %gather3A_222 = tpu.vector_load_idx %arg6[%add3A_215] : memref<15008xf32, #tpu.memory_space<vmem>>[vector<16xi32>], vector<16xf32>,
        %gather3A_223 = tpu.vector_load_idx %arg6[%add3A_218] : memref<15008xf32, #tpu.memory_space<vmem>>[vector<16xi32>], vector<16xf32>,
        %sub3A_224 = arith.subf %gather3A_223, %gather3A_222 : vector<16xf32>
        %mul3A_225 = arith.mulf %get3A_161, %sub3A_224 : vector<16xf32>
        %add3A_226 = arith.addf %gather3A_222, %mul3A_225 : vector<16xf32>
        tpu.vector_store_idx %arg8[%add3A_221], %add3A_226 : memref<15200xf32, #tpu.memory_space<vmem>>[vector<16xi32>], vector<16xf32>,
        %add3A_227 = arith.constant 1 : i32
        %add3A_228 = vector.broadcast %add3A_227 : i32 to vector<16xi32>
        %add3A_229 = arith.addi %add3A_215, %add3A_228 : vector<16xi32>
        %add3A_230 = arith.constant 1 : i32
        %add3A_231 = vector.broadcast %add3A_230 : i32 to vector<16xi32>
        %add3A_232 = arith.addi %add3A_218, %add3A_231 : vector<16xi32>
        %add3A_233 = arith.constant 1 : i32
        %add3A_234 = vector.broadcast %add3A_233 : i32 to vector<16xi32>
        %add3A_235 = arith.addi %add3A_221, %add3A_234 : vector<16xi32>
        %gather3A_236 = tpu.vector_load_idx %arg6[%add3A_229] : memref<15008xf32, #tpu.memory_space<vmem>>[vector<16xi32>], vector<16xf32>,
        %gather3A_237 = tpu.vector_load_idx %arg6[%add3A_232] : memref<15008xf32, #tpu.memory_space<vmem>>[vector<16xi32>], vector<16xf32>,
        %sub3A_238 = arith.subf %gather3A_237, %gather3A_236 : vector<16xf32>
        %mul3A_239 = arith.mulf %get3A_161, %sub3A_238 : vector<16xf32>
        %add3A_240 = arith.addf %gather3A_236, %mul3A_239 : vector<16xf32>
        tpu.vector_store_idx %arg8[%add3A_235], %add3A_240 : memref<15200xf32, #tpu.memory_space<vmem>>[vector<16xi32>], vector<16xf32>,
        %add3A_241 = arith.constant 1 : i32
        %add3A_242 = vector.broadcast %add3A_241 : i32 to vector<16xi32>
        %add3A_243 = arith.addi %add3A_229, %add3A_242 : vector<16xi32>
        %add3A_244 = arith.constant 1 : i32
        %add3A_245 = vector.broadcast %add3A_244 : i32 to vector<16xi32>
        %add3A_246 = arith.addi %add3A_232, %add3A_245 : vector<16xi32>
        %add3A_247 = arith.constant 1 : i32
        %add3A_248 = vector.broadcast %add3A_247 : i32 to vector<16xi32>
        %add3A_249 = arith.addi %add3A_235, %add3A_248 : vector<16xi32>
        %gather3A_250 = tpu.vector_load_idx %arg6[%add3A_243] : memref<15008xf32, #tpu.memory_space<vmem>>[vector<16xi32>], vector<16xf32>,
        %gather3A_251 = tpu.vector_load_idx %arg6[%add3A_246] : memref<15008xf32, #tpu.memory_space<vmem>>[vector<16xi32>], vector<16xf32>,
        %sub3A_252 = arith.subf %gather3A_251, %gather3A_250 : vector<16xf32>
        %mul3A_253 = arith.mulf %get3A_161, %sub3A_252 : vector<16xf32>
        %add3A_254 = arith.addf %gather3A_250, %mul3A_253 : vector<16xf32>
        tpu.vector_store_idx %arg8[%add3A_249], %add3A_254 : memref<15200xf32, #tpu.memory_space<vmem>>[vector<16xi32>], vector<16xf32>,
        %add3A_255 = arith.constant 1 : i32
        %add3A_256 = vector.broadcast %add3A_255 : i32 to vector<16xi32>
        %add3A_257 = arith.addi %add3A_243, %add3A_256 : vector<16xi32>
        %add3A_258 = arith.constant 1 : i32
        %add3A_259 = vector.broadcast %add3A_258 : i32 to vector<16xi32>
        %add3A_260 = arith.addi %add3A_246, %add3A_259 : vector<16xi32>
        %add3A_261 = arith.constant 1 : i32
        %add3A_262 = vector.broadcast %add3A_261 : i32 to vector<16xi32>
        %add3A_263 = arith.addi %add3A_249, %add3A_262 : vector<16xi32>
        %gather3A_264 = tpu.vector_load_idx %arg6[%add3A_257] : memref<15008xf32, #tpu.memory_space<vmem>>[vector<16xi32>], vector<16xf32>,
        %gather3A_265 = tpu.vector_load_idx %arg6[%add3A_260] : memref<15008xf32, #tpu.memory_space<vmem>>[vector<16xi32>], vector<16xf32>,
        %sub3A_266 = arith.subf %gather3A_265, %gather3A_264 : vector<16xf32>
        %mul3A_267 = arith.mulf %get3A_161, %sub3A_266 : vector<16xf32>
        %add3A_268 = arith.addf %gather3A_264, %mul3A_267 : vector<16xf32>
        tpu.vector_store_idx %arg8[%add3A_263], %add3A_268 : memref<15200xf32, #tpu.memory_space<vmem>>[vector<16xi32>], vector<16xf32>,
        %add3A_269 = arith.constant 1 : i32
        %add3A_270 = vector.broadcast %add3A_269 : i32 to vector<16xi32>
        %add3A_271 = arith.addi %add3A_257, %add3A_270 : vector<16xi32>
        %add3A_272 = arith.constant 1 : i32
        %add3A_273 = vector.broadcast %add3A_272 : i32 to vector<16xi32>
        %add3A_274 = arith.addi %add3A_260, %add3A_273 : vector<16xi32>
        %add3A_275 = arith.constant 1 : i32
        %add3A_276 = vector.broadcast %add3A_275 : i32 to vector<16xi32>
        %add3A_277 = arith.addi %add3A_263, %add3A_276 : vector<16xi32>
        %gather3A_278 = tpu.vector_load_idx %arg6[%add3A_271] : memref<15008xf32, #tpu.memory_space<vmem>>[vector<16xi32>], vector<16xf32>,
        %gather3A_279 = tpu.vector_load_idx %arg6[%add3A_274] : memref<15008xf32, #tpu.memory_space<vmem>>[vector<16xi32>], vector<16xf32>,
        %sub3A_280 = arith.subf %gather3A_279, %gather3A_278 : vector<16xf32>
        %mul3A_281 = arith.mulf %get3A_161, %sub3A_280 : vector<16xf32>
        %add3A_282 = arith.addf %gather3A_278, %mul3A_281 : vector<16xf32>
        tpu.vector_store_idx %arg8[%add3A_277], %add3A_282 : memref<15200xf32, #tpu.memory_space<vmem>>[vector<16xi32>], vector<16xf32>,
        %add3A_283 = arith.constant 1 : i32
        %add3A_284 = vector.broadcast %add3A_283 : i32 to vector<16xi32>
        %add3A_285 = arith.addi %add3A_271, %add3A_284 : vector<16xi32>
        %add3A_286 = arith.constant 1 : i32
        %add3A_287 = vector.broadcast %add3A_286 : i32 to vector<16xi32>
        %add3A_288 = arith.addi %add3A_274, %add3A_287 : vector<16xi32>
        %add3A_289 = arith.constant 1 : i32
        %add3A_290 = vector.broadcast %add3A_289 : i32 to vector<16xi32>
        %add3A_291 = arith.addi %add3A_277, %add3A_290 : vector<16xi32>
        %gather3A_292 = tpu.vector_load_idx %arg6[%add3A_285] : memref<15008xf32, #tpu.memory_space<vmem>>[vector<16xi32>], vector<16xf32>,
        %gather3A_293 = tpu.vector_load_idx %arg6[%add3A_288] : memref<15008xf32, #tpu.memory_space<vmem>>[vector<16xi32>], vector<16xf32>,
        %sub3A_294 = arith.subf %gather3A_293, %gather3A_292 : vector<16xf32>
        %mul3A_295 = arith.mulf %get3A_161, %sub3A_294 : vector<16xf32>
        %add3A_296 = arith.addf %gather3A_292, %mul3A_295 : vector<16xf32>
        tpu.vector_store_idx %arg8[%add3A_291], %add3A_296 : memref<15200xf32, #tpu.memory_space<vmem>>[vector<16xi32>], vector<16xf32>,
        %add3A_297 = arith.constant 1 : i32
        %add3A_298 = vector.broadcast %add3A_297 : i32 to vector<16xi32>
        %add3A_299 = arith.addi %add3A_285, %add3A_298 : vector<16xi32>
        %add3A_300 = arith.constant 1 : i32
        %add3A_301 = vector.broadcast %add3A_300 : i32 to vector<16xi32>
        %add3A_302 = arith.addi %add3A_288, %add3A_301 : vector<16xi32>
        %add3A_303 = arith.constant 1 : i32
        %add3A_304 = vector.broadcast %add3A_303 : i32 to vector<16xi32>
        %add3A_305 = arith.addi %add3A_291, %add3A_304 : vector<16xi32>
        %gather3A_306 = tpu.vector_load_idx %arg6[%add3A_299] : memref<15008xf32, #tpu.memory_space<vmem>>[vector<16xi32>], vector<16xf32>,
        %gather3A_307 = tpu.vector_load_idx %arg6[%add3A_302] : memref<15008xf32, #tpu.memory_space<vmem>>[vector<16xi32>], vector<16xf32>,
        %sub3A_308 = arith.subf %gather3A_307, %gather3A_306 : vector<16xf32>
        %mul3A_309 = arith.mulf %get3A_161, %sub3A_308 : vector<16xf32>
        %add3A_310 = arith.addf %gather3A_306, %mul3A_309 : vector<16xf32>
        tpu.vector_store_idx %arg8[%add3A_305], %add3A_310 : memref<15200xf32, #tpu.memory_space<vmem>>[vector<16xi32>], vector<16xf32>,
        %add3A_311 = arith.constant 1 : i32
        %add3A_312 = vector.broadcast %add3A_311 : i32 to vector<16xi32>
        %add3A_313 = arith.addi %add3A_299, %add3A_312 : vector<16xi32>
        %add3A_314 = arith.constant 1 : i32
        %add3A_315 = vector.broadcast %add3A_314 : i32 to vector<16xi32>
        %add3A_316 = arith.addi %add3A_302, %add3A_315 : vector<16xi32>
        %add3A_317 = arith.constant 1 : i32
        %add3A_318 = vector.broadcast %add3A_317 : i32 to vector<16xi32>
        %add3A_319 = arith.addi %add3A_305, %add3A_318 : vector<16xi32>
        %gather3A_320 = tpu.vector_load_idx %arg6[%add3A_313] : memref<15008xf32, #tpu.memory_space<vmem>>[vector<16xi32>], vector<16xf32>,
        %gather3A_321 = tpu.vector_load_idx %arg6[%add3A_316] : memref<15008xf32, #tpu.memory_space<vmem>>[vector<16xi32>], vector<16xf32>,
        %sub3A_322 = arith.subf %gather3A_321, %gather3A_320 : vector<16xf32>
        %mul3A_323 = arith.mulf %get3A_161, %sub3A_322 : vector<16xf32>
        %add3A_324 = arith.addf %gather3A_320, %mul3A_323 : vector<16xf32>
        tpu.vector_store_idx %arg8[%add3A_319], %add3A_324 : memref<15200xf32, #tpu.memory_space<vmem>>[vector<16xi32>], vector<16xf32>,
        %add3A_325 = arith.constant 1 : i32
        %add3A_326 = vector.broadcast %add3A_325 : i32 to vector<16xi32>
        %add3A_327 = arith.addi %add3A_313, %add3A_326 : vector<16xi32>
        %add3A_328 = arith.constant 1 : i32
        %add3A_329 = vector.broadcast %add3A_328 : i32 to vector<16xi32>
        %add3A_330 = arith.addi %add3A_316, %add3A_329 : vector<16xi32>
        %add3A_331 = arith.constant 1 : i32
        %add3A_332 = vector.broadcast %add3A_331 : i32 to vector<16xi32>
        %add3A_333 = arith.addi %add3A_319, %add3A_332 : vector<16xi32>
        %gather3A_334 = tpu.vector_load_idx %arg6[%add3A_327] : memref<15008xf32, #tpu.memory_space<vmem>>[vector<16xi32>], vector<16xf32>,
        %gather3A_335 = tpu.vector_load_idx %arg6[%add3A_330] : memref<15008xf32, #tpu.memory_space<vmem>>[vector<16xi32>], vector<16xf32>,
        %sub3A_336 = arith.subf %gather3A_335, %gather3A_334 : vector<16xf32>
        %mul3A_337 = arith.mulf %get3A_161, %sub3A_336 : vector<16xf32>
        %add3A_338 = arith.addf %gather3A_334, %mul3A_337 : vector<16xf32>
        tpu.vector_store_idx %arg8[%add3A_333], %add3A_338 : memref<15200xf32, #tpu.memory_space<vmem>>[vector<16xi32>], vector<16xf32>,
        %add3A_339 = arith.constant 1 : i32
        %add3A_340 = vector.broadcast %add3A_339 : i32 to vector<16xi32>
        %add3A_341 = arith.addi %add3A_327, %add3A_340 : vector<16xi32>
        %add3A_342 = arith.constant 1 : i32
        %add3A_343 = vector.broadcast %add3A_342 : i32 to vector<16xi32>
        %add3A_344 = arith.addi %add3A_330, %add3A_343 : vector<16xi32>
        %add3A_345 = arith.constant 1 : i32
        %add3A_346 = vector.broadcast %add3A_345 : i32 to vector<16xi32>
        %add3A_347 = arith.addi %add3A_333, %add3A_346 : vector<16xi32>
        %gather3A_348 = tpu.vector_load_idx %arg6[%add3A_341] : memref<15008xf32, #tpu.memory_space<vmem>>[vector<16xi32>], vector<16xf32>,
        %gather3A_349 = tpu.vector_load_idx %arg6[%add3A_344] : memref<15008xf32, #tpu.memory_space<vmem>>[vector<16xi32>], vector<16xf32>,
        %sub3A_350 = arith.subf %gather3A_349, %gather3A_348 : vector<16xf32>
        %mul3A_351 = arith.mulf %get3A_161, %sub3A_350 : vector<16xf32>
        %add3A_352 = arith.addf %gather3A_348, %mul3A_351 : vector<16xf32>
        tpu.vector_store_idx %arg8[%add3A_347], %add3A_352 : memref<15200xf32, #tpu.memory_space<vmem>>[vector<16xi32>], vector<16xf32>,
        %add3A_353 = arith.constant 1 : i32
        %add3A_354 = vector.broadcast %add3A_353 : i32 to vector<16xi32>
        %add3A_355 = arith.addi %add3A_341, %add3A_354 : vector<16xi32>
        %add3A_356 = arith.constant 1 : i32
        %add3A_357 = vector.broadcast %add3A_356 : i32 to vector<16xi32>
        %add3A_358 = arith.addi %add3A_344, %add3A_357 : vector<16xi32>
        %add3A_359 = arith.constant 1 : i32
        %add3A_360 = vector.broadcast %add3A_359 : i32 to vector<16xi32>
        %add3A_361 = arith.addi %add3A_347, %add3A_360 : vector<16xi32>
        %gather3A_362 = tpu.vector_load_idx %arg6[%add3A_355] : memref<15008xf32, #tpu.memory_space<vmem>>[vector<16xi32>], vector<16xf32>,
        %gather3A_363 = tpu.vector_load_idx %arg6[%add3A_358] : memref<15008xf32, #tpu.memory_space<vmem>>[vector<16xi32>], vector<16xf32>,
        %sub3A_364 = arith.subf %gather3A_363, %gather3A_362 : vector<16xf32>
        %mul3A_365 = arith.mulf %get3A_161, %sub3A_364 : vector<16xf32>
        %add3A_366 = arith.addf %gather3A_362, %mul3A_365 : vector<16xf32>
        tpu.vector_store_idx %arg8[%add3A_361], %add3A_366 : memref<15200xf32, #tpu.memory_space<vmem>>[vector<16xi32>], vector<16xf32>,
        %add3A_367 = arith.constant 1 : i32
        %add3A_368 = vector.broadcast %add3A_367 : i32 to vector<16xi32>
        %add3A_369 = arith.addi %add3A_355, %add3A_368 : vector<16xi32>
        %add3A_370 = arith.constant 1 : i32
        %add3A_371 = vector.broadcast %add3A_370 : i32 to vector<16xi32>
        %add3A_372 = arith.addi %add3A_358, %add3A_371 : vector<16xi32>
        %add3A_373 = arith.constant 1 : i32
        %add3A_374 = vector.broadcast %add3A_373 : i32 to vector<16xi32>
        %add3A_375 = arith.addi %add3A_361, %add3A_374 : vector<16xi32>
        %gather3A_376 = tpu.vector_load_idx %arg6[%add3A_369] : memref<15008xf32, #tpu.memory_space<vmem>>[vector<16xi32>], vector<16xf32>,
        %gather3A_377 = tpu.vector_load_idx %arg6[%add3A_372] : memref<15008xf32, #tpu.memory_space<vmem>>[vector<16xi32>], vector<16xf32>,
        %sub3A_378 = arith.subf %gather3A_377, %gather3A_376 : vector<16xf32>
        %mul3A_379 = arith.mulf %get3A_161, %sub3A_378 : vector<16xf32>
        %add3A_380 = arith.addf %gather3A_376, %mul3A_379 : vector<16xf32>
        tpu.vector_store_idx %arg8[%add3A_375], %add3A_380 : memref<15200xf32, #tpu.memory_space<vmem>>[vector<16xi32>], vector<16xf32>,
        %add3A_381 = arith.constant 1 : i32
        %add3A_382 = vector.broadcast %add3A_381 : i32 to vector<16xi32>
        %add3A_383 = arith.addi %add3A_369, %add3A_382 : vector<16xi32>
        %add3A_384 = arith.constant 1 : i32
        %add3A_385 = vector.broadcast %add3A_384 : i32 to vector<16xi32>
        %add3A_386 = arith.addi %add3A_372, %add3A_385 : vector<16xi32>
        %add3A_387 = arith.constant 1 : i32
        %add3A_388 = vector.broadcast %add3A_387 : i32 to vector<16xi32>
        %add3A_389 = arith.addi %add3A_375, %add3A_388 : vector<16xi32>
        %gather3A_390 = tpu.vector_load_idx %arg6[%add3A_383] : memref<15008xf32, #tpu.memory_space<vmem>>[vector<16xi32>], vector<16xf32>,
        %gather3A_391 = tpu.vector_load_idx %arg6[%add3A_386] : memref<15008xf32, #tpu.memory_space<vmem>>[vector<16xi32>], vector<16xf32>,
        %sub3A_392 = arith.subf %gather3A_391, %gather3A_390 : vector<16xf32>
        %mul3A_393 = arith.mulf %get3A_161, %sub3A_392 : vector<16xf32>
        %add3A_394 = arith.addf %gather3A_390, %mul3A_393 : vector<16xf32>
        tpu.vector_store_idx %arg8[%add3A_389], %add3A_394 : memref<15200xf32, #tpu.memory_space<vmem>>[vector<16xi32>], vector<16xf32>,
        %add3A_395 = arith.constant 1 : i32
        %add3A_396 = vector.broadcast %add3A_395 : i32 to vector<16xi32>
        %add3A_397 = arith.addi %add3A_383, %add3A_396 : vector<16xi32>
        %add3A_398 = arith.constant 1 : i32
        %add3A_399 = vector.broadcast %add3A_398 : i32 to vector<16xi32>
        %add3A_400 = arith.addi %add3A_386, %add3A_399 : vector<16xi32>
        %add3A_401 = arith.constant 1 : i32
        %add3A_402 = vector.broadcast %add3A_401 : i32 to vector<16xi32>
        %add3A_403 = arith.addi %add3A_389, %add3A_402 : vector<16xi32>
        %gather3A_404 = tpu.vector_load_idx %arg6[%add3A_397] : memref<15008xf32, #tpu.memory_space<vmem>>[vector<16xi32>], vector<16xf32>,
        %gather3A_405 = tpu.vector_load_idx %arg6[%add3A_400] : memref<15008xf32, #tpu.memory_space<vmem>>[vector<16xi32>], vector<16xf32>,
        %sub3A_406 = arith.subf %gather3A_405, %gather3A_404 : vector<16xf32>
        %mul3A_407 = arith.mulf %get3A_161, %sub3A_406 : vector<16xf32>
        %add3A_408 = arith.addf %gather3A_404, %mul3A_407 : vector<16xf32>
        tpu.vector_store_idx %arg8[%add3A_403], %add3A_408 : memref<15200xf32, #tpu.memory_space<vmem>>[vector<16xi32>], vector<16xf32>,
        %add3A_409 = arith.constant 1 : i32
        %add3A_410 = vector.broadcast %add3A_409 : i32 to vector<16xi32>
        %add3A_411 = arith.addi %add3A_397, %add3A_410 : vector<16xi32>
        %add3A_412 = arith.constant 1 : i32
        %add3A_413 = vector.broadcast %add3A_412 : i32 to vector<16xi32>
        %add3A_414 = arith.addi %add3A_400, %add3A_413 : vector<16xi32>
        %add3A_415 = arith.constant 1 : i32
        %add3A_416 = vector.broadcast %add3A_415 : i32 to vector<16xi32>
        %add3A_417 = arith.addi %add3A_403, %add3A_416 : vector<16xi32>
        %gather3A_418 = tpu.vector_load_idx %arg6[%add3A_411] : memref<15008xf32, #tpu.memory_space<vmem>>[vector<16xi32>], vector<16xf32>,
        %gather3A_419 = tpu.vector_load_idx %arg6[%add3A_414] : memref<15008xf32, #tpu.memory_space<vmem>>[vector<16xi32>], vector<16xf32>,
        %sub3A_420 = arith.subf %gather3A_419, %gather3A_418 : vector<16xf32>
        %mul3A_421 = arith.mulf %get3A_161, %sub3A_420 : vector<16xf32>
        %add3A_422 = arith.addf %gather3A_418, %mul3A_421 : vector<16xf32>
        tpu.vector_store_idx %arg8[%add3A_417], %add3A_422 : memref<15200xf32, #tpu.memory_space<vmem>>[vector<16xi32>], vector<16xf32>,
        %add3A_423 = arith.constant 1 : i32
        %add3A_424 = vector.broadcast %add3A_423 : i32 to vector<16xi32>
        %add3A_425 = arith.addi %add3A_411, %add3A_424 : vector<16xi32>
        %add3A_426 = arith.constant 1 : i32
        %add3A_427 = vector.broadcast %add3A_426 : i32 to vector<16xi32>
        %add3A_428 = arith.addi %add3A_414, %add3A_427 : vector<16xi32>
        %add3A_429 = arith.constant 1 : i32
        %add3A_430 = vector.broadcast %add3A_429 : i32 to vector<16xi32>
        %add3A_431 = arith.addi %add3A_417, %add3A_430 : vector<16xi32>
        %gather3A_432 = tpu.vector_load_idx %arg6[%add3A_425] : memref<15008xf32, #tpu.memory_space<vmem>>[vector<16xi32>], vector<16xf32>,
        %gather3A_433 = tpu.vector_load_idx %arg6[%add3A_428] : memref<15008xf32, #tpu.memory_space<vmem>>[vector<16xi32>], vector<16xf32>,
        %sub3A_434 = arith.subf %gather3A_433, %gather3A_432 : vector<16xf32>
        %mul3A_435 = arith.mulf %get3A_161, %sub3A_434 : vector<16xf32>
        %add3A_436 = arith.addf %gather3A_432, %mul3A_435 : vector<16xf32>
        tpu.vector_store_idx %arg8[%add3A_431], %add3A_436 : memref<15200xf32, #tpu.memory_space<vmem>>[vector<16xi32>], vector<16xf32>,
        %add3A_437 = arith.constant 1 : i32
        %add3A_438 = vector.broadcast %add3A_437 : i32 to vector<16xi32>
        %add3A_439 = arith.addi %add3A_425, %add3A_438 : vector<16xi32>
        %add3A_440 = arith.constant 1 : i32
        %add3A_441 = vector.broadcast %add3A_440 : i32 to vector<16xi32>
        %add3A_442 = arith.addi %add3A_428, %add3A_441 : vector<16xi32>
        %add3A_443 = arith.constant 1 : i32
        %add3A_444 = vector.broadcast %add3A_443 : i32 to vector<16xi32>
        %add3A_445 = arith.addi %add3A_431, %add3A_444 : vector<16xi32>
        %gather3A_446 = tpu.vector_load_idx %arg6[%add3A_439] : memref<15008xf32, #tpu.memory_space<vmem>>[vector<16xi32>], vector<16xf32>,
        %gather3A_447 = tpu.vector_load_idx %arg6[%add3A_442] : memref<15008xf32, #tpu.memory_space<vmem>>[vector<16xi32>], vector<16xf32>,
        %sub3A_448 = arith.subf %gather3A_447, %gather3A_446 : vector<16xf32>
        %mul3A_449 = arith.mulf %get3A_161, %sub3A_448 : vector<16xf32>
        %add3A_450 = arith.addf %gather3A_446, %mul3A_449 : vector<16xf32>
        tpu.vector_store_idx %arg8[%add3A_445], %add3A_450 : memref<15200xf32, #tpu.memory_space<vmem>>[vector<16xi32>], vector<16xf32>,
        %add3A_451 = arith.constant 1 : i32
        %add3A_452 = vector.broadcast %add3A_451 : i32 to vector<16xi32>
        %add3A_453 = arith.addi %add3A_439, %add3A_452 : vector<16xi32>
        %add3A_454 = arith.constant 1 : i32
        %add3A_455 = vector.broadcast %add3A_454 : i32 to vector<16xi32>
        %add3A_456 = arith.addi %add3A_442, %add3A_455 : vector<16xi32>
        %add3A_457 = arith.constant 1 : i32
        %add3A_458 = vector.broadcast %add3A_457 : i32 to vector<16xi32>
        %add3A_459 = arith.addi %add3A_445, %add3A_458 : vector<16xi32>
        %gather3A_460 = tpu.vector_load_idx %arg6[%add3A_453] : memref<15008xf32, #tpu.memory_space<vmem>>[vector<16xi32>], vector<16xf32>,
        %gather3A_461 = tpu.vector_load_idx %arg6[%add3A_456] : memref<15008xf32, #tpu.memory_space<vmem>>[vector<16xi32>], vector<16xf32>,
        %sub3A_462 = arith.subf %gather3A_461, %gather3A_460 : vector<16xf32>
        %mul3A_463 = arith.mulf %get3A_161, %sub3A_462 : vector<16xf32>
        %add3A_464 = arith.addf %gather3A_460, %mul3A_463 : vector<16xf32>
        tpu.vector_store_idx %arg8[%add3A_459], %add3A_464 : memref<15200xf32, #tpu.memory_space<vmem>>[vector<16xi32>], vector<16xf32>,
        %add3A_465 = arith.constant 1 : i32
        %add3A_466 = vector.broadcast %add3A_465 : i32 to vector<16xi32>
        %add3A_467 = arith.addi %add3A_453, %add3A_466 : vector<16xi32>
        %add3A_468 = arith.constant 1 : i32
        %add3A_469 = vector.broadcast %add3A_468 : i32 to vector<16xi32>
        %add3A_470 = arith.addi %add3A_456, %add3A_469 : vector<16xi32>
        %add3A_471 = arith.constant 1 : i32
        %add3A_472 = vector.broadcast %add3A_471 : i32 to vector<16xi32>
        %add3A_473 = arith.addi %add3A_459, %add3A_472 : vector<16xi32>
        %gather3A_474 = tpu.vector_load_idx %arg6[%add3A_467] : memref<15008xf32, #tpu.memory_space<vmem>>[vector<16xi32>], vector<16xf32>,
        %gather3A_475 = tpu.vector_load_idx %arg6[%add3A_470] : memref<15008xf32, #tpu.memory_space<vmem>>[vector<16xi32>], vector<16xf32>,
        %sub3A_476 = arith.subf %gather3A_475, %gather3A_474 : vector<16xf32>
        %mul3A_477 = arith.mulf %get3A_161, %sub3A_476 : vector<16xf32>
        %add3A_478 = arith.addf %gather3A_474, %mul3A_477 : vector<16xf32>
        tpu.vector_store_idx %arg8[%add3A_473], %add3A_478 : memref<15200xf32, #tpu.memory_space<vmem>>[vector<16xi32>], vector<16xf32>,
        %add3A_479 = arith.constant 1 : i32
        %add3A_480 = vector.broadcast %add3A_479 : i32 to vector<16xi32>
        %add3A_481 = arith.addi %add3A_467, %add3A_480 : vector<16xi32>
        %add3A_482 = arith.constant 1 : i32
        %add3A_483 = vector.broadcast %add3A_482 : i32 to vector<16xi32>
        %add3A_484 = arith.addi %add3A_470, %add3A_483 : vector<16xi32>
        %add3A_485 = arith.constant 1 : i32
        %add3A_486 = vector.broadcast %add3A_485 : i32 to vector<16xi32>
        %add3A_487 = arith.addi %add3A_473, %add3A_486 : vector<16xi32>
        %gather3A_488 = tpu.vector_load_idx %arg6[%add3A_481] : memref<15008xf32, #tpu.memory_space<vmem>>[vector<16xi32>], vector<16xf32>,
        %gather3A_489 = tpu.vector_load_idx %arg6[%add3A_484] : memref<15008xf32, #tpu.memory_space<vmem>>[vector<16xi32>], vector<16xf32>,
        %sub3A_490 = arith.subf %gather3A_489, %gather3A_488 : vector<16xf32>
        %mul3A_491 = arith.mulf %get3A_161, %sub3A_490 : vector<16xf32>
        %add3A_492 = arith.addf %gather3A_488, %mul3A_491 : vector<16xf32>
        tpu.vector_store_idx %arg8[%add3A_487], %add3A_492 : memref<15200xf32, #tpu.memory_space<vmem>>[vector<16xi32>], vector<16xf32>,
        %add3A_493 = arith.constant 1 : i32
        %add3A_494 = vector.broadcast %add3A_493 : i32 to vector<16xi32>
        %add3A_495 = arith.addi %add3A_481, %add3A_494 : vector<16xi32>
        %add3A_496 = arith.constant 1 : i32
        %add3A_497 = vector.broadcast %add3A_496 : i32 to vector<16xi32>
        %add3A_498 = arith.addi %add3A_484, %add3A_497 : vector<16xi32>
        %add3A_499 = arith.constant 1 : i32
        %add3A_500 = vector.broadcast %add3A_499 : i32 to vector<16xi32>
        %add3A_501 = arith.addi %add3A_487, %add3A_500 : vector<16xi32>
        %gather3A_502 = tpu.vector_load_idx %arg6[%add3A_495] : memref<15008xf32, #tpu.memory_space<vmem>>[vector<16xi32>], vector<16xf32>,
        %gather3A_503 = tpu.vector_load_idx %arg6[%add3A_498] : memref<15008xf32, #tpu.memory_space<vmem>>[vector<16xi32>], vector<16xf32>,
        %sub3A_504 = arith.subf %gather3A_503, %gather3A_502 : vector<16xf32>
        %mul3A_505 = arith.mulf %get3A_161, %sub3A_504 : vector<16xf32>
        %add3A_506 = arith.addf %gather3A_502, %mul3A_505 : vector<16xf32>
        tpu.vector_store_idx %arg8[%add3A_501], %add3A_506 : memref<15200xf32, #tpu.memory_space<vmem>>[vector<16xi32>], vector<16xf32>,
        %add3A_507 = arith.constant 1 : i32
        %add3A_508 = vector.broadcast %add3A_507 : i32 to vector<16xi32>
        %add3A_509 = arith.addi %add3A_495, %add3A_508 : vector<16xi32>
        %add3A_510 = arith.constant 1 : i32
        %add3A_511 = vector.broadcast %add3A_510 : i32 to vector<16xi32>
        %add3A_512 = arith.addi %add3A_498, %add3A_511 : vector<16xi32>
        %add3A_513 = arith.constant 1 : i32
        %add3A_514 = vector.broadcast %add3A_513 : i32 to vector<16xi32>
        %add3A_515 = arith.addi %add3A_501, %add3A_514 : vector<16xi32>
        %gather3A_516 = tpu.vector_load_idx %arg6[%add3A_509] : memref<15008xf32, #tpu.memory_space<vmem>>[vector<16xi32>], vector<16xf32>,
        %gather3A_517 = tpu.vector_load_idx %arg6[%add3A_512] : memref<15008xf32, #tpu.memory_space<vmem>>[vector<16xi32>], vector<16xf32>,
        %sub3A_518 = arith.subf %gather3A_517, %gather3A_516 : vector<16xf32>
        %mul3A_519 = arith.mulf %get3A_161, %sub3A_518 : vector<16xf32>
        %add3A_520 = arith.addf %gather3A_516, %mul3A_519 : vector<16xf32>
        tpu.vector_store_idx %arg8[%add3A_515], %add3A_520 : memref<15200xf32, #tpu.memory_space<vmem>>[vector<16xi32>], vector<16xf32>,
        %add3A_521 = arith.constant 1 : i32
        %add3A_522 = vector.broadcast %add3A_521 : i32 to vector<16xi32>
        %add3A_523 = arith.addi %add3A_509, %add3A_522 : vector<16xi32>
        %add3A_524 = arith.constant 1 : i32
        %add3A_525 = vector.broadcast %add3A_524 : i32 to vector<16xi32>
        %add3A_526 = arith.addi %add3A_512, %add3A_525 : vector<16xi32>
        %add3A_527 = arith.constant 1 : i32
        %add3A_528 = vector.broadcast %add3A_527 : i32 to vector<16xi32>
        %add3A_529 = arith.addi %add3A_515, %add3A_528 : vector<16xi32>
        %gather3A_530 = tpu.vector_load_idx %arg6[%add3A_523] : memref<15008xf32, #tpu.memory_space<vmem>>[vector<16xi32>], vector<16xf32>,
        %gather3A_531 = tpu.vector_load_idx %arg6[%add3A_526] : memref<15008xf32, #tpu.memory_space<vmem>>[vector<16xi32>], vector<16xf32>,
        %sub3A_532 = arith.subf %gather3A_531, %gather3A_530 : vector<16xf32>
        %mul3A_533 = arith.mulf %get3A_161, %sub3A_532 : vector<16xf32>
        %add3A_534 = arith.addf %gather3A_530, %mul3A_533 : vector<16xf32>
        tpu.vector_store_idx %arg8[%add3A_529], %add3A_534 : memref<15200xf32, #tpu.memory_space<vmem>>[vector<16xi32>], vector<16xf32>,
        %add3A_535 = arith.constant 1 : i32
        %add3A_536 = vector.broadcast %add3A_535 : i32 to vector<16xi32>
        %add3A_537 = arith.addi %add3A_523, %add3A_536 : vector<16xi32>
        %add3A_538 = arith.constant 1 : i32
        %add3A_539 = vector.broadcast %add3A_538 : i32 to vector<16xi32>
        %add3A_540 = arith.addi %add3A_526, %add3A_539 : vector<16xi32>
        %add3A_541 = arith.constant 1 : i32
        %add3A_542 = vector.broadcast %add3A_541 : i32 to vector<16xi32>
        %add3A_543 = arith.addi %add3A_529, %add3A_542 : vector<16xi32>
        %gather3A_544 = tpu.vector_load_idx %arg6[%add3A_537] : memref<15008xf32, #tpu.memory_space<vmem>>[vector<16xi32>], vector<16xf32>,
        %gather3A_545 = tpu.vector_load_idx %arg6[%add3A_540] : memref<15008xf32, #tpu.memory_space<vmem>>[vector<16xi32>], vector<16xf32>,
        %sub3A_546 = arith.subf %gather3A_545, %gather3A_544 : vector<16xf32>
        %mul3A_547 = arith.mulf %get3A_161, %sub3A_546 : vector<16xf32>
        %add3A_548 = arith.addf %gather3A_544, %mul3A_547 : vector<16xf32>
        tpu.vector_store_idx %arg8[%add3A_543], %add3A_548 : memref<15200xf32, #tpu.memory_space<vmem>>[vector<16xi32>], vector<16xf32>,
        %add3A_549 = arith.constant 1 : i32
        %add3A_550 = vector.broadcast %add3A_549 : i32 to vector<16xi32>
        %add3A_551 = arith.addi %add3A_537, %add3A_550 : vector<16xi32>
        %add3A_552 = arith.constant 1 : i32
        %add3A_553 = vector.broadcast %add3A_552 : i32 to vector<16xi32>
        %add3A_554 = arith.addi %add3A_540, %add3A_553 : vector<16xi32>
        %add3A_555 = arith.constant 1 : i32
        %add3A_556 = vector.broadcast %add3A_555 : i32 to vector<16xi32>
        %add3A_557 = arith.addi %add3A_543, %add3A_556 : vector<16xi32>
        %gather3A_558 = tpu.vector_load_idx %arg6[%add3A_551] : memref<15008xf32, #tpu.memory_space<vmem>>[vector<16xi32>], vector<16xf32>,
        %gather3A_559 = tpu.vector_load_idx %arg6[%add3A_554] : memref<15008xf32, #tpu.memory_space<vmem>>[vector<16xi32>], vector<16xf32>,
        %sub3A_560 = arith.subf %gather3A_559, %gather3A_558 : vector<16xf32>
        %mul3A_561 = arith.mulf %get3A_161, %sub3A_560 : vector<16xf32>
        %add3A_562 = arith.addf %gather3A_558, %mul3A_561 : vector<16xf32>
        tpu.vector_store_idx %arg8[%add3A_557], %add3A_562 : memref<15200xf32, #tpu.memory_space<vmem>>[vector<16xi32>], vector<16xf32>,
        %add3A_563 = arith.constant 1 : i32
        %add3A_564 = vector.broadcast %add3A_563 : i32 to vector<16xi32>
        %add3A_565 = arith.addi %add3A_551, %add3A_564 : vector<16xi32>
        %add3A_566 = arith.constant 1 : i32
        %add3A_567 = vector.broadcast %add3A_566 : i32 to vector<16xi32>
        %add3A_568 = arith.addi %add3A_554, %add3A_567 : vector<16xi32>
        %add3A_569 = arith.constant 1 : i32
        %add3A_570 = vector.broadcast %add3A_569 : i32 to vector<16xi32>
        %add3A_571 = arith.addi %add3A_557, %add3A_570 : vector<16xi32>
        %gather3A_572 = tpu.vector_load_idx %arg6[%add3A_565] : memref<15008xf32, #tpu.memory_space<vmem>>[vector<16xi32>], vector<16xf32>,
        %gather3A_573 = tpu.vector_load_idx %arg6[%add3A_568] : memref<15008xf32, #tpu.memory_space<vmem>>[vector<16xi32>], vector<16xf32>,
        %sub3A_574 = arith.subf %gather3A_573, %gather3A_572 : vector<16xf32>
        %mul3A_575 = arith.mulf %get3A_161, %sub3A_574 : vector<16xf32>
        %add3A_576 = arith.addf %gather3A_572, %mul3A_575 : vector<16xf32>
        tpu.vector_store_idx %arg8[%add3A_571], %add3A_576 : memref<15200xf32, #tpu.memory_space<vmem>>[vector<16xi32>], vector<16xf32>,
        %add3A_577 = arith.constant 1 : i32
        %add3A_578 = vector.broadcast %add3A_577 : i32 to vector<16xi32>
        %add3A_579 = arith.addi %add3A_565, %add3A_578 : vector<16xi32>
        %add3A_580 = arith.constant 1 : i32
        %add3A_581 = vector.broadcast %add3A_580 : i32 to vector<16xi32>
        %add3A_582 = arith.addi %add3A_568, %add3A_581 : vector<16xi32>
        %add3A_583 = arith.constant 1 : i32
        %add3A_584 = vector.broadcast %add3A_583 : i32 to vector<16xi32>
        %add3A_585 = arith.addi %add3A_571, %add3A_584 : vector<16xi32>
        %gather3A_586 = tpu.vector_load_idx %arg6[%add3A_579] : memref<15008xf32, #tpu.memory_space<vmem>>[vector<16xi32>], vector<16xf32>,
        %gather3A_587 = tpu.vector_load_idx %arg6[%add3A_582] : memref<15008xf32, #tpu.memory_space<vmem>>[vector<16xi32>], vector<16xf32>,
        %sub3A_588 = arith.subf %gather3A_587, %gather3A_586 : vector<16xf32>
        %mul3A_589 = arith.mulf %get3A_161, %sub3A_588 : vector<16xf32>
        %add3A_590 = arith.addf %gather3A_586, %mul3A_589 : vector<16xf32>
        tpu.vector_store_idx %arg8[%add3A_585], %add3A_590 : memref<15200xf32, #tpu.memory_space<vmem>>[vector<16xi32>], vector<16xf32>,
        %add3A_591 = arith.constant 1 : i32
        %add3A_592 = vector.broadcast %add3A_591 : i32 to vector<16xi32>
        %add3A_593 = arith.addi %add3A_579, %add3A_592 : vector<16xi32>
        %add3A_594 = arith.constant 1 : i32
        %add3A_595 = vector.broadcast %add3A_594 : i32 to vector<16xi32>
        %add3A_596 = arith.addi %add3A_582, %add3A_595 : vector<16xi32>
        %add3A_597 = arith.constant 1 : i32
        %add3A_598 = vector.broadcast %add3A_597 : i32 to vector<16xi32>
        %add3A_599 = arith.addi %add3A_585, %add3A_598 : vector<16xi32>
        %gather3A_600 = tpu.vector_load_idx %arg6[%add3A_593] : memref<15008xf32, #tpu.memory_space<vmem>>[vector<16xi32>], vector<16xf32>,
        %gather3A_601 = tpu.vector_load_idx %arg6[%add3A_596] : memref<15008xf32, #tpu.memory_space<vmem>>[vector<16xi32>], vector<16xf32>,
        %sub3A_602 = arith.subf %gather3A_601, %gather3A_600 : vector<16xf32>
        %mul3A_603 = arith.mulf %get3A_161, %sub3A_602 : vector<16xf32>
        %add3A_604 = arith.addf %gather3A_600, %mul3A_603 : vector<16xf32>
        tpu.vector_store_idx %arg8[%add3A_599], %add3A_604 : memref<15200xf32, #tpu.memory_space<vmem>>[vector<16xi32>], vector<16xf32>,
        %add3A_605 = arith.constant 1 : i32
        %add3A_606 = vector.broadcast %add3A_605 : i32 to vector<16xi32>
        %add3A_607 = arith.addi %add3A_593, %add3A_606 : vector<16xi32>
        %add3A_608 = arith.constant 1 : i32
        %add3A_609 = vector.broadcast %add3A_608 : i32 to vector<16xi32>
        %add3A_610 = arith.addi %add3A_596, %add3A_609 : vector<16xi32>
        %add3A_611 = arith.constant 1 : i32
        %add3A_612 = vector.broadcast %add3A_611 : i32 to vector<16xi32>
        %add3A_613 = arith.addi %add3A_599, %add3A_612 : vector<16xi32>
        %gather3A_614 = tpu.vector_load_idx %arg6[%add3A_607] : memref<15008xf32, #tpu.memory_space<vmem>>[vector<16xi32>], vector<16xf32>,
        %gather3A_615 = tpu.vector_load_idx %arg6[%add3A_610] : memref<15008xf32, #tpu.memory_space<vmem>>[vector<16xi32>], vector<16xf32>,
        %sub3A_616 = arith.subf %gather3A_615, %gather3A_614 : vector<16xf32>
        %mul3A_617 = arith.mulf %get3A_161, %sub3A_616 : vector<16xf32>
        %add3A_618 = arith.addf %gather3A_614, %mul3A_617 : vector<16xf32>
        tpu.vector_store_idx %arg8[%add3A_613], %add3A_618 : memref<15200xf32, #tpu.memory_space<vmem>>[vector<16xi32>], vector<16xf32>,
        %add3A_619 = arith.constant 1 : i32
        %add3A_620 = vector.broadcast %add3A_619 : i32 to vector<16xi32>
        %add3A_621 = arith.addi %add3A_607, %add3A_620 : vector<16xi32>
        %add3A_622 = arith.constant 1 : i32
        %add3A_623 = vector.broadcast %add3A_622 : i32 to vector<16xi32>
        %add3A_624 = arith.addi %add3A_610, %add3A_623 : vector<16xi32>
        %add3A_625 = arith.constant 1 : i32
        %add3A_626 = vector.broadcast %add3A_625 : i32 to vector<16xi32>
        %add3A_627 = arith.addi %add3A_613, %add3A_626 : vector<16xi32>
        %gather3A_628 = tpu.vector_load_idx %arg6[%add3A_621] : memref<15008xf32, #tpu.memory_space<vmem>>[vector<16xi32>], vector<16xf32>,
        %gather3A_629 = tpu.vector_load_idx %arg6[%add3A_624] : memref<15008xf32, #tpu.memory_space<vmem>>[vector<16xi32>], vector<16xf32>,
        %sub3A_630 = arith.subf %gather3A_629, %gather3A_628 : vector<16xf32>
        %mul3A_631 = arith.mulf %get3A_161, %sub3A_630 : vector<16xf32>
        %add3A_632 = arith.addf %gather3A_628, %mul3A_631 : vector<16xf32>
        tpu.vector_store_idx %arg8[%add3A_627], %add3A_632 : memref<15200xf32, #tpu.memory_space<vmem>>[vector<16xi32>], vector<16xf32>,
        %add3A_633 = arith.constant 1 : i32
        %add3A_634 = vector.broadcast %add3A_633 : i32 to vector<16xi32>
        %add3A_635 = arith.addi %add3A_621, %add3A_634 : vector<16xi32>
        %add3A_636 = arith.constant 1 : i32
        %add3A_637 = vector.broadcast %add3A_636 : i32 to vector<16xi32>
        %add3A_638 = arith.addi %add3A_624, %add3A_637 : vector<16xi32>
        %add3A_639 = arith.constant 1 : i32
        %add3A_640 = vector.broadcast %add3A_639 : i32 to vector<16xi32>
        %add3A_641 = arith.addi %add3A_627, %add3A_640 : vector<16xi32>
        %gather3A_642 = tpu.vector_load_idx %arg6[%add3A_635] : memref<15008xf32, #tpu.memory_space<vmem>>[vector<16xi32>], vector<16xf32>,
        %gather3A_643 = tpu.vector_load_idx %arg6[%add3A_638] : memref<15008xf32, #tpu.memory_space<vmem>>[vector<16xi32>], vector<16xf32>,
        %sub3A_644 = arith.subf %gather3A_643, %gather3A_642 : vector<16xf32>
        %mul3A_645 = arith.mulf %get3A_161, %sub3A_644 : vector<16xf32>
        %add3A_646 = arith.addf %gather3A_642, %mul3A_645 : vector<16xf32>
        tpu.vector_store_idx %arg8[%add3A_641], %add3A_646 : memref<15200xf32, #tpu.memory_space<vmem>>[vector<16xi32>], vector<16xf32>,
        %add3A_647 = arith.constant 1 : i32
        %add3A_648 = vector.broadcast %add3A_647 : i32 to vector<16xi32>
        %add3A_649 = arith.addi %add3A_635, %add3A_648 : vector<16xi32>
        %add3A_650 = arith.constant 1 : i32
        %add3A_651 = vector.broadcast %add3A_650 : i32 to vector<16xi32>
        %add3A_652 = arith.addi %add3A_638, %add3A_651 : vector<16xi32>
        %add3A_653 = arith.constant 1 : i32
        %add3A_654 = vector.broadcast %add3A_653 : i32 to vector<16xi32>
        %add3A_655 = arith.addi %add3A_641, %add3A_654 : vector<16xi32>
        %gather3A_656 = tpu.vector_load_idx %arg6[%add3A_649] : memref<15008xf32, #tpu.memory_space<vmem>>[vector<16xi32>], vector<16xf32>,
        %gather3A_657 = tpu.vector_load_idx %arg6[%add3A_652] : memref<15008xf32, #tpu.memory_space<vmem>>[vector<16xi32>], vector<16xf32>,
        %sub3A_658 = arith.subf %gather3A_657, %gather3A_656 : vector<16xf32>
        %mul3A_659 = arith.mulf %get3A_161, %sub3A_658 : vector<16xf32>
        %add3A_660 = arith.addf %gather3A_656, %mul3A_659 : vector<16xf32>
        tpu.vector_store_idx %arg8[%add3A_655], %add3A_660 : memref<15200xf32, #tpu.memory_space<vmem>>[vector<16xi32>], vector<16xf32>,
        %add3A_661 = arith.constant 1 : i32
        %add3A_662 = vector.broadcast %add3A_661 : i32 to vector<16xi32>
        %add3A_663 = arith.addi %add3A_649, %add3A_662 : vector<16xi32>
        %add3A_664 = arith.constant 1 : i32
        %add3A_665 = vector.broadcast %add3A_664 : i32 to vector<16xi32>
        %add3A_666 = arith.addi %add3A_652, %add3A_665 : vector<16xi32>
        %add3A_667 = arith.constant 1 : i32
        %add3A_668 = vector.broadcast %add3A_667 : i32 to vector<16xi32>
        %add3A_669 = arith.addi %add3A_655, %add3A_668 : vector<16xi32>
        %gather3A_670 = tpu.vector_load_idx %arg6[%add3A_663] : memref<15008xf32, #tpu.memory_space<vmem>>[vector<16xi32>], vector<16xf32>,
        %gather3A_671 = tpu.vector_load_idx %arg6[%add3A_666] : memref<15008xf32, #tpu.memory_space<vmem>>[vector<16xi32>], vector<16xf32>,
        %sub3A_672 = arith.subf %gather3A_671, %gather3A_670 : vector<16xf32>
        %mul3A_673 = arith.mulf %get3A_161, %sub3A_672 : vector<16xf32>
        %add3A_674 = arith.addf %gather3A_670, %mul3A_673 : vector<16xf32>
        tpu.vector_store_idx %arg8[%add3A_669], %add3A_674 : memref<15200xf32, #tpu.memory_space<vmem>>[vector<16xi32>], vector<16xf32>,
        %add3A_675 = arith.constant 1 : i32
        %add3A_676 = vector.broadcast %add3A_675 : i32 to vector<16xi32>
        %add3A_677 = arith.addi %add3A_663, %add3A_676 : vector<16xi32>
        %add3A_678 = arith.constant 1 : i32
        %add3A_679 = vector.broadcast %add3A_678 : i32 to vector<16xi32>
        %add3A_680 = arith.addi %add3A_666, %add3A_679 : vector<16xi32>
        %add3A_681 = arith.constant 1 : i32
        %add3A_682 = vector.broadcast %add3A_681 : i32 to vector<16xi32>
        %add3A_683 = arith.addi %add3A_669, %add3A_682 : vector<16xi32>
        %gather3A_684 = tpu.vector_load_idx %arg6[%add3A_677] : memref<15008xf32, #tpu.memory_space<vmem>>[vector<16xi32>], vector<16xf32>,
        %gather3A_685 = tpu.vector_load_idx %arg6[%add3A_680] : memref<15008xf32, #tpu.memory_space<vmem>>[vector<16xi32>], vector<16xf32>,
        %sub3A_686 = arith.subf %gather3A_685, %gather3A_684 : vector<16xf32>
        %mul3A_687 = arith.mulf %get3A_161, %sub3A_686 : vector<16xf32>
        %add3A_688 = arith.addf %gather3A_684, %mul3A_687 : vector<16xf32>
        tpu.vector_store_idx %arg8[%add3A_683], %add3A_688 : memref<15200xf32, #tpu.memory_space<vmem>>[vector<16xi32>], vector<16xf32>,
        %add3A_689 = arith.constant 1 : i32
        %add3A_690 = vector.broadcast %add3A_689 : i32 to vector<16xi32>
        %add3A_691 = arith.addi %add3A_677, %add3A_690 : vector<16xi32>
        %add3A_692 = arith.constant 1 : i32
        %add3A_693 = vector.broadcast %add3A_692 : i32 to vector<16xi32>
        %add3A_694 = arith.addi %add3A_680, %add3A_693 : vector<16xi32>
        %add3A_695 = arith.constant 1 : i32
        %add3A_696 = vector.broadcast %add3A_695 : i32 to vector<16xi32>
        %add3A_697 = arith.addi %add3A_683, %add3A_696 : vector<16xi32>
        %gather3A_698 = tpu.vector_load_idx %arg6[%add3A_691] : memref<15008xf32, #tpu.memory_space<vmem>>[vector<16xi32>], vector<16xf32>,
        %gather3A_699 = tpu.vector_load_idx %arg6[%add3A_694] : memref<15008xf32, #tpu.memory_space<vmem>>[vector<16xi32>], vector<16xf32>,
        %sub3A_700 = arith.subf %gather3A_699, %gather3A_698 : vector<16xf32>
        %mul3A_701 = arith.mulf %get3A_161, %sub3A_700 : vector<16xf32>
        %add3A_702 = arith.addf %gather3A_698, %mul3A_701 : vector<16xf32>
        tpu.vector_store_idx %arg8[%add3A_697], %add3A_702 : memref<15200xf32, #tpu.memory_space<vmem>>[vector<16xi32>], vector<16xf32>,
        %add3A_703 = arith.constant 1 : i32
        %add3A_704 = vector.broadcast %add3A_703 : i32 to vector<16xi32>
        %add3A_705 = arith.addi %add3A_691, %add3A_704 : vector<16xi32>
        %add3A_706 = arith.constant 1 : i32
        %add3A_707 = vector.broadcast %add3A_706 : i32 to vector<16xi32>
        %add3A_708 = arith.addi %add3A_694, %add3A_707 : vector<16xi32>
        %add3A_709 = arith.constant 1 : i32
        %add3A_710 = vector.broadcast %add3A_709 : i32 to vector<16xi32>
        %add3A_711 = arith.addi %add3A_697, %add3A_710 : vector<16xi32>
        %gather3A_712 = tpu.vector_load_idx %arg6[%add3A_705] : memref<15008xf32, #tpu.memory_space<vmem>>[vector<16xi32>], vector<16xf32>,
        %gather3A_713 = tpu.vector_load_idx %arg6[%add3A_708] : memref<15008xf32, #tpu.memory_space<vmem>>[vector<16xi32>], vector<16xf32>,
        %sub3A_714 = arith.subf %gather3A_713, %gather3A_712 : vector<16xf32>
        %mul3A_715 = arith.mulf %get3A_161, %sub3A_714 : vector<16xf32>
        %add3A_716 = arith.addf %gather3A_712, %mul3A_715 : vector<16xf32>
        tpu.vector_store_idx %arg8[%add3A_711], %add3A_716 : memref<15200xf32, #tpu.memory_space<vmem>>[vector<16xi32>], vector<16xf32>,
        %add3A_717 = arith.constant 1 : i32
        %add3A_718 = vector.broadcast %add3A_717 : i32 to vector<16xi32>
        %add3A_719 = arith.addi %add3A_705, %add3A_718 : vector<16xi32>
        %add3A_720 = arith.constant 1 : i32
        %add3A_721 = vector.broadcast %add3A_720 : i32 to vector<16xi32>
        %add3A_722 = arith.addi %add3A_708, %add3A_721 : vector<16xi32>
        %add3A_723 = arith.constant 1 : i32
        %add3A_724 = vector.broadcast %add3A_723 : i32 to vector<16xi32>
        %add3A_725 = arith.addi %add3A_711, %add3A_724 : vector<16xi32>
        %gather3A_726 = tpu.vector_load_idx %arg6[%add3A_719] : memref<15008xf32, #tpu.memory_space<vmem>>[vector<16xi32>], vector<16xf32>,
        %gather3A_727 = tpu.vector_load_idx %arg6[%add3A_722] : memref<15008xf32, #tpu.memory_space<vmem>>[vector<16xi32>], vector<16xf32>,
        %sub3A_728 = arith.subf %gather3A_727, %gather3A_726 : vector<16xf32>
        %mul3A_729 = arith.mulf %get3A_161, %sub3A_728 : vector<16xf32>
        %add3A_730 = arith.addf %gather3A_726, %mul3A_729 : vector<16xf32>
        tpu.vector_store_idx %arg8[%add3A_725], %add3A_730 : memref<15200xf32, #tpu.memory_space<vmem>>[vector<16xi32>], vector<16xf32>,
        %add3A_731 = arith.constant 1 : i32
        %add3A_732 = vector.broadcast %add3A_731 : i32 to vector<16xi32>
        %add3A_733 = arith.addi %add3A_719, %add3A_732 : vector<16xi32>
        %add3A_734 = arith.constant 1 : i32
        %add3A_735 = vector.broadcast %add3A_734 : i32 to vector<16xi32>
        %add3A_736 = arith.addi %add3A_722, %add3A_735 : vector<16xi32>
        %add3A_737 = arith.constant 1 : i32
        %add3A_738 = vector.broadcast %add3A_737 : i32 to vector<16xi32>
        %add3A_739 = arith.addi %add3A_725, %add3A_738 : vector<16xi32>
        %gather3A_740 = tpu.vector_load_idx %arg6[%add3A_733] : memref<15008xf32, #tpu.memory_space<vmem>>[vector<16xi32>], vector<16xf32>,
        %gather3A_741 = tpu.vector_load_idx %arg6[%add3A_736] : memref<15008xf32, #tpu.memory_space<vmem>>[vector<16xi32>], vector<16xf32>,
        %sub3A_742 = arith.subf %gather3A_741, %gather3A_740 : vector<16xf32>
        %mul3A_743 = arith.mulf %get3A_161, %sub3A_742 : vector<16xf32>
        %add3A_744 = arith.addf %gather3A_740, %mul3A_743 : vector<16xf32>
        tpu.vector_store_idx %arg8[%add3A_739], %add3A_744 : memref<15200xf32, #tpu.memory_space<vmem>>[vector<16xi32>], vector<16xf32>,
        %add3A_745 = arith.constant 1 : i32
        %add3A_746 = vector.broadcast %add3A_745 : i32 to vector<16xi32>
        %add3A_747 = arith.addi %add3A_733, %add3A_746 : vector<16xi32>
        %add3A_748 = arith.constant 1 : i32
        %add3A_749 = vector.broadcast %add3A_748 : i32 to vector<16xi32>
        %add3A_750 = arith.addi %add3A_736, %add3A_749 : vector<16xi32>
        %add3A_751 = arith.constant 1 : i32
        %add3A_752 = vector.broadcast %add3A_751 : i32 to vector<16xi32>
        %add3A_753 = arith.addi %add3A_739, %add3A_752 : vector<16xi32>
        %gather3A_754 = tpu.vector_load_idx %arg6[%add3A_747] : memref<15008xf32, #tpu.memory_space<vmem>>[vector<16xi32>], vector<16xf32>,
        %gather3A_755 = tpu.vector_load_idx %arg6[%add3A_750] : memref<15008xf32, #tpu.memory_space<vmem>>[vector<16xi32>], vector<16xf32>,
        %sub3A_756 = arith.subf %gather3A_755, %gather3A_754 : vector<16xf32>
        %mul3A_757 = arith.mulf %get3A_161, %sub3A_756 : vector<16xf32>
        %add3A_758 = arith.addf %gather3A_754, %mul3A_757 : vector<16xf32>
        tpu.vector_store_idx %arg8[%add3A_753], %add3A_758 : memref<15200xf32, #tpu.memory_space<vmem>>[vector<16xi32>], vector<16xf32>,
        %add3A_759 = arith.constant 1 : i32
        %add3A_760 = vector.broadcast %add3A_759 : i32 to vector<16xi32>
        %add3A_761 = arith.addi %add3A_747, %add3A_760 : vector<16xi32>
        %add3A_762 = arith.constant 1 : i32
        %add3A_763 = vector.broadcast %add3A_762 : i32 to vector<16xi32>
        %add3A_764 = arith.addi %add3A_750, %add3A_763 : vector<16xi32>
        %add3A_765 = arith.constant 1 : i32
        %add3A_766 = vector.broadcast %add3A_765 : i32 to vector<16xi32>
        %add3A_767 = arith.addi %add3A_753, %add3A_766 : vector<16xi32>
        %gather3A_768 = tpu.vector_load_idx %arg6[%add3A_761] : memref<15008xf32, #tpu.memory_space<vmem>>[vector<16xi32>], vector<16xf32>,
        %gather3A_769 = tpu.vector_load_idx %arg6[%add3A_764] : memref<15008xf32, #tpu.memory_space<vmem>>[vector<16xi32>], vector<16xf32>,
        %sub3A_770 = arith.subf %gather3A_769, %gather3A_768 : vector<16xf32>
        %mul3A_771 = arith.mulf %get3A_161, %sub3A_770 : vector<16xf32>
        %add3A_772 = arith.addf %gather3A_768, %mul3A_771 : vector<16xf32>
        tpu.vector_store_idx %arg8[%add3A_767], %add3A_772 : memref<15200xf32, #tpu.memory_space<vmem>>[vector<16xi32>], vector<16xf32>,
        %add3A_773 = arith.constant 1 : i32
        %add3A_774 = vector.broadcast %add3A_773 : i32 to vector<16xi32>
        %add3A_775 = arith.addi %add3A_761, %add3A_774 : vector<16xi32>
        %add3A_776 = arith.constant 1 : i32
        %add3A_777 = vector.broadcast %add3A_776 : i32 to vector<16xi32>
        %add3A_778 = arith.addi %add3A_764, %add3A_777 : vector<16xi32>
        %add3A_779 = arith.constant 1 : i32
        %add3A_780 = vector.broadcast %add3A_779 : i32 to vector<16xi32>
        %add3A_781 = arith.addi %add3A_767, %add3A_780 : vector<16xi32>
        %gather3A_782 = tpu.vector_load_idx %arg6[%add3A_775] : memref<15008xf32, #tpu.memory_space<vmem>>[vector<16xi32>], vector<16xf32>,
        %gather3A_783 = tpu.vector_load_idx %arg6[%add3A_778] : memref<15008xf32, #tpu.memory_space<vmem>>[vector<16xi32>], vector<16xf32>,
        %sub3A_784 = arith.subf %gather3A_783, %gather3A_782 : vector<16xf32>
        %mul3A_785 = arith.mulf %get3A_161, %sub3A_784 : vector<16xf32>
        %add3A_786 = arith.addf %gather3A_782, %mul3A_785 : vector<16xf32>
        tpu.vector_store_idx %arg8[%add3A_781], %add3A_786 : memref<15200xf32, #tpu.memory_space<vmem>>[vector<16xi32>], vector<16xf32>,
        %add3A_787 = arith.constant 1 : i32
        %add3A_788 = vector.broadcast %add3A_787 : i32 to vector<16xi32>
        %add3A_789 = arith.addi %add3A_775, %add3A_788 : vector<16xi32>
        %add3A_790 = arith.constant 1 : i32
        %add3A_791 = vector.broadcast %add3A_790 : i32 to vector<16xi32>
        %add3A_792 = arith.addi %add3A_778, %add3A_791 : vector<16xi32>
        %add3A_793 = arith.constant 1 : i32
        %add3A_794 = vector.broadcast %add3A_793 : i32 to vector<16xi32>
        %add3A_795 = arith.addi %add3A_781, %add3A_794 : vector<16xi32>
        %gather3A_796 = tpu.vector_load_idx %arg6[%add3A_789] : memref<15008xf32, #tpu.memory_space<vmem>>[vector<16xi32>], vector<16xf32>,
        %gather3A_797 = tpu.vector_load_idx %arg6[%add3A_792] : memref<15008xf32, #tpu.memory_space<vmem>>[vector<16xi32>], vector<16xf32>,
        %sub3A_798 = arith.subf %gather3A_797, %gather3A_796 : vector<16xf32>
        %mul3A_799 = arith.mulf %get3A_161, %sub3A_798 : vector<16xf32>
        %add3A_800 = arith.addf %gather3A_796, %mul3A_799 : vector<16xf32>
        tpu.vector_store_idx %arg8[%add3A_795], %add3A_800 : memref<15200xf32, #tpu.memory_space<vmem>>[vector<16xi32>], vector<16xf32>,
        %add3A_801 = arith.constant 1 : i32
        %add3A_802 = vector.broadcast %add3A_801 : i32 to vector<16xi32>
        %add3A_803 = arith.addi %add3A_789, %add3A_802 : vector<16xi32>
        %add3A_804 = arith.constant 1 : i32
        %add3A_805 = vector.broadcast %add3A_804 : i32 to vector<16xi32>
        %add3A_806 = arith.addi %add3A_792, %add3A_805 : vector<16xi32>
        %add3A_807 = arith.constant 1 : i32
        %add3A_808 = vector.broadcast %add3A_807 : i32 to vector<16xi32>
        %add3A_809 = arith.addi %add3A_795, %add3A_808 : vector<16xi32>
        %gather3A_810 = tpu.vector_load_idx %arg6[%add3A_803] : memref<15008xf32, #tpu.memory_space<vmem>>[vector<16xi32>], vector<16xf32>,
        %gather3A_811 = tpu.vector_load_idx %arg6[%add3A_806] : memref<15008xf32, #tpu.memory_space<vmem>>[vector<16xi32>], vector<16xf32>,
        %sub3A_812 = arith.subf %gather3A_811, %gather3A_810 : vector<16xf32>
        %mul3A_813 = arith.mulf %get3A_161, %sub3A_812 : vector<16xf32>
        %add3A_814 = arith.addf %gather3A_810, %mul3A_813 : vector<16xf32>
        tpu.vector_store_idx %arg8[%add3A_809], %add3A_814 : memref<15200xf32, #tpu.memory_space<vmem>>[vector<16xi32>], vector<16xf32>,
        %add3A_815 = arith.constant 1 : i32
        %add3A_816 = vector.broadcast %add3A_815 : i32 to vector<16xi32>
        %add3A_817 = arith.addi %add3A_803, %add3A_816 : vector<16xi32>
        %add3A_818 = arith.constant 1 : i32
        %add3A_819 = vector.broadcast %add3A_818 : i32 to vector<16xi32>
        %add3A_820 = arith.addi %add3A_806, %add3A_819 : vector<16xi32>
        %add3A_821 = arith.constant 1 : i32
        %add3A_822 = vector.broadcast %add3A_821 : i32 to vector<16xi32>
        %add3A_823 = arith.addi %add3A_809, %add3A_822 : vector<16xi32>
        %gather3A_824 = tpu.vector_load_idx %arg6[%add3A_817] : memref<15008xf32, #tpu.memory_space<vmem>>[vector<16xi32>], vector<16xf32>,
        %gather3A_825 = tpu.vector_load_idx %arg6[%add3A_820] : memref<15008xf32, #tpu.memory_space<vmem>>[vector<16xi32>], vector<16xf32>,
        %sub3A_826 = arith.subf %gather3A_825, %gather3A_824 : vector<16xf32>
        %mul3A_827 = arith.mulf %get3A_161, %sub3A_826 : vector<16xf32>
        %add3A_828 = arith.addf %gather3A_824, %mul3A_827 : vector<16xf32>
        tpu.vector_store_idx %arg8[%add3A_823], %add3A_828 : memref<15200xf32, #tpu.memory_space<vmem>>[vector<16xi32>], vector<16xf32>,
        %add3A_829 = arith.constant 1 : i32
        %add3A_830 = vector.broadcast %add3A_829 : i32 to vector<16xi32>
        %add3A_831 = arith.addi %add3A_817, %add3A_830 : vector<16xi32>
        %add3A_832 = arith.constant 1 : i32
        %add3A_833 = vector.broadcast %add3A_832 : i32 to vector<16xi32>
        %add3A_834 = arith.addi %add3A_820, %add3A_833 : vector<16xi32>
        %add3A_835 = arith.constant 1 : i32
        %add3A_836 = vector.broadcast %add3A_835 : i32 to vector<16xi32>
        %add3A_837 = arith.addi %add3A_823, %add3A_836 : vector<16xi32>
        %gather3A_838 = tpu.vector_load_idx %arg6[%add3A_831] : memref<15008xf32, #tpu.memory_space<vmem>>[vector<16xi32>], vector<16xf32>,
        %gather3A_839 = tpu.vector_load_idx %arg6[%add3A_834] : memref<15008xf32, #tpu.memory_space<vmem>>[vector<16xi32>], vector<16xf32>,
        %sub3A_840 = arith.subf %gather3A_839, %gather3A_838 : vector<16xf32>
        %mul3A_841 = arith.mulf %get3A_161, %sub3A_840 : vector<16xf32>
        %add3A_842 = arith.addf %gather3A_838, %mul3A_841 : vector<16xf32>
        tpu.vector_store_idx %arg8[%add3A_837], %add3A_842 : memref<15200xf32, #tpu.memory_space<vmem>>[vector<16xi32>], vector<16xf32>,
        %add3A_843 = arith.constant 1 : i32
        %add3A_844 = vector.broadcast %add3A_843 : i32 to vector<16xi32>
        %add3A_845 = arith.addi %add3A_831, %add3A_844 : vector<16xi32>
        %add3A_846 = arith.constant 1 : i32
        %add3A_847 = vector.broadcast %add3A_846 : i32 to vector<16xi32>
        %add3A_848 = arith.addi %add3A_834, %add3A_847 : vector<16xi32>
        %add3A_849 = arith.constant 1 : i32
        %add3A_850 = vector.broadcast %add3A_849 : i32 to vector<16xi32>
        %add3A_851 = arith.addi %add3A_837, %add3A_850 : vector<16xi32>
        %gather3A_852 = tpu.vector_load_idx %arg6[%add3A_845] : memref<15008xf32, #tpu.memory_space<vmem>>[vector<16xi32>], vector<16xf32>,
        %gather3A_853 = tpu.vector_load_idx %arg6[%add3A_848] : memref<15008xf32, #tpu.memory_space<vmem>>[vector<16xi32>], vector<16xf32>,
        %sub3A_854 = arith.subf %gather3A_853, %gather3A_852 : vector<16xf32>
        %mul3A_855 = arith.mulf %get3A_161, %sub3A_854 : vector<16xf32>
        %add3A_856 = arith.addf %gather3A_852, %mul3A_855 : vector<16xf32>
        tpu.vector_store_idx %arg8[%add3A_851], %add3A_856 : memref<15200xf32, #tpu.memory_space<vmem>>[vector<16xi32>], vector<16xf32>,
        %add3A_857 = arith.constant 1 : i32
        %add3A_858 = vector.broadcast %add3A_857 : i32 to vector<16xi32>
        %add3A_859 = arith.addi %add3A_845, %add3A_858 : vector<16xi32>
        %add3A_860 = arith.constant 1 : i32
        %add3A_861 = vector.broadcast %add3A_860 : i32 to vector<16xi32>
        %add3A_862 = arith.addi %add3A_848, %add3A_861 : vector<16xi32>
        %add3A_863 = arith.constant 1 : i32
        %add3A_864 = vector.broadcast %add3A_863 : i32 to vector<16xi32>
        %add3A_865 = arith.addi %add3A_851, %add3A_864 : vector<16xi32>
        %gather3A_866 = tpu.vector_load_idx %arg6[%add3A_859] : memref<15008xf32, #tpu.memory_space<vmem>>[vector<16xi32>], vector<16xf32>,
        %gather3A_867 = tpu.vector_load_idx %arg6[%add3A_862] : memref<15008xf32, #tpu.memory_space<vmem>>[vector<16xi32>], vector<16xf32>,
        %sub3A_868 = arith.subf %gather3A_867, %gather3A_866 : vector<16xf32>
        %mul3A_869 = arith.mulf %get3A_161, %sub3A_868 : vector<16xf32>
        %add3A_870 = arith.addf %gather3A_866, %mul3A_869 : vector<16xf32>
        tpu.vector_store_idx %arg8[%add3A_865], %add3A_870 : memref<15200xf32, #tpu.memory_space<vmem>>[vector<16xi32>], vector<16xf32>,
      }
      %scan3A_138 = arith.constant 19 : i32
      %mul3A_139 = arith.constant 15008 : i32
      %mul3A_140 = arith.muli %add3A_118, %mul3A_139 : i32
      %dma_start3A_141 = arith.constant 0 : i32
      %dma_start3A_142 = tpu.memref_slice %arg8[%dma_start3A_141] : memref<15200xf32, #tpu.memory_space<vmem>> -> memref<15008xf32, #tpu.memory_space<vmem>>
      %dma_start3A_143 = tpu.memref_slice %arg4[%mul3A_140] : memref<11526144xf32, #tpu.memory_space<hbm>> -> memref<15008xf32, #tpu.memory_space<hbm>>
      %dma_start3A_144 = tpu.memref_slice %arg4[%mul3A_140] : memref<11526144xf32, #tpu.memory_space<hbm>> -> memref<15008xf32, #tpu.memory_space<hbm>>
      %dma_start3A_145 = arith.constant 0 : i32
      %dma_start3A_146 = tpu.memref_slice %arg8[%dma_start3A_145] : memref<15200xf32, #tpu.memory_space<vmem>> -> memref<15008xf32, #tpu.memory_space<vmem>>
      tpu.enqueue_dma source(%dma_start3A_146 : memref<15008xf32, #tpu.memory_space<vmem>>) target(%dma_start3A_144 : memref<15008xf32, #tpu.memory_space<hbm>>) target_semaphore(%arg14 : memref<!tpu.dma_semaphore, #tpu.memory_space<semaphore_mem>>)
      %lt3A_147 = arith.constant 11 : i32
      %lt3A_148 = arith.cmpi slt, %scan3A_80, %lt3A_147 : i32
      %convert_element_type3A_149 = arith.extui %lt3A_148 : i1 to i32
      %cond3A_150 = arith.constant 0 : i32
      %cond3A_151 = arith.cmpi ne, %convert_element_type3A_149, %cond3A_150 : i32
      scf.if %cond3A_151 {
        %add3A_152 = arith.constant 2 : i32
        %add3A_153 = arith.addi %add3A_118, %add3A_152 : i32
        %jit3A_154 = arith.constant 3 : i32
        %div3A_155 = arith.divsi %add3A_153, %jit3A_154 : i32
        %sign3A_156 = arith.constant 0 : i32
        %sign3A_157 = arith.cmpi sgt, %add3A_153, %sign3A_156 : i32
        %sign3A_158 = arith.extui %sign3A_157 : i1 to i32
        %sign3A_159 = arith.constant 0 : i32
        %sign3A_160 = arith.cmpi slt, %add3A_153, %sign3A_159 : i32
        %sign3A_161 = arith.extui %sign3A_160 : i1 to i32
        %sign3A_162 = arith.subi %sign3A_158, %sign3A_161 : i32
        %sign3A_163 = arith.constant 0 : i32
        %sign3A_164 = arith.cmpi sgt, %jit3A_154, %sign3A_163 : i32
        %sign3A_165 = arith.extui %sign3A_164 : i1 to i32
        %sign3A_166 = arith.constant 0 : i32
        %sign3A_167 = arith.cmpi slt, %jit3A_154, %sign3A_166 : i32
        %sign3A_168 = arith.extui %sign3A_167 : i1 to i32
        %sign3A_169 = arith.subi %sign3A_165, %sign3A_168 : i32
        %ne3A_170 = arith.cmpi ne, %sign3A_162, %sign3A_169 : i32
        %rem3A_171 = arith.remsi %add3A_153, %jit3A_154 : i32
        %ne3A_172 = arith.constant 0 : i32
        %ne3A_173 = arith.cmpi ne, %rem3A_171, %ne3A_172 : i32
        %and3A_174 = arith.andi %ne3A_170, %ne3A_173 : i1
        %sub3A_175 = arith.constant 1 : i32
        %sub3A_176 = arith.subi %div3A_155, %sub3A_175 : i32
        %select_n3A_177 = arith.select %and3A_174, %sub3A_176, %div3A_155 : i32
        %mul3A_178 = arith.constant 608 : i32
        %mul3A_179 = arith.muli %select_n3A_177, %mul3A_178 : i32
        %dma_start3A_180 = tpu.memref_slice %arg3[%mul3A_179] : memref<155648xf32, #tpu.memory_space<hbm>> -> memref<608xf32, #tpu.memory_space<hbm>>
        %dma_start3A_181 = tpu.memref_slice %arg3[%mul3A_179] : memref<155648xf32, #tpu.memory_space<hbm>> -> memref<608xf32, #tpu.memory_space<hbm>>
        tpu.enqueue_dma source(%dma_start3A_181 : memref<608xf32, #tpu.memory_space<hbm>>) target(%arg10 : memref<608xf32, #tpu.memory_space<vmem>>) target_semaphore(%arg12 : memref<!tpu.dma_semaphore, #tpu.memory_space<semaphore_mem>>)
        %mul3A_182 = arith.constant 15008 : i32
        %mul3A_183 = arith.muli %add3A_153, %mul3A_182 : i32
        %dma_start3A_184 = tpu.memref_slice %arg2[%mul3A_183] : memref<11526144xf32, #tpu.memory_space<hbm>> -> memref<15008xf32, #tpu.memory_space<hbm>>
        %dma_start3A_185 = tpu.memref_slice %arg2[%mul3A_183] : memref<11526144xf32, #tpu.memory_space<hbm>> -> memref<15008xf32, #tpu.memory_space<hbm>>
        tpu.enqueue_dma source(%dma_start3A_185 : memref<15008xf32, #tpu.memory_space<hbm>>) target(%arg6 : memref<15008xf32, #tpu.memory_space<vmem>>) target_semaphore(%arg12 : memref<!tpu.dma_semaphore, #tpu.memory_space<semaphore_mem>>)
      } else {
      }
    }
    %scan3A_64 = arith.constant 12 : i32
    %dma_wait3A = arith.constant 0 : i32
    %dma_wait3A_65 = tpu.memref_slice %arg7[%dma_wait3A] : memref<15200xf32, #tpu.memory_space<vmem>> -> memref<15008xf32, #tpu.memory_space<vmem>>
    %dma_wait3A_66 = arith.constant 0 : i32
    %dma_wait3A_67 = tpu.memref_slice %arg4[%dma_wait3A_66] : memref<11526144xf32, #tpu.memory_space<hbm>> -> memref<15008xf32, #tpu.memory_space<hbm>>
    %dma_wait3A_68 = arith.constant 0 : i32
    %dma_wait3A_69 = tpu.memref_slice %arg4[%dma_wait3A_68] : memref<11526144xf32, #tpu.memory_space<hbm>> -> memref<15008xf32, #tpu.memory_space<hbm>>
    %dma_wait3A_70 = arith.constant 0 : i32
    %dma_wait3A_71 = tpu.memref_slice %arg7[%dma_wait3A_70] : memref<15200xf32, #tpu.memory_space<vmem>> -> memref<15008xf32, #tpu.memory_space<vmem>>
    tpu.wait_dma2 semaphore(%arg13 : memref<!tpu.dma_semaphore, #tpu.memory_space<semaphore_mem>>) src(%dma_wait3A_71 : memref<15008xf32, #tpu.memory_space<vmem>>) dst(%dma_wait3A_69 : memref<15008xf32, #tpu.memory_space<hbm>>)
    %dma_wait3A_72 = arith.constant 0 : i32
    %dma_wait3A_73 = tpu.memref_slice %arg8[%dma_wait3A_72] : memref<15200xf32, #tpu.memory_space<vmem>> -> memref<15008xf32, #tpu.memory_space<vmem>>
    %dma_wait3A_74 = arith.constant 0 : i32
    %dma_wait3A_75 = tpu.memref_slice %arg4[%dma_wait3A_74] : memref<11526144xf32, #tpu.memory_space<hbm>> -> memref<15008xf32, #tpu.memory_space<hbm>>
    %dma_wait3A_76 = arith.constant 0 : i32
    %dma_wait3A_77 = tpu.memref_slice %arg4[%dma_wait3A_76] : memref<11526144xf32, #tpu.memory_space<hbm>> -> memref<15008xf32, #tpu.memory_space<hbm>>
    %dma_wait3A_78 = arith.constant 0 : i32
    %dma_wait3A_79 = tpu.memref_slice %arg8[%dma_wait3A_78] : memref<15200xf32, #tpu.memory_space<vmem>> -> memref<15008xf32, #tpu.memory_space<vmem>>
    tpu.wait_dma2 semaphore(%arg14 : memref<!tpu.dma_semaphore, #tpu.memory_space<semaphore_mem>>) src(%dma_wait3A_79 : memref<15008xf32, #tpu.memory_space<vmem>>) dst(%dma_wait3A_77 : memref<15008xf32, #tpu.memory_space<hbm>>)
    return
  }
}

</mosaic_0001>

<sc_bundles>
// kernel: kernel.3.cloned.1.call-start
scs
__scs_entry_jumppad:
0x0: {  	(pc) =	sbr.rel $0x88, $3  }
0x1: {  	(tag) =	ssettag $0x0;
	lr =	simm.s32 $0x1  }
0x2: {  	[smem:$0x3FA0] =	sst lr;
	_ =	strace $0xD0000000  }
0x3: {  	_ = 	snop  }
0x4: {  	_ = 	snop  }
0x5: {  	_ = 	snop  }
0x6: {  	_ = 	snop  }
0x7: {  	_ = 	snop  }
__scs_overlays_trampoline_lowered:
0x8: {  	[smem:$0x3FAF] =	sst s0  }
0x9: {  	[smem:$0x3FB0] =	sst s1  }
0xa: {  	[smem:$0x3FB1] =	sst s2  }
0xb: {  	[smem:$0x3FB2] =	sst s3  }
0xc: {  	[smem:$0x3FB3] =	sst s4  }
0xd: {  	[smem:$0x3FB4] =	sst s5  }
0xe: {  	[smem:$0x3FB5] =	sst s6  }
0xf: {  	[smem:$0x3FB6] =	sst s7  }
0x10: {  	[smem:$0x3FB7] =	sst s8  }
0x11: {  	[smem:$0x3FB8] =	sst s9;
	s0 =	simm.s32 @!p0 $0x0  }
0x12: {  	s1 =	sld [smem:$0x3F9E];
	s0 =	simm.s32 @p0 $0x1  }
0x13: {  	[smem:$0x3FB9] =	sst s0;
	s0 =	simm.s32 @!p1 $0x0  }
0x14: {  	s2 =	sld [smem:$0x3F9D];
	s0 =	simm.s32 @p1 $0x1  }
0x15: {  	[smem:$0x3FBA] =	sst s0;
	s0 =	simm.s32 @!p2 $0x0  }
0x16: {  	s3 =	sld [smem:$0x3FDB];
	s0 =	simm.s32 @p2 $0x1  }
0x17: {  	s4 =	simm.s32 $0x1BF5;
	[smem:$0x3FBC] =	sst s0  }
0x18: {  	s0 =	sld [smem:$0x3F9F];
	_ =	swait.ge [sflag:s4], $0x0  }
0x19: {  	s7 =	sld [smem:$0x3FA0]  }
0x1a: {  	s8 =	sadd.s32 $0xFFFFE003, lr  }
0x1b: {  	s9 =	sadd.s32 $0xFFFFFEF7, lr;
	s5 =	simm.s32 $0xFFFFFFFF;
	p2 =	slt.u32 s8, $0xFFFFF086  }
0x1c: {  	p1 =	slt.u32 s9, $0xF7A;
	s5 =	simm.s32 @!p2 $0x0  }
0x1d: {  	s5 =	simm.s32 @p1 $0x1;
	p0 =	seq.s32 s7, s2  }
0x1e: {  	s7 =	smul.u32 @!p0 $0xF7A, s2;
	p2 =	seq.s32 @!p0 s5, $0x0  }
0x1f: {  	s9 =	smul.u32 $0xF7A, s1;
	s8 =	simm.s32 @!p0 $0x1BF5;
	p2 =	por !p2, p0  }
0x20: {  	[sflag:s8] =	ssyncset.s32 @!p0 $0xFFFFF086;
	s6 =	sadd.s32 @!p0 s3, s7;
	s7 =	simm.s32 @!p0 $0x108  }
0x21: {  	s3 =	sadd.s32 s3, s9;
	s6 =	sadd.s32 @!p0 $0x88, s6;
	s7 =	simm.s32 @p2 $0x1082  }
0x22: {  	[simem:s7], [sflag:s8] =	dma.local @!p0 [hbm:s6], $0xF7A  }
0x23: {  	s9 =	sor.u32 $0xD0000000, s2;
	s6 =	simm.s32 $0x108;
	_ =	swait.ge @!p0 [sflag:s8], $0x0  }
0x24: {  	s3 =	sadd.s32 $0x88, s3;
	s6 =	simm.s32 @!p1 $0x1082;
	[sflag:s4] =	ssyncset.s32 $0xFFFFF086  }
0x25: {  	[simem:s6], [sflag:s4] =	dma.local [hbm:s3], $0xF7A  }
0x26: {  	[smem:$0x3FA0] =	sst s1;
	(tag) =	ssettag s2;
	_ =	strace s9  }
0x27: {  	s1 =	sld [smem:$0x3FB0]  }
0x28: {  	s2 =	sld [smem:$0x3FB1]  }
0x29: {  	s4 =	sld [smem:$0x3FB3]  }
0x2a: {  	p0 =	seq.s32 s5, $0x0;
	s5 =	sld [smem:$0x3FB4]  }
0x2b: {  	s6 =	sld [smem:$0x3FB5]  }
0x2c: {  	s7 =	sld [smem:$0x3FB6]  }
0x2d: {  	s3 =	simm.s32 $0x108;
	s8 =	sld [smem:$0x3FB7]  }
0x2e: {  	s3 =	simm.s32 @!p0 $0x1082;
	s9 =	sld [smem:$0x3FB8]  }
0x2f: {  	lr =	sadd.s32 s0, s3;
	s0 =	sld [smem:$0x3FAF]  }
0x30: {  	s3 =	sld [smem:$0x3FB2]  }
0x31: {  	[smem:$0x3FBB] =	sst s10  }
0x32: {  	s10 =	sld [smem:$0x3FB9];
	_ =	sdelay $0x3  }
0x33: {  	p0 =	seq.s32 s10, $0x1;
	s10 =	sld [smem:$0x3FBB];
	_ =	sdelay $0x3  }
0x34: {  	[smem:$0x3FBB] =	sst s10  }
0x35: {  	s10 =	sld [smem:$0x3FBA];
	_ =	sdelay $0x3  }
0x36: {  	p1 =	seq.s32 s10, $0x1;
	s10 =	sld [smem:$0x3FBB];
	_ =	sdelay $0x3  }
0x37: {  	[smem:$0x3FBB] =	sst s10  }
0x38: {  	s10 =	sld [smem:$0x3FBC]  }
0x39: {  	_ = 	snop;
	(pc) =	sbr.ind lr, $3  }
0x3a: {  	_ = 	snop  }
0x3b: {  	_ = 	snop  }
0x3c: {  	p2 =	seq.s32 s10, $0x1;
	s10 =	sld [smem:$0x3FBB]  }
0x3d: {  	_ =	shalt  }
0x3e: {  	_ =	shalt  }
0x3f: {  	_ =	shalt  }
0x40: {  	_ =	shalt  }
0x41: {  	_ =	shalt  }
0x42: {  	_ =	shalt  }
0x43: {  	_ =	shalt  }
0x44: {  	_ =	shalt  }
0x45: {  	_ =	shalt  }
0x46: {  	_ =	shalt  }
0x47: {  	_ =	shalt  }
0x48: {  	_ =	shalt  }
0x49: {  	_ =	shalt  }
0x4a: {  	_ =	shalt  }
0x4b: {  	_ =	shalt  }
0x4c: {  	_ =	shalt  }
0x4d: {  	_ =	shalt  }
0x4e: {  	_ =	shalt  }
0x4f: {  	_ =	shalt  }
0x50: {  	_ =	shalt  }
0x51: {  	_ =	shalt  }
0x52: {  	_ =	shalt  }
0x53: {  	_ =	shalt  }
0x54: {  	_ =	shalt  }
0x55: {  	_ =	shalt  }
0x56: {  	_ =	shalt  }
0x57: {  	_ =	shalt  }
0x58: {  	_ =	shalt  }
0x59: {  	_ =	shalt  }
0x5a: {  	_ =	shalt  }
0x5b: {  	_ =	shalt  }
0x5c: {  	_ =	shalt  }
0x5d: {  	_ =	shalt  }
0x5e: {  	_ =	shalt  }
0x5f: {  	_ =	shalt  }
0x60: {  	_ =	shalt  }
0x61: {  	_ =	shalt  }
0x62: {  	_ =	shalt  }
0x63: {  	_ =	shalt  }
0x64: {  	_ =	shalt  }
0x65: {  	_ =	shalt  }
0x66: {  	_ =	shalt  }
0x67: {  	_ =	shalt  }
0x68: {  	_ =	shalt  }
0x69: {  	_ =	shalt  }
0x6a: {  	_ =	shalt  }
0x6b: {  	_ =	shalt  }
0x6c: {  	_ =	shalt  }
0x6d: {  	_ =	shalt  }
0x6e: {  	_ =	shalt  }
0x6f: {  	_ =	shalt  }
0x70: {  	_ =	shalt  }
0x71: {  	_ =	shalt  }
0x72: {  	_ =	shalt  }
0x73: {  	_ =	shalt  }
0x74: {  	_ =	shalt  }
0x75: {  	_ =	shalt  }
0x76: {  	_ =	shalt  }
0x77: {  	_ =	shalt  }
0x78: {  	_ =	shalt  }
0x79: {  	_ =	shalt  }
0x7a: {  	_ =	shalt  }
0x7b: {  	_ =	shalt  }
0x7c: {  	_ =	shalt  }
0x7d: {  	_ =	shalt  }
0x7e: {  	_ =	shalt  }
0x7f: {  	_ =	shalt  }
0x80: {  	_ =	shalt  }
0x81: {  	_ =	shalt  }
0x82: {  	_ =	shalt  }
0x83: {  	_ =	shalt  }
0x84: {  	_ =	shalt  }
0x85: {  	_ =	shalt  }
0x86: {  	_ =	shalt  }
0x87: {  	_ =	shalt  }
.Lfunc_end0:
.L_simem_size_0:
called_computation.3_lowered:
.L_overlay_start_0:
0x88: {  	s2 =	sld [smem:$0x3FD9]  }
0x89: {  	s3 =	sld [smem:$0x3FFE];
	_ =	sdelay $0x1  }
0x8a: {  	s1 =	srdreg.scid  }
0x8b: {  	s0 =	sand.u32 $0x1, s1  }
0x8c: {  	s16 =	sshll.u32 s0, $0xA;
	s2 =	sadd.s32 s3, s2  }
0x8d: {  	s2 =	sadd.s32 s2, s16  }
0x8e: {  	[smem:$0x3FC7] =	sst s2  }
0x8f: {  	_ = 	snop  }
0x90: {  	(tm) =	ssettm $0x1  }
0x91: {  	s17 =	sld [smem:$0x3FFB];
	_ =	sdelay $0x3  }
0x92: {  	_ =	strace s17  }
0x93: {  	s2 =	sld [smem:$0x3FFC];
	_ =	sdelay $0x3  }
0x94: {  	_ =	strace s2  }
0x95: {  	s2 =	sld [smem:$0x3FFD];
	_ =	sdelay $0x3  }
0x96: {  	_ =	strace s2  }
0x97: {  	_ =	strace $0x8FFFFFFF  }
0x98: {  	s18 =	sld [smem:$0x3FDB];
	_ =	sdelay $0x1  }
0x99: {  	s19 =	simm.s32 $_scs_section_size  }
0x9a: {  	s4 =	simm.s32 $_size__tile_overlayer_lowered;
	s5 =	simm.s32 $_tile_overlayer_lowered  }
0x9b: {  	s22 =	simm.s32 $0x1BFF;
	s21 =	sshll.u32 s5, $0x1;
	s2 =	sadd.s32 s19, s18  }
0x9c: {  	s6 =	simm.s32 $0x0;
	s20 =	sshll.u32 s4, $0x1;
	s4 =	sadd.s32 s21, s2  }
0x9d: {  	[timem:s6], [sflag:s22] =	dma.local [hbm:s4], s20  }
0x9e: {  	_ =	swait.ge [sflag:s22], s20  }
0x9f: {  	s3 =	ssub.s32 $0x0, s20;
	[sflag:s22] =	ssyncset.done $0x0  }
0xa0: {  	[sflag:s22] =	ssyncadd.s32 s3;
	_ =	sdelay $0x1  }
0xa1: {  	s23 =	simm.s32 $0x1B8B  }
0xa2: {  	_ =	swait.ge [sflag:s23], $0x1  }
0xa3: {  	[sflag:s23] =	ssyncset.done $0x0  }
0xa4: {  	s25 =	simm.s32 $0x1B8E;
	s24 =	sld [smem:$0x3FFE];
	[sflag:s23] =	ssyncadd.s32 $0xFFFFFFFF  }
0xa5: {  	s26 =	simm.s32 $execute0_lowered;
	[smem:$0x3FD2] =	sst s25  }
0xa6: {  	s4 =	sshll.u32 s26, $0x1;
	_ =	strace $0x80000049;
	[dreg:$0x1] =	wrdreg $0xFFFFFFFF  }
0xa7: {  	s28 =	simm.s32 $_size_execute0_lowered;
	s2 =	sadd.s32 s2, s4;
	[dreg:$0x0] =	wrdreg $0x0  }
0xa8: {  	s4 =	sshll.u32 s28, $0x1;
	[dreg:$0x2] =	wrdreg s2  }
0xa9: {  	[dreg:$0x3] =	wrdreg s4  }
0xaa: {  	[dreg:$0x4] =	wrdreg $0xC0  }
0xab: {  	_ =	task [dreg:s6], $0x5FFFF  }
0xac: {  	[dreg:$0x1] =	wrdreg $0xFFFFFFFF  }
0xad: {  	[dreg:$0x0] =	wrdreg $0x60  }
0xae: {  	[dreg:$0x2] =	wrdreg s24  }
0xaf: {  	[dreg:$0x3] =	wrdreg $0x9  }
0xb0: {  	_ =	task.clear_ibuf [dreg:s6], $0x4FFFF;
	_ =	strace $0x90000049  }
0xb1: {  	s29 =	simm.s32 $0x9;
	_ =	strace $0x8000004B  }
0xb2: {  	_ =	swait.ge [sflag:s29], $0x1  }
0xb3: {  	[sflag:s29] =	ssyncadd.s32 $0xFFFFFFFF  }
0xb4: {  	_ =	strace $0x9000004B  }
0xb5: {  	_ =	sfence  }
0xb6: {  	s30 =	sld [smem:$0x0];
	_ =	sdelay $0x2  }
0xb7: {  	s31 =	sshll.u32 s1, $0xD;
	s1 =	sshrl.u32 s1, $0x2  }
0xb8: {  	s3 =	sand.u32 $0x4000, s31;
	s1 =	sadd.s32 s1, s30  }
0xb9: {  	s0 =	sor.u32 s3, s0;
	s1 =	sshll.u32 s1, $0x11  }
0xba: {  	s0 =	sor.u32 s1, s0  }
0xbb: {  	s0 =	sadd.s32 $0x8F2B, s0  }
0xbc: {  	[sflag:s0] =	ssyncadd.remote.s32 $0x1  }
0xbd: {  	_ =	sfence.sel $0xFFFF  }
0xbe: {  	[dreg:$0x0] =	wrdreg $0xFFFFFFFF;
	(pc) =	sbr.abs _section_cstart, $3  }
0xbf: {  	[dreg:$0x1] =	wrdreg $0xFFFFFFFF  }
0xc0: {  	_ =	task.clear_ibuf [dreg:s6], $0x2FFFF;
	_ =	strace $0x9FFFFFFF  }
0xc1: {  	(tm) =	ssettm $0x7FFFFFFF  }
tec
execute0_lowered:
.L_overlay_start_1:
0x0: {  	(tag) =	ssettag $0x1  }
0x1: {  	v0 =	vlaneseq.u32  }
0x2: {  	v0 =	vmul.u32 $0x32, v0;
	_ =	sdelay $0x1  }
0x3: {  	v1 =	vor.u32 $0x1, v0  }
0x4: {  	v2 =	vadd.s32 $0x2, v0;
	v3 =	vadd.s32 $0x3, v0;
	v4 =	vadd.s32 $0x4, v0  }
0x5: {  	v5 =	vadd.s32 $0x5, v0;
	v6 =	vadd.s32 $0x6, v0;
	v7 =	vadd.s32 $0x7, v0  }
0x6: {  	s1 =	srdreg.scid;
	v8 =	vadd.s32 $0x8, v0;
	v9 =	vadd.s32 $0x9, v0;
	v10 =	vadd.s32 $0xA, v0  }
0x7: {  	s0 =	stileid.u32;
	s7 =	rddreg [dreg:$0x0];
	s3 =	simm.s32 $0x0;
	v11 =	vadd.s32 $0xB, v0;
	v12 =	vadd.s32 $0xC, v0;
	v13 =	vadd.s32 $0xD, v0  }
0x8: {  	s15 =	simm.s32 $0x1;
	s16 =	simm.s32 $0x7600;
	s17 =	simm.s32 $0x2;
	v14 =	vadd.s32 $0xE, v0;
	v15 =	vadd.s32 $0xF, v0;
	v16 =	vadd.s32 $0x10, v0  }
0x9: {  	s18 =	simm.s32 $0xB180;
	s5 =	sand.u32 $0x1, s1;
	s29 =	sshll.u32 s0, $0x1;
	v17 =	vadd.s32 $0x11, v0;
	v18 =	vadd.s32 $0x12, v0;
	v19 =	vadd.s32 $0x13, v0  }
0xa: {  	s19 =	simm.s32 $0x3;
	s20 =	simm.s32 $0x4;
	s6 =	sor.u32 s5, s29;
	v20 =	vadd.s32 $0x14, v0;
	v21 =	vadd.s32 $0x15, v0;
	v22 =	vadd.s32 $0x16, v0  }
0xb: {  	s21 =	simm.s32 $0x0;
	s1 =	rddreg [dreg:$0x1];
	s2 =	smul.u32 $0x18, s6;
	v23 =	vadd.s32 $0x17, v0;
	v24 =	vadd.s32 $0x18, v0;
	v25 =	vadd.s32 $0x19, v0  }
0xc: {  	[smem:$0x7FF] =	sst s3;
	s4 =	sadd.s32 $0xA00, s7;
	s10 =	smul.u32 $0x260, s6;
	v26 =	vadd.s32 $0x1A, v0;
	v27 =	vadd.s32 $0x1B, v0;
	v28 =	vadd.s32 $0x1C, v0  }
0xd: {  	_ =	strace $0x8000004A;
	s12 =	smul.u32 $0xAFE0, s6;
	v29 =	vadd.s32 $0x1D, v0;
	v30 =	vadd.s32 $0x1E, v0;
	v31 =	vadd.s32 $0x1F, v0;
	s8 =	sor.u32 $0x1, s2  }
0xe: {  	s11 =	ssub.s32 $0x2, s5;
	s5 =	sadd.s32 $0x162A00, s7;
	v32 =	vadd.s32 $0x20, v0;
	v33 =	vadd.s32 $0x21, v0;
	v34 =	vadd.s32 $0x22, v0;
	s9 =	smul.u32 $0x5556, s8  }
.Ltmp0:
0xf: {  	s31 =	sshrl.u32 s11, $0x1;
	s6 =	sadd.s32 $0x167600, s7;
	v35 =	vadd.s32 $0x23, v0;
	v36 =	vadd.s32 $0x24, v0;
	v37 =	vadd.s32 $0x25, v0;
	(pc) =	sbr.rel .LBB2_1-.Ltmp0, $4  }
0x10: {  	v38 =	vadd.s32 $0x26, v0;
	v39 =	vadd.s32 $0x27, v0;
	v40 =	vadd.s32 $0x28, v0;
	s11 =	ssub.s32 s11, s31;
	s14 =	smul.u32 $0x754, s8;
	s30 =	sshrl.u32 s9, $0x10  }
0x11: {  	v41 =	vadd.s32 $0x29, v0;
	v42 =	vadd.s32 $0x2A, v0;
	v43 =	vadd.s32 $0x2B, v0;
	s7 =	sadd.s32 s5, s10;
	s11 =	smax.u32 s11, $0x1;
	s13 =	smul.u32 $0x4C, s30  }
0x12: {  	v44 =	vadd.s32 $0x2C, v0;
	v45 =	vadd.s32 $0x2D, v0;
	v46 =	vadd.s32 $0x2E, v0;
	s8 =	sadd.s32 s4, s12;
	s12 =	simm.s32 $0xED00;
	s10 =	sadd.s32 s4, s14  }
0x13: {  	v47 =	vadd.s32 $0x2F, v0;
	v48 =	vadd.s32 $0x30, v0;
	v49 =	vadd.s32 $0x31, v0;
	s14 =	simm.s32 $0x3B00;
	s9 =	sadd.s32 s5, s13;
	s13 =	simm.s32 $0xEF80  }
.LBB2_8:
0x14: {  	s21 =	sadd.s32 $0x1, s21  }
0x15: {  	_ =	swait.ge [sflag:s19], $0x3AA0;
	p0 =	sne.s32 s21, s11  }
.Ltmp1:
0x16: {  	[sflag:s19] =	ssyncset.done $0x0;
	(pc) =	sbr.rel @!p0 .LBB2_9-.Ltmp1, $4  }
0x17: {  	[sflag:s19] =	ssyncadd.s32 $0xFFFFC560  }
0x18: {  	_ =	swait.ge [sflag:s20], $0x3AA0  }
0x19: {  	[sflag:s20] =	ssyncset.done $0x0  }
0x1a: {  	[sflag:s20] =	ssyncadd.s32 $0xFFFFC560  }
.LBB2_1:
0x1b: {  	[tilespmem:s12], [sflag:$0x1] =	stream.linear.gather [hbm4b:s7+s3], $0x260, $0x38;
	[tilespmem:$0xF200] =	vst v63  }
0x1c: {  	_ = 	snop  }
0x1d: {  	[tilespmem:s3], [sflag:$0x1] =	stream.linear.gather [hbm4b:s8+s3], $0x3AA0, $0x38;
	[tilespmem:$0xF200] =	vst v63  }
0x1e: {  	_ = 	snop  }
0x1f: {  	[tilespmem:s13], [sflag:$0x2] =	stream.linear.gather [hbm4b:s9+s3], $0x260, $0x38;
	[tilespmem:$0xF200] =	vst v63  }
0x20: {  	s22 =	simm.s32 $0x0  }
0x21: {  	[tilespmem:s14], [sflag:$0x2] =	stream.linear.gather [hbm4b:s10+s3], $0x3AA0, $0x38;
	[tilespmem:$0xF200] =	vst v63  }
.LBB2_2:
0x22: {  	_ =	swait.ge [sflag:s15], $0x260  }
0x23: {  	[sflag:s15] =	ssyncset.done $0x0  }
0x24: {  	[sflag:s15] =	ssyncadd.s32 $0xFFFFFDA0  }
0x25: {  	_ =	swait.ge [sflag:s15], $0x3AA0  }
0x26: {  	p0 =	seq.s32 s22, $0x0;
	[sflag:s15] =	ssyncset.done $0x0  }
0x27: {  	s24 =	simm.s32 @!p0 $0x3;
	[sflag:s15] =	ssyncadd.s32 $0xFFFFC560  }
0x28: {  	_ =	swait.ge @!p0 [sflag:s24], $0x3AA0  }
0x29: {  	s23 =	sshll.u32 s22, $0x1;
	s25 =	simm.s32 $0xEE30;
	[sflag:s24] =	ssyncset.done @!p0 $0x0  }
0x2a: {  	s23 =	sadd.s32 s2, s23;
	[sflag:s24] =	ssyncadd.s32 @!p0 $0xFFFFC560;
	s24 =	simm.s32 $0x0  }
.LBB2_3:
0x2b: {  	v50 =	vld [tilespmem:s25+$0xFFFFFED0];
	_ =	sdelay $0x4  }
0x2c: {  	v50 =	vtrunc.f32 v50  }
0x2d: {  	v50 =	vcvt.f32.s32 v50;
	_ =	sdelay $0x1  }
0x2e: {  	v51 =	vadd.s32 $0x1, v50  }
0x2f: {  	vm0 =	vlt.s32 v51, $0x12B  }
0x30: {  	v52 =	vnsel vm0, $0x12B, v51;
	v51 =	vmul.u32 $0x32, v50  }
0x31: {  	v52 =	vmul.u32 $0x32, v52;
	_ =	sdelay $0x4  }
0x32: {  	v54 =	vld.idx.msk [tilespmem:v51+s3+$0x0], $0xffff  }
0x33: {  	v55 =	vld.idx.msk [tilespmem:v52+s3+$0x0], $0xffff  }
0x34: {  	v53 =	vmov s24  }
0x35: {  	v53 =	vmul.u32 $0x32, v53;
	v50 =	vld [tilespmem:s25+$0x0];
	_ =	sdelay $0x1  }
0x36: {  	v53 =	vbroadcast v53, $0x0  }
0x37: {  	v55 =	vsub.f32 v55, v54  }
0x38: {  	v56 =	vadd.s32 v0, v53  }
0x39: {  	v57 =	vor.u32 $0x1, v51;
	v55 =	vmul.f32 v55, v50  }
0x3a: {  	v58 =	vor.u32 $0x1, v52  }
0x3b: {  	v54 =	vadd.f32 v55, v54;
	_ =	sdelay $0x1  }
0x3c: {  	[tilespmem:v56+s16+$0x0] =	vst.idx.msk $0xffff, v54  }
0x3d: {  	v54 =	vld.idx.msk [tilespmem:v57+s3+$0x0], $0xffff  }
0x3e: {  	v62 =	vld.idx.msk [tilespmem:v58+s3+$0x0], $0xffff;
	_ =	sdelay $0x4  }
0x3f: {  	v55 =	vsub.f32 v62, v54  }
0x40: {  	v63 =	vadd.s32 v1, v53  }
0x41: {  	v60 =	vadd.s32 $0x2, v51;
	v55 =	vmul.f32 v55, v50  }
0x42: {  	v61 =	vadd.s32 $0x2, v52  }
0x43: {  	v54 =	vadd.f32 v55, v54;
	_ =	sdelay $0x1  }
0x44: {  	[tilespmem:v63+s16+$0x0] =	vst.idx.msk $0xffff, v54  }
0x45: {  	v54 =	vld.idx.msk [tilespmem:v60+s3+$0x0], $0xffff  }
0x46: {  	v62 =	vld.idx.msk [tilespmem:v61+s3+$0x0], $0xffff;
	_ =	sdelay $0x4  }
0x47: {  	v55 =	vsub.f32 v62, v54  }
0x48: {  	v63 =	vadd.s32 v2, v53  }
0x49: {  	v60 =	vadd.s32 $0x3, v51;
	v55 =	vmul.f32 v55, v50  }
0x4a: {  	v61 =	vadd.s32 $0x3, v52  }
0x4b: {  	v54 =	vadd.f32 v55, v54;
	_ =	sdelay $0x1  }
0x4c: {  	[tilespmem:v63+s16+$0x0] =	vst.idx.msk $0xffff, v54  }
0x4d: {  	v54 =	vld.idx.msk [tilespmem:v60+s3+$0x0], $0xffff  }
0x4e: {  	v62 =	vld.idx.msk [tilespmem:v61+s3+$0x0], $0xffff;
	_ =	sdelay $0x4  }
0x4f: {  	v55 =	vsub.f32 v62, v54  }
0x50: {  	v63 =	vadd.s32 v3, v53  }
0x51: {  	v60 =	vadd.s32 $0x4, v51;
	v55 =	vmul.f32 v55, v50  }
0x52: {  	v61 =	vadd.s32 $0x4, v52  }
0x53: {  	v54 =	vadd.f32 v55, v54;
	_ =	sdelay $0x1  }
0x54: {  	[tilespmem:v63+s16+$0x0] =	vst.idx.msk $0xffff, v54  }
0x55: {  	v54 =	vld.idx.msk [tilespmem:v60+s3+$0x0], $0xffff  }
0x56: {  	v62 =	vld.idx.msk [tilespmem:v61+s3+$0x0], $0xffff;
	_ =	sdelay $0x4  }
0x57: {  	v55 =	vsub.f32 v62, v54  }
0x58: {  	v63 =	vadd.s32 v4, v53  }
0x59: {  	v60 =	vadd.s32 $0x5, v51;
	v55 =	vmul.f32 v55, v50  }
0x5a: {  	v61 =	vadd.s32 $0x5, v52  }
0x5b: {  	v54 =	vadd.f32 v55, v54;
	_ =	sdelay $0x1  }
0x5c: {  	[tilespmem:v63+s16+$0x0] =	vst.idx.msk $0xffff, v54  }
0x5d: {  	v54 =	vld.idx.msk [tilespmem:v60+s3+$0x0], $0xffff  }
0x5e: {  	v62 =	vld.idx.msk [tilespmem:v61+s3+$0x0], $0xffff;
	_ =	sdelay $0x4  }
0x5f: {  	v55 =	vsub.f32 v62, v54  }
0x60: {  	v63 =	vadd.s32 v5, v53  }
0x61: {  	v60 =	vadd.s32 $0x6, v51;
	v55 =	vmul.f32 v55, v50  }
0x62: {  	v61 =	vadd.s32 $0x6, v52  }
0x63: {  	v54 =	vadd.f32 v55, v54;
	_ =	sdelay $0x1  }
0x64: {  	[tilespmem:v63+s16+$0x0] =	vst.idx.msk $0xffff, v54  }
0x65: {  	v54 =	vld.idx.msk [tilespmem:v60+s3+$0x0], $0xffff  }
0x66: {  	v62 =	vld.idx.msk [tilespmem:v61+s3+$0x0], $0xffff;
	_ =	sdelay $0x4  }
0x67: {  	v55 =	vsub.f32 v62, v54  }
0x68: {  	v63 =	vadd.s32 v6, v53  }
0x69: {  	v60 =	vadd.s32 $0x7, v51;
	v55 =	vmul.f32 v55, v50  }
0x6a: {  	v61 =	vadd.s32 $0x7, v52  }
0x6b: {  	v54 =	vadd.f32 v55, v54;
	_ =	sdelay $0x1  }
0x6c: {  	[tilespmem:v63+s16+$0x0] =	vst.idx.msk $0xffff, v54  }
0x6d: {  	v54 =	vld.idx.msk [tilespmem:v60+s3+$0x0], $0xffff  }
0x6e: {  	v62 =	vld.idx.msk [tilespmem:v61+s3+$0x0], $0xffff;
	_ =	sdelay $0x4  }
0x6f: {  	v55 =	vsub.f32 v62, v54  }
0x70: {  	v63 =	vadd.s32 v7, v53  }
0x71: {  	v60 =	vadd.s32 $0x8, v51;
	v55 =	vmul.f32 v55, v50  }
0x72: {  	v61 =	vadd.s32 $0x8, v52  }
0x73: {  	v54 =	vadd.f32 v55, v54;
	_ =	sdelay $0x1  }
0x74: {  	[tilespmem:v63+s16+$0x0] =	vst.idx.msk $0xffff, v54  }
0x75: {  	v54 =	vld.idx.msk [tilespmem:v60+s3+$0x0], $0xffff  }
0x76: {  	v62 =	vld.idx.msk [tilespmem:v61+s3+$0x0], $0xffff;
	_ =	sdelay $0x4  }
0x77: {  	v55 =	vsub.f32 v62, v54  }
0x78: {  	v63 =	vadd.s32 v8, v53  }
0x79: {  	v60 =	vadd.s32 $0x9, v51;
	v55 =	vmul.f32 v55, v50  }
0x7a: {  	v61 =	vadd.s32 $0x9, v52  }
0x7b: {  	v54 =	vadd.f32 v55, v54;
	_ =	sdelay $0x1  }
0x7c: {  	[tilespmem:v63+s16+$0x0] =	vst.idx.msk $0xffff, v54  }
0x7d: {  	v54 =	vld.idx.msk [tilespmem:v60+s3+$0x0], $0xffff  }
0x7e: {  	v62 =	vld.idx.msk [tilespmem:v61+s3+$0x0], $0xffff;
	_ =	sdelay $0x4  }
0x7f: {  	v55 =	vsub.f32 v62, v54  }
0x80: {  	v63 =	vadd.s32 v9, v53  }
0x81: {  	v60 =	vadd.s32 $0xA, v51;
	v55 =	vmul.f32 v55, v50  }
0x82: {  	v61 =	vadd.s32 $0xA, v52  }
0x83: {  	v54 =	vadd.f32 v55, v54;
	_ =	sdelay $0x1  }
0x84: {  	[tilespmem:v63+s16+$0x0] =	vst.idx.msk $0xffff, v54  }
0x85: {  	v54 =	vld.idx.msk [tilespmem:v60+s3+$0x0], $0xffff  }
0x86: {  	v62 =	vld.idx.msk [tilespmem:v61+s3+$0x0], $0xffff;
	_ =	sdelay $0x4  }
0x87: {  	v55 =	vsub.f32 v62, v54  }
0x88: {  	v63 =	vadd.s32 v10, v53  }
0x89: {  	v60 =	vadd.s32 $0xB, v51;
	v55 =	vmul.f32 v55, v50  }
0x8a: {  	v61 =	vadd.s32 $0xB, v52  }
0x8b: {  	v54 =	vadd.f32 v55, v54;
	_ =	sdelay $0x1  }
0x8c: {  	[tilespmem:v63+s16+$0x0] =	vst.idx.msk $0xffff, v54  }
0x8d: {  	v54 =	vld.idx.msk [tilespmem:v60+s3+$0x0], $0xffff  }
0x8e: {  	v62 =	vld.idx.msk [tilespmem:v61+s3+$0x0], $0xffff;
	_ =	sdelay $0x4  }
0x8f: {  	v55 =	vsub.f32 v62, v54  }
0x90: {  	v63 =	vadd.s32 v11, v53  }
0x91: {  	v60 =	vadd.s32 $0xC, v51;
	v55 =	vmul.f32 v55, v50  }
0x92: {  	v61 =	vadd.s32 $0xC, v52  }
0x93: {  	v54 =	vadd.f32 v55, v54;
	_ =	sdelay $0x1  }
0x94: {  	[tilespmem:v63+s16+$0x0] =	vst.idx.msk $0xffff, v54  }
0x95: {  	v54 =	vld.idx.msk [tilespmem:v60+s3+$0x0], $0xffff  }
0x96: {  	v62 =	vld.idx.msk [tilespmem:v61+s3+$0x0], $0xffff;
	_ =	sdelay $0x4  }
0x97: {  	v55 =	vsub.f32 v62, v54  }
0x98: {  	v63 =	vadd.s32 v12, v53  }
0x99: {  	v60 =	vadd.s32 $0xD, v51;
	v55 =	vmul.f32 v55, v50  }
0x9a: {  	v61 =	vadd.s32 $0xD, v52  }
0x9b: {  	v54 =	vadd.f32 v55, v54;
	_ =	sdelay $0x1  }
0x9c: {  	[tilespmem:v63+s16+$0x0] =	vst.idx.msk $0xffff, v54  }
0x9d: {  	v54 =	vld.idx.msk [tilespmem:v60+s3+$0x0], $0xffff  }
0x9e: {  	v62 =	vld.idx.msk [tilespmem:v61+s3+$0x0], $0xffff;
	_ =	sdelay $0x4  }
0x9f: {  	v55 =	vsub.f32 v62, v54  }
0xa0: {  	v63 =	vadd.s32 v13, v53  }
0xa1: {  	v60 =	vadd.s32 $0xE, v51;
	v55 =	vmul.f32 v55, v50  }
0xa2: {  	v61 =	vadd.s32 $0xE, v52  }
0xa3: {  	v54 =	vadd.f32 v55, v54;
	_ =	sdelay $0x1  }
0xa4: {  	[tilespmem:v63+s16+$0x0] =	vst.idx.msk $0xffff, v54  }
0xa5: {  	v54 =	vld.idx.msk [tilespmem:v60+s3+$0x0], $0xffff  }
0xa6: {  	v62 =	vld.idx.msk [tilespmem:v61+s3+$0x0], $0xffff;
	_ =	sdelay $0x4  }
0xa7: {  	v55 =	vsub.f32 v62, v54  }
0xa8: {  	v63 =	vadd.s32 v14, v53  }
0xa9: {  	v60 =	vadd.s32 $0xF, v51;
	v55 =	vmul.f32 v55, v50  }
0xaa: {  	v61 =	vadd.s32 $0xF, v52  }
0xab: {  	v54 =	vadd.f32 v55, v54;
	_ =	sdelay $0x1  }
0xac: {  	[tilespmem:v63+s16+$0x0] =	vst.idx.msk $0xffff, v54  }
0xad: {  	v54 =	vld.idx.msk [tilespmem:v60+s3+$0x0], $0xffff  }
0xae: {  	v62 =	vld.idx.msk [tilespmem:v61+s3+$0x0], $0xffff;
	_ =	sdelay $0x4  }
0xaf: {  	v55 =	vsub.f32 v62, v54  }
0xb0: {  	v63 =	vadd.s32 v15, v53  }
0xb1: {  	v60 =	vadd.s32 $0x10, v51;
	v55 =	vmul.f32 v55, v50  }
0xb2: {  	v61 =	vadd.s32 $0x10, v52  }
0xb3: {  	v54 =	vadd.f32 v55, v54;
	_ =	sdelay $0x1  }
0xb4: {  	[tilespmem:v63+s16+$0x0] =	vst.idx.msk $0xffff, v54  }
0xb5: {  	v54 =	vld.idx.msk [tilespmem:v60+s3+$0x0], $0xffff  }
0xb6: {  	v62 =	vld.idx.msk [tilespmem:v61+s3+$0x0], $0xffff;
	_ =	sdelay $0x4  }
0xb7: {  	v55 =	vsub.f32 v62, v54  }
0xb8: {  	v63 =	vadd.s32 v16, v53  }
0xb9: {  	v60 =	vadd.s32 $0x11, v51;
	v55 =	vmul.f32 v55, v50  }
0xba: {  	v61 =	vadd.s32 $0x11, v52  }
0xbb: {  	v54 =	vadd.f32 v55, v54;
	_ =	sdelay $0x1  }
0xbc: {  	[tilespmem:v63+s16+$0x0] =	vst.idx.msk $0xffff, v54  }
0xbd: {  	v54 =	vld.idx.msk [tilespmem:v60+s3+$0x0], $0xffff  }
0xbe: {  	v62 =	vld.idx.msk [tilespmem:v61+s3+$0x0], $0xffff;
	_ =	sdelay $0x4  }
0xbf: {  	v55 =	vsub.f32 v62, v54  }
0xc0: {  	v63 =	vadd.s32 v17, v53  }
0xc1: {  	v60 =	vadd.s32 $0x12, v51;
	v55 =	vmul.f32 v55, v50  }
0xc2: {  	v61 =	vadd.s32 $0x12, v52  }
0xc3: {  	v54 =	vadd.f32 v55, v54;
	_ =	sdelay $0x1  }
0xc4: {  	[tilespmem:v63+s16+$0x0] =	vst.idx.msk $0xffff, v54  }
0xc5: {  	v54 =	vld.idx.msk [tilespmem:v60+s3+$0x0], $0xffff  }
0xc6: {  	v62 =	vld.idx.msk [tilespmem:v61+s3+$0x0], $0xffff;
	_ =	sdelay $0x4  }
0xc7: {  	v55 =	vsub.f32 v62, v54  }
0xc8: {  	v63 =	vadd.s32 v18, v53  }
0xc9: {  	v60 =	vadd.s32 $0x13, v51;
	v55 =	vmul.f32 v55, v50  }
0xca: {  	v61 =	vadd.s32 $0x13, v52  }
0xcb: {  	v54 =	vadd.f32 v55, v54;
	_ =	sdelay $0x1  }
0xcc: {  	[tilespmem:v63+s16+$0x0] =	vst.idx.msk $0xffff, v54  }
0xcd: {  	v54 =	vld.idx.msk [tilespmem:v60+s3+$0x0], $0xffff  }
0xce: {  	v62 =	vld.idx.msk [tilespmem:v61+s3+$0x0], $0xffff;
	_ =	sdelay $0x4  }
0xcf: {  	v55 =	vsub.f32 v62, v54  }
0xd0: {  	v63 =	vadd.s32 v19, v53  }
0xd1: {  	v60 =	vadd.s32 $0x14, v51;
	v55 =	vmul.f32 v55, v50  }
0xd2: {  	v61 =	vadd.s32 $0x14, v52  }
0xd3: {  	v54 =	vadd.f32 v55, v54;
	_ =	sdelay $0x1  }
0xd4: {  	[tilespmem:v63+s16+$0x0] =	vst.idx.msk $0xffff, v54  }
0xd5: {  	v54 =	vld.idx.msk [tilespmem:v60+s3+$0x0], $0xffff  }
0xd6: {  	v62 =	vld.idx.msk [tilespmem:v61+s3+$0x0], $0xffff;
	_ =	sdelay $0x4  }
0xd7: {  	v55 =	vsub.f32 v62, v54  }
0xd8: {  	v63 =	vadd.s32 v20, v53  }
0xd9: {  	v60 =	vadd.s32 $0x15, v51;
	v55 =	vmul.f32 v55, v50  }
0xda: {  	v61 =	vadd.s32 $0x15, v52  }
0xdb: {  	v54 =	vadd.f32 v55, v54;
	_ =	sdelay $0x1  }
0xdc: {  	[tilespmem:v63+s16+$0x0] =	vst.idx.msk $0xffff, v54  }
0xdd: {  	v54 =	vld.idx.msk [tilespmem:v60+s3+$0x0], $0xffff  }
0xde: {  	v62 =	vld.idx.msk [tilespmem:v61+s3+$0x0], $0xffff;
	_ =	sdelay $0x4  }
0xdf: {  	v55 =	vsub.f32 v62, v54  }
0xe0: {  	v63 =	vadd.s32 v21, v53  }
0xe1: {  	v60 =	vadd.s32 $0x16, v51;
	v55 =	vmul.f32 v55, v50  }
0xe2: {  	v61 =	vadd.s32 $0x16, v52  }
0xe3: {  	v54 =	vadd.f32 v55, v54;
	_ =	sdelay $0x1  }
0xe4: {  	[tilespmem:v63+s16+$0x0] =	vst.idx.msk $0xffff, v54  }
0xe5: {  	v54 =	vld.idx.msk [tilespmem:v60+s3+$0x0], $0xffff  }
0xe6: {  	v62 =	vld.idx.msk [tilespmem:v61+s3+$0x0], $0xffff;
	_ =	sdelay $0x4  }
0xe7: {  	v55 =	vsub.f32 v62, v54  }
0xe8: {  	v63 =	vadd.s32 v22, v53  }
0xe9: {  	v60 =	vadd.s32 $0x17, v51;
	v55 =	vmul.f32 v55, v50  }
0xea: {  	v61 =	vadd.s32 $0x17, v52  }
0xeb: {  	v54 =	vadd.f32 v55, v54;
	_ =	sdelay $0x1  }
0xec: {  	[tilespmem:v63+s16+$0x0] =	vst.idx.msk $0xffff, v54  }
0xed: {  	v54 =	vld.idx.msk [tilespmem:v60+s3+$0x0], $0xffff  }
0xee: {  	v62 =	vld.idx.msk [tilespmem:v61+s3+$0x0], $0xffff;
	_ =	sdelay $0x4  }
0xef: {  	v55 =	vsub.f32 v62, v54  }
0xf0: {  	v63 =	vadd.s32 v23, v53  }
0xf1: {  	v60 =	vadd.s32 $0x18, v51;
	v55 =	vmul.f32 v55, v50  }
0xf2: {  	v61 =	vadd.s32 $0x18, v52  }
0xf3: {  	v54 =	vadd.f32 v55, v54;
	_ =	sdelay $0x1  }
0xf4: {  	[tilespmem:v63+s16+$0x0] =	vst.idx.msk $0xffff, v54  }
0xf5: {  	v54 =	vld.idx.msk [tilespmem:v60+s3+$0x0], $0xffff  }
0xf6: {  	v62 =	vld.idx.msk [tilespmem:v61+s3+$0x0], $0xffff;
	_ =	sdelay $0x4  }
0xf7: {  	v55 =	vsub.f32 v62, v54  }
0xf8: {  	v63 =	vadd.s32 v24, v53  }
0xf9: {  	v60 =	vadd.s32 $0x19, v51;
	v55 =	vmul.f32 v55, v50  }
0xfa: {  	v61 =	vadd.s32 $0x19, v52  }
0xfb: {  	v54 =	vadd.f32 v55, v54;
	_ =	sdelay $0x1  }
0xfc: {  	[tilespmem:v63+s16+$0x0] =	vst.idx.msk $0xffff, v54  }
0xfd: {  	v54 =	vld.idx.msk [tilespmem:v60+s3+$0x0], $0xffff  }
0xfe: {  	v62 =	vld.idx.msk [tilespmem:v61+s3+$0x0], $0xffff;
	_ =	sdelay $0x4  }
0xff: {  	v55 =	vsub.f32 v62, v54  }
0x100: {  	v63 =	vadd.s32 v25, v53  }
0x101: {  	v60 =	vadd.s32 $0x1A, v51;
	v55 =	vmul.f32 v55, v50  }
0x102: {  	v61 =	vadd.s32 $0x1A, v52  }
0x103: {  	v54 =	vadd.f32 v55, v54;
	_ =	sdelay $0x1  }
0x104: {  	[tilespmem:v63+s16+$0x0] =	vst.idx.msk $0xffff, v54  }
0x105: {  	v54 =	vld.idx.msk [tilespmem:v60+s3+$0x0], $0xffff  }
0x106: {  	v62 =	vld.idx.msk [tilespmem:v61+s3+$0x0], $0xffff;
	_ =	sdelay $0x4  }
0x107: {  	v55 =	vsub.f32 v62, v54  }
0x108: {  	v63 =	vadd.s32 v26, v53  }
0x109: {  	v60 =	vadd.s32 $0x1B, v51;
	v55 =	vmul.f32 v55, v50  }
0x10a: {  	v61 =	vadd.s32 $0x1B, v52  }
0x10b: {  	v54 =	vadd.f32 v55, v54;
	_ =	sdelay $0x1  }
0x10c: {  	[tilespmem:v63+s16+$0x0] =	vst.idx.msk $0xffff, v54  }
0x10d: {  	v54 =	vld.idx.msk [tilespmem:v60+s3+$0x0], $0xffff  }
0x10e: {  	v62 =	vld.idx.msk [tilespmem:v61+s3+$0x0], $0xffff;
	_ =	sdelay $0x4  }
0x10f: {  	v55 =	vsub.f32 v62, v54  }
0x110: {  	v63 =	vadd.s32 v27, v53  }
0x111: {  	v60 =	vadd.s32 $0x1C, v51;
	v55 =	vmul.f32 v55, v50  }
0x112: {  	v61 =	vadd.s32 $0x1C, v52  }
0x113: {  	v54 =	vadd.f32 v55, v54;
	_ =	sdelay $0x1  }
0x114: {  	[tilespmem:v63+s16+$0x0] =	vst.idx.msk $0xffff, v54  }
0x115: {  	v54 =	vld.idx.msk [tilespmem:v60+s3+$0x0], $0xffff  }
0x116: {  	v62 =	vld.idx.msk [tilespmem:v61+s3+$0x0], $0xffff;
	_ =	sdelay $0x4  }
0x117: {  	v55 =	vsub.f32 v62, v54  }
0x118: {  	v63 =	vadd.s32 v28, v53  }
0x119: {  	v60 =	vadd.s32 $0x1D, v51;
	v55 =	vmul.f32 v55, v50  }
0x11a: {  	v61 =	vadd.s32 $0x1D, v52  }
0x11b: {  	v54 =	vadd.f32 v55, v54;
	_ =	sdelay $0x1  }
0x11c: {  	[tilespmem:v63+s16+$0x0] =	vst.idx.msk $0xffff, v54  }
0x11d: {  	v54 =	vld.idx.msk [tilespmem:v60+s3+$0x0], $0xffff  }
0x11e: {  	v62 =	vld.idx.msk [tilespmem:v61+s3+$0x0], $0xffff;
	_ =	sdelay $0x4  }
0x11f: {  	v55 =	vsub.f32 v62, v54  }
0x120: {  	v63 =	vadd.s32 v29, v53  }
0x121: {  	v60 =	vadd.s32 $0x1E, v51;
	v55 =	vmul.f32 v55, v50  }
0x122: {  	v61 =	vadd.s32 $0x1E, v52  }
0x123: {  	v54 =	vadd.f32 v55, v54;
	_ =	sdelay $0x1  }
0x124: {  	[tilespmem:v63+s16+$0x0] =	vst.idx.msk $0xffff, v54  }
0x125: {  	v54 =	vld.idx.msk [tilespmem:v60+s3+$0x0], $0xffff  }
0x126: {  	v62 =	vld.idx.msk [tilespmem:v61+s3+$0x0], $0xffff;
	_ =	sdelay $0x4  }
0x127: {  	v55 =	vsub.f32 v62, v54  }
0x128: {  	v63 =	vadd.s32 v30, v53  }
0x129: {  	v60 =	vadd.s32 $0x1F, v51;
	v55 =	vmul.f32 v55, v50  }
0x12a: {  	v61 =	vadd.s32 $0x1F, v52  }
0x12b: {  	v54 =	vadd.f32 v55, v54;
	_ =	sdelay $0x1  }
0x12c: {  	[tilespmem:v63+s16+$0x0] =	vst.idx.msk $0xffff, v54  }
0x12d: {  	v54 =	vld.idx.msk [tilespmem:v60+s3+$0x0], $0xffff  }
0x12e: {  	v62 =	vld.idx.msk [tilespmem:v61+s3+$0x0], $0xffff;
	_ =	sdelay $0x4  }
0x12f: {  	v55 =	vsub.f32 v62, v54  }
0x130: {  	v63 =	vadd.s32 v31, v53  }
0x131: {  	v60 =	vadd.s32 $0x20, v51;
	v55 =	vmul.f32 v55, v50  }
0x132: {  	v61 =	vadd.s32 $0x20, v52  }
0x133: {  	v54 =	vadd.f32 v55, v54;
	_ =	sdelay $0x1  }
0x134: {  	[tilespmem:v63+s16+$0x0] =	vst.idx.msk $0xffff, v54  }
0x135: {  	v54 =	vld.idx.msk [tilespmem:v60+s3+$0x0], $0xffff  }
0x136: {  	v62 =	vld.idx.msk [tilespmem:v61+s3+$0x0], $0xffff;
	_ =	sdelay $0x4  }
0x137: {  	v55 =	vsub.f32 v62, v54  }
0x138: {  	v63 =	vadd.s32 v32, v53  }
0x139: {  	v60 =	vadd.s32 $0x21, v51;
	v55 =	vmul.f32 v55, v50  }
0x13a: {  	v61 =	vadd.s32 $0x21, v52  }
0x13b: {  	v54 =	vadd.f32 v55, v54;
	_ =	sdelay $0x1  }
0x13c: {  	[tilespmem:v63+s16+$0x0] =	vst.idx.msk $0xffff, v54  }
0x13d: {  	v54 =	vld.idx.msk [tilespmem:v60+s3+$0x0], $0xffff  }
0x13e: {  	v62 =	vld.idx.msk [tilespmem:v61+s3+$0x0], $0xffff;
	_ =	sdelay $0x4  }
0x13f: {  	v55 =	vsub.f32 v62, v54  }
0x140: {  	v63 =	vadd.s32 v33, v53  }
0x141: {  	v60 =	vadd.s32 $0x22, v51;
	v55 =	vmul.f32 v55, v50  }
0x142: {  	v61 =	vadd.s32 $0x22, v52  }
0x143: {  	v54 =	vadd.f32 v55, v54;
	_ =	sdelay $0x1  }
0x144: {  	[tilespmem:v63+s16+$0x0] =	vst.idx.msk $0xffff, v54  }
0x145: {  	v54 =	vld.idx.msk [tilespmem:v60+s3+$0x0], $0xffff  }
0x146: {  	v62 =	vld.idx.msk [tilespmem:v61+s3+$0x0], $0xffff;
	_ =	sdelay $0x4  }
0x147: {  	v55 =	vsub.f32 v62, v54  }
0x148: {  	v63 =	vadd.s32 v34, v53  }
0x149: {  	v60 =	vadd.s32 $0x23, v51;
	v55 =	vmul.f32 v55, v50  }
0x14a: {  	v61 =	vadd.s32 $0x23, v52  }
0x14b: {  	v54 =	vadd.f32 v55, v54;
	_ =	sdelay $0x1  }
0x14c: {  	[tilespmem:v63+s16+$0x0] =	vst.idx.msk $0xffff, v54  }
0x14d: {  	v54 =	vld.idx.msk [tilespmem:v60+s3+$0x0], $0xffff  }
0x14e: {  	v62 =	vld.idx.msk [tilespmem:v61+s3+$0x0], $0xffff;
	_ =	sdelay $0x4  }
0x14f: {  	v55 =	vsub.f32 v62, v54  }
0x150: {  	v63 =	vadd.s32 v35, v53  }
0x151: {  	v60 =	vadd.s32 $0x24, v51;
	v55 =	vmul.f32 v55, v50  }
0x152: {  	v61 =	vadd.s32 $0x24, v52  }
0x153: {  	v54 =	vadd.f32 v55, v54;
	_ =	sdelay $0x1  }
0x154: {  	[tilespmem:v63+s16+$0x0] =	vst.idx.msk $0xffff, v54  }
0x155: {  	v54 =	vld.idx.msk [tilespmem:v60+s3+$0x0], $0xffff  }
0x156: {  	v62 =	vld.idx.msk [tilespmem:v61+s3+$0x0], $0xffff;
	_ =	sdelay $0x4  }
0x157: {  	v55 =	vsub.f32 v62, v54  }
0x158: {  	v63 =	vadd.s32 v36, v53  }
0x159: {  	v60 =	vadd.s32 $0x25, v51;
	v55 =	vmul.f32 v55, v50  }
0x15a: {  	v61 =	vadd.s32 $0x25, v52  }
0x15b: {  	v54 =	vadd.f32 v55, v54;
	_ =	sdelay $0x1  }
0x15c: {  	[tilespmem:v63+s16+$0x0] =	vst.idx.msk $0xffff, v54  }
0x15d: {  	v54 =	vld.idx.msk [tilespmem:v60+s3+$0x0], $0xffff  }
0x15e: {  	v62 =	vld.idx.msk [tilespmem:v61+s3+$0x0], $0xffff;
	_ =	sdelay $0x4  }
0x15f: {  	v55 =	vsub.f32 v62, v54  }
0x160: {  	v63 =	vadd.s32 v37, v53  }
0x161: {  	v60 =	vadd.s32 $0x26, v51;
	v55 =	vmul.f32 v55, v50  }
0x162: {  	v61 =	vadd.s32 $0x26, v52  }
0x163: {  	v54 =	vadd.f32 v55, v54;
	_ =	sdelay $0x1  }
0x164: {  	[tilespmem:v63+s16+$0x0] =	vst.idx.msk $0xffff, v54  }
0x165: {  	v54 =	vld.idx.msk [tilespmem:v60+s3+$0x0], $0xffff  }
0x166: {  	v62 =	vld.idx.msk [tilespmem:v61+s3+$0x0], $0xffff;
	_ =	sdelay $0x4  }
0x167: {  	v55 =	vsub.f32 v62, v54  }
0x168: {  	v63 =	vadd.s32 v38, v53  }
0x169: {  	v60 =	vadd.s32 $0x27, v51;
	v55 =	vmul.f32 v55, v50  }
0x16a: {  	v61 =	vadd.s32 $0x27, v52  }
0x16b: {  	v54 =	vadd.f32 v55, v54;
	_ =	sdelay $0x1  }
0x16c: {  	[tilespmem:v63+s16+$0x0] =	vst.idx.msk $0xffff, v54  }
0x16d: {  	v54 =	vld.idx.msk [tilespmem:v60+s3+$0x0], $0xffff  }
0x16e: {  	v62 =	vld.idx.msk [tilespmem:v61+s3+$0x0], $0xffff;
	_ =	sdelay $0x4  }
0x16f: {  	v55 =	vsub.f32 v62, v54  }
0x170: {  	v63 =	vadd.s32 v39, v53  }
0x171: {  	v60 =	vadd.s32 $0x28, v51;
	v55 =	vmul.f32 v55, v50  }
0x172: {  	v61 =	vadd.s32 $0x28, v52  }
0x173: {  	v54 =	vadd.f32 v55, v54;
	_ =	sdelay $0x1  }
0x174: {  	[tilespmem:v63+s16+$0x0] =	vst.idx.msk $0xffff, v54  }
0x175: {  	v54 =	vld.idx.msk [tilespmem:v60+s3+$0x0], $0xffff  }
0x176: {  	v62 =	vld.idx.msk [tilespmem:v61+s3+$0x0], $0xffff;
	_ =	sdelay $0x4  }
0x177: {  	v55 =	vsub.f32 v62, v54  }
0x178: {  	v63 =	vadd.s32 v40, v53  }
0x179: {  	v60 =	vadd.s32 $0x29, v51;
	v55 =	vmul.f32 v55, v50  }
0x17a: {  	v61 =	vadd.s32 $0x29, v52  }
0x17b: {  	v54 =	vadd.f32 v55, v54;
	_ =	sdelay $0x1  }
0x17c: {  	[tilespmem:v63+s16+$0x0] =	vst.idx.msk $0xffff, v54  }
0x17d: {  	v54 =	vld.idx.msk [tilespmem:v60+s3+$0x0], $0xffff  }
0x17e: {  	v62 =	vld.idx.msk [tilespmem:v61+s3+$0x0], $0xffff;
	_ =	sdelay $0x4  }
0x17f: {  	v55 =	vsub.f32 v62, v54  }
0x180: {  	v63 =	vadd.s32 v41, v53  }
0x181: {  	v60 =	vadd.s32 $0x2A, v51;
	v55 =	vmul.f32 v55, v50  }
0x182: {  	v61 =	vadd.s32 $0x2A, v52  }
0x183: {  	v54 =	vadd.f32 v55, v54;
	_ =	sdelay $0x1  }
0x184: {  	[tilespmem:v63+s16+$0x0] =	vst.idx.msk $0xffff, v54  }
0x185: {  	v54 =	vld.idx.msk [tilespmem:v60+s3+$0x0], $0xffff  }
0x186: {  	v62 =	vld.idx.msk [tilespmem:v61+s3+$0x0], $0xffff;
	_ =	sdelay $0x4  }
0x187: {  	v55 =	vsub.f32 v62, v54  }
0x188: {  	v63 =	vadd.s32 v42, v53  }
0x189: {  	v60 =	vadd.s32 $0x2B, v51;
	v55 =	vmul.f32 v55, v50  }
0x18a: {  	v61 =	vadd.s32 $0x2B, v52  }
0x18b: {  	v54 =	vadd.f32 v55, v54;
	_ =	sdelay $0x1  }
0x18c: {  	[tilespmem:v63+s16+$0x0] =	vst.idx.msk $0xffff, v54  }
0x18d: {  	v54 =	vld.idx.msk [tilespmem:v60+s3+$0x0], $0xffff  }
0x18e: {  	v62 =	vld.idx.msk [tilespmem:v61+s3+$0x0], $0xffff;
	_ =	sdelay $0x4  }
0x18f: {  	v55 =	vsub.f32 v62, v54  }
0x190: {  	v63 =	vadd.s32 v43, v53  }
0x191: {  	v60 =	vadd.s32 $0x2C, v51;
	v55 =	vmul.f32 v55, v50  }
0x192: {  	v61 =	vadd.s32 $0x2C, v52  }
0x193: {  	v54 =	vadd.f32 v55, v54;
	_ =	sdelay $0x1  }
0x194: {  	[tilespmem:v63+s16+$0x0] =	vst.idx.msk $0xffff, v54  }
0x195: {  	v54 =	vld.idx.msk [tilespmem:v60+s3+$0x0], $0xffff  }
0x196: {  	v62 =	vld.idx.msk [tilespmem:v61+s3+$0x0], $0xffff;
	_ =	sdelay $0x4  }
0x197: {  	v55 =	vsub.f32 v62, v54  }
0x198: {  	v63 =	vadd.s32 v44, v53  }
0x199: {  	v60 =	vadd.s32 $0x2D, v51;
	v55 =	vmul.f32 v55, v50  }
0x19a: {  	v61 =	vadd.s32 $0x2D, v52  }
0x19b: {  	v54 =	vadd.f32 v55, v54;
	_ =	sdelay $0x1  }
0x19c: {  	[tilespmem:v63+s16+$0x0] =	vst.idx.msk $0xffff, v54  }
0x19d: {  	v54 =	vld.idx.msk [tilespmem:v60+s3+$0x0], $0xffff  }
0x19e: {  	v62 =	vld.idx.msk [tilespmem:v61+s3+$0x0], $0xffff;
	_ =	sdelay $0x4  }
0x19f: {  	v55 =	vsub.f32 v62, v54  }
0x1a0: {  	v63 =	vadd.s32 v45, v53  }
0x1a1: {  	v60 =	vadd.s32 $0x2E, v51;
	v55 =	vmul.f32 v55, v50  }
0x1a2: {  	v61 =	vadd.s32 $0x2E, v52  }
0x1a3: {  	v54 =	vadd.f32 v55, v54;
	_ =	sdelay $0x1  }
0x1a4: {  	[tilespmem:v63+s16+$0x0] =	vst.idx.msk $0xffff, v54  }
0x1a5: {  	v54 =	vld.idx.msk [tilespmem:v60+s3+$0x0], $0xffff  }
0x1a6: {  	v62 =	vld.idx.msk [tilespmem:v61+s3+$0x0], $0xffff;
	_ =	sdelay $0x4  }
0x1a7: {  	v55 =	vsub.f32 v62, v54  }
0x1a8: {  	v63 =	vadd.s32 v46, v53  }
0x1a9: {  	v60 =	vadd.s32 $0x2F, v51;
	v55 =	vmul.f32 v55, v50  }
0x1aa: {  	v61 =	vadd.s32 $0x2F, v52  }
0x1ab: {  	v54 =	vadd.f32 v55, v54;
	_ =	sdelay $0x1  }
0x1ac: {  	[tilespmem:v63+s16+$0x0] =	vst.idx.msk $0xffff, v54  }
0x1ad: {  	v54 =	vld.idx.msk [tilespmem:v60+s3+$0x0], $0xffff  }
0x1ae: {  	v62 =	vld.idx.msk [tilespmem:v61+s3+$0x0], $0xffff;
	_ =	sdelay $0x4  }
0x1af: {  	v55 =	vsub.f32 v62, v54  }
0x1b0: {  	v63 =	vadd.s32 v47, v53  }
0x1b1: {  	v60 =	vadd.s32 $0x30, v51;
	v55 =	vmul.f32 v55, v50  }
0x1b2: {  	v61 =	vadd.s32 $0x30, v52  }
0x1b3: {  	v54 =	vadd.f32 v55, v54;
	_ =	sdelay $0x1  }
0x1b4: {  	[tilespmem:v63+s16+$0x0] =	vst.idx.msk $0xffff, v54  }
0x1b5: {  	v54 =	vld.idx.msk [tilespmem:v60+s3+$0x0], $0xffff  }
0x1b6: {  	v62 =	vld.idx.msk [tilespmem:v61+s3+$0x0], $0xffff;
	_ =	sdelay $0x4  }
0x1b7: {  	v55 =	vsub.f32 v62, v54  }
0x1b8: {  	v63 =	vadd.s32 v48, v53  }
0x1b9: {  	v51 =	vadd.s32 $0x31, v51;
	v55 =	vmul.f32 v55, v50  }
0x1ba: {  	v52 =	vadd.s32 $0x31, v52  }
0x1bb: {  	v54 =	vadd.f32 v55, v54;
	_ =	sdelay $0x1  }
0x1bc: {  	[tilespmem:v63+s16+$0x0] =	vst.idx.msk $0xffff, v54  }
0x1bd: {  	v51 =	vld.idx.msk [tilespmem:v51+s3+$0x0], $0xffff  }
0x1be: {  	v52 =	vld.idx.msk [tilespmem:v52+s3+$0x0], $0xffff;
	_ =	sdelay $0x4  }
0x1bf: {  	v52 =	vsub.f32 v52, v51  }
0x1c0: {  	p1 =	sne.s32 s24, $0x120;
	v53 =	vadd.s32 v49, v53  }
.Ltmp2:
0x1c1: {  	v50 =	vmul.f32 v52, v50;
	(pc) =	sbr.rel @p1 .LBB2_3-.Ltmp2, $3  }
0x1c2: {  	_ = 	snop  }
0x1c3: {  	v50 =	vadd.f32 v50, v51;
	_ =	sdelay $0x1  }
0x1c4: {  	s24 =	sadd.s32 $0x10, s24;
	s25 =	sadd.s32 $0x10, s25;
	[tilespmem:v53+s16+$0x0] =	vst.idx.msk $0xffff, v50  }
0x1c5: {  	p1 =	seq.s32 s22, $0xB  }
0x1c6: {  	s24 =	smul.u32 $0x754, s23;
	s25 =	sadd.s32 @!p1 $0x2, s23  }
0x1c7: {  	s26 =	smulhi.u32 @!p1 $0x55555556, s25;
	_ =	sdelay $0x1  }
0x1c8: {  	s24 =	sadd.s32 s6, s24;
	s26 =	smul.u32 @!p1 $0x260, s26  }
0x1c9: {  	[hbm4b:s24+s3] =	stream.linear.scatter [tilespmem:s16], [sflag:$0x3], $0x3AA0, $0x38;
	[tilespmem:$0xF200] =	vst v63  }
0x1ca: {  	s28 =	simm.s32 @!p1 $0xED00;
	s24 =	sshrl.u32 @!p1 s26, $0x3  }
0x1cb: {  	s25 =	smul.u32 @!p1 $0x754, s25;
	s26 =	simm.s32 @!p1 $0x0;
	s24 =	sadd.s32 @!p1 s5, s24  }
0x1cc: {  	[tilespmem:s28], [sflag:$0x1] =	stream.linear.gather @!p1 [hbm4b:s24+s26], $0x260, $0x38;
	[tilespmem:$0xF200] =	vst v63  }
0x1cd: {  	s24 =	sadd.s32 @!p1 s4, s25  }
0x1ce: {  	[tilespmem:s26], [sflag:$0x1] =	stream.linear.gather @!p1 [hbm4b:s24+s26], $0x3AA0, $0x38;
	[tilespmem:$0xF200] =	vst v63  }
0x1cf: {  	_ =	swait.ge [sflag:s17], $0x260  }
0x1d0: {  	[sflag:s17] =	ssyncset.done $0x0  }
0x1d1: {  	[sflag:s17] =	ssyncadd.s32 $0xFFFFFDA0  }
0x1d2: {  	_ =	swait.ge [sflag:s17], $0x3AA0  }
0x1d3: {  	[sflag:s17] =	ssyncset.done $0x0  }
0x1d4: {  	s24 =	simm.s32 @!p0 $0x4;
	[sflag:s17] =	ssyncadd.s32 $0xFFFFC560  }
0x1d5: {  	_ =	swait.ge @!p0 [sflag:s24], $0x3AA0  }
0x1d6: {  	[sflag:s24] =	ssyncset.done @!p0 $0x0  }
0x1d7: {  	s25 =	simm.s32 $0xF0B0;
	[sflag:s24] =	ssyncadd.s32 @!p0 $0xFFFFC560;
	s24 =	simm.s32 $0x0  }
.LBB2_5:
0x1d8: {  	v50 =	vld [tilespmem:s25+$0xFFFFFED0];
	_ =	sdelay $0x4  }
0x1d9: {  	v50 =	vtrunc.f32 v50  }
0x1da: {  	v50 =	vcvt.f32.s32 v50;
	_ =	sdelay $0x1  }
0x1db: {  	v51 =	vadd.s32 $0x1, v50  }
0x1dc: {  	vm0 =	vlt.s32 v51, $0x12B  }
0x1dd: {  	v52 =	vnsel vm0, $0x12B, v51;
	v51 =	vmul.u32 $0x32, v50  }
0x1de: {  	v52 =	vmul.u32 $0x32, v52;
	_ =	sdelay $0x4  }
0x1df: {  	v54 =	vld.idx.msk [tilespmem:v51+s14+$0x0], $0xffff  }
0x1e0: {  	v55 =	vld.idx.msk [tilespmem:v52+s14+$0x0], $0xffff  }
0x1e1: {  	v53 =	vmov s24  }
0x1e2: {  	v53 =	vmul.u32 $0x32, v53;
	v50 =	vld [tilespmem:s25+$0x0];
	_ =	sdelay $0x1  }
0x1e3: {  	v53 =	vbroadcast v53, $0x0  }
0x1e4: {  	v55 =	vsub.f32 v55, v54  }
0x1e5: {  	v56 =	vadd.s32 v0, v53  }
0x1e6: {  	v57 =	vor.u32 $0x1, v51;
	v55 =	vmul.f32 v55, v50  }
0x1e7: {  	v58 =	vor.u32 $0x1, v52  }
0x1e8: {  	v54 =	vadd.f32 v55, v54;
	_ =	sdelay $0x1  }
0x1e9: {  	[tilespmem:v56+s18+$0x0] =	vst.idx.msk $0xffff, v54  }
0x1ea: {  	v54 =	vld.idx.msk [tilespmem:v57+s14+$0x0], $0xffff  }
0x1eb: {  	v62 =	vld.idx.msk [tilespmem:v58+s14+$0x0], $0xffff;
	_ =	sdelay $0x4  }
0x1ec: {  	v55 =	vsub.f32 v62, v54  }
0x1ed: {  	v63 =	vadd.s32 v1, v53  }
0x1ee: {  	v60 =	vadd.s32 $0x2, v51;
	v55 =	vmul.f32 v55, v50  }
0x1ef: {  	v61 =	vadd.s32 $0x2, v52  }
0x1f0: {  	v54 =	vadd.f32 v55, v54;
	_ =	sdelay $0x1  }
0x1f1: {  	[tilespmem:v63+s18+$0x0] =	vst.idx.msk $0xffff, v54  }
0x1f2: {  	v54 =	vld.idx.msk [tilespmem:v60+s14+$0x0], $0xffff  }
0x1f3: {  	v62 =	vld.idx.msk [tilespmem:v61+s14+$0x0], $0xffff;
	_ =	sdelay $0x4  }
0x1f4: {  	v55 =	vsub.f32 v62, v54  }
0x1f5: {  	v63 =	vadd.s32 v2, v53  }
0x1f6: {  	v60 =	vadd.s32 $0x3, v51;
	v55 =	vmul.f32 v55, v50  }
0x1f7: {  	v61 =	vadd.s32 $0x3, v52  }
0x1f8: {  	v54 =	vadd.f32 v55, v54;
	_ =	sdelay $0x1  }
0x1f9: {  	[tilespmem:v63+s18+$0x0] =	vst.idx.msk $0xffff, v54  }
0x1fa: {  	v54 =	vld.idx.msk [tilespmem:v60+s14+$0x0], $0xffff  }
0x1fb: {  	v62 =	vld.idx.msk [tilespmem:v61+s14+$0x0], $0xffff;
	_ =	sdelay $0x4  }
0x1fc: {  	v55 =	vsub.f32 v62, v54  }
0x1fd: {  	v63 =	vadd.s32 v3, v53  }
0x1fe: {  	v60 =	vadd.s32 $0x4, v51;
	v55 =	vmul.f32 v55, v50  }
0x1ff: {  	v61 =	vadd.s32 $0x4, v52  }
0x200: {  	v54 =	vadd.f32 v55, v54;
	_ =	sdelay $0x1  }
0x201: {  	[tilespmem:v63+s18+$0x0] =	vst.idx.msk $0xffff, v54  }
0x202: {  	v54 =	vld.idx.msk [tilespmem:v60+s14+$0x0], $0xffff  }
0x203: {  	v62 =	vld.idx.msk [tilespmem:v61+s14+$0x0], $0xffff;
	_ =	sdelay $0x4  }
0x204: {  	v55 =	vsub.f32 v62, v54  }
0x205: {  	v63 =	vadd.s32 v4, v53  }
0x206: {  	v60 =	vadd.s32 $0x5, v51;
	v55 =	vmul.f32 v55, v50  }
0x207: {  	v61 =	vadd.s32 $0x5, v52  }
0x208: {  	v54 =	vadd.f32 v55, v54;
	_ =	sdelay $0x1  }
0x209: {  	[tilespmem:v63+s18+$0x0] =	vst.idx.msk $0xffff, v54  }
0x20a: {  	v54 =	vld.idx.msk [tilespmem:v60+s14+$0x0], $0xffff  }
0x20b: {  	v62 =	vld.idx.msk [tilespmem:v61+s14+$0x0], $0xffff;
	_ =	sdelay $0x4  }
0x20c: {  	v55 =	vsub.f32 v62, v54  }
0x20d: {  	v63 =	vadd.s32 v5, v53  }
0x20e: {  	v60 =	vadd.s32 $0x6, v51;
	v55 =	vmul.f32 v55, v50  }
0x20f: {  	v61 =	vadd.s32 $0x6, v52  }
0x210: {  	v54 =	vadd.f32 v55, v54;
	_ =	sdelay $0x1  }
0x211: {  	[tilespmem:v63+s18+$0x0] =	vst.idx.msk $0xffff, v54  }
0x212: {  	v54 =	vld.idx.msk [tilespmem:v60+s14+$0x0], $0xffff  }
0x213: {  	v62 =	vld.idx.msk [tilespmem:v61+s14+$0x0], $0xffff;
	_ =	sdelay $0x4  }
0x214: {  	v55 =	vsub.f32 v62, v54  }
0x215: {  	v63 =	vadd.s32 v6, v53  }
0x216: {  	v60 =	vadd.s32 $0x7, v51;
	v55 =	vmul.f32 v55, v50  }
0x217: {  	v61 =	vadd.s32 $0x7, v52  }
0x218: {  	v54 =	vadd.f32 v55, v54;
	_ =	sdelay $0x1  }
0x219: {  	[tilespmem:v63+s18+$0x0] =	vst.idx.msk $0xffff, v54  }
0x21a: {  	v54 =	vld.idx.msk [tilespmem:v60+s14+$0x0], $0xffff  }
0x21b: {  	v62 =	vld.idx.msk [tilespmem:v61+s14+$0x0], $0xffff;
	_ =	sdelay $0x4  }
0x21c: {  	v55 =	vsub.f32 v62, v54  }
0x21d: {  	v63 =	vadd.s32 v7, v53  }
0x21e: {  	v60 =	vadd.s32 $0x8, v51;
	v55 =	vmul.f32 v55, v50  }
0x21f: {  	v61 =	vadd.s32 $0x8, v52  }
0x220: {  	v54 =	vadd.f32 v55, v54;
	_ =	sdelay $0x1  }
0x221: {  	[tilespmem:v63+s18+$0x0] =	vst.idx.msk $0xffff, v54  }
0x222: {  	v54 =	vld.idx.msk [tilespmem:v60+s14+$0x0], $0xffff  }
0x223: {  	v62 =	vld.idx.msk [tilespmem:v61+s14+$0x0], $0xffff;
	_ =	sdelay $0x4  }
0x224: {  	v55 =	vsub.f32 v62, v54  }
0x225: {  	v63 =	vadd.s32 v8, v53  }
0x226: {  	v60 =	vadd.s32 $0x9, v51;
	v55 =	vmul.f32 v55, v50  }
0x227: {  	v61 =	vadd.s32 $0x9, v52  }
0x228: {  	v54 =	vadd.f32 v55, v54;
	_ =	sdelay $0x1  }
0x229: {  	[tilespmem:v63+s18+$0x0] =	vst.idx.msk $0xffff, v54  }
0x22a: {  	v54 =	vld.idx.msk [tilespmem:v60+s14+$0x0], $0xffff  }
0x22b: {  	v62 =	vld.idx.msk [tilespmem:v61+s14+$0x0], $0xffff;
	_ =	sdelay $0x4  }
0x22c: {  	v55 =	vsub.f32 v62, v54  }
0x22d: {  	v63 =	vadd.s32 v9, v53  }
0x22e: {  	v60 =	vadd.s32 $0xA, v51;
	v55 =	vmul.f32 v55, v50  }
0x22f: {  	v61 =	vadd.s32 $0xA, v52  }
0x230: {  	v54 =	vadd.f32 v55, v54;
	_ =	sdelay $0x1  }
0x231: {  	[tilespmem:v63+s18+$0x0] =	vst.idx.msk $0xffff, v54  }
0x232: {  	v54 =	vld.idx.msk [tilespmem:v60+s14+$0x0], $0xffff  }
0x233: {  	v62 =	vld.idx.msk [tilespmem:v61+s14+$0x0], $0xffff;
	_ =	sdelay $0x4  }
0x234: {  	v55 =	vsub.f32 v62, v54  }
0x235: {  	v63 =	vadd.s32 v10, v53  }
0x236: {  	v60 =	vadd.s32 $0xB, v51;
	v55 =	vmul.f32 v55, v50  }
0x237: {  	v61 =	vadd.s32 $0xB, v52  }
0x238: {  	v54 =	vadd.f32 v55, v54;
	_ =	sdelay $0x1  }
0x239: {  	[tilespmem:v63+s18+$0x0] =	vst.idx.msk $0xffff, v54  }
0x23a: {  	v54 =	vld.idx.msk [tilespmem:v60+s14+$0x0], $0xffff  }
0x23b: {  	v62 =	vld.idx.msk [tilespmem:v61+s14+$0x0], $0xffff;
	_ =	sdelay $0x4  }
0x23c: {  	v55 =	vsub.f32 v62, v54  }
0x23d: {  	v63 =	vadd.s32 v11, v53  }
0x23e: {  	v60 =	vadd.s32 $0xC, v51;
	v55 =	vmul.f32 v55, v50  }
0x23f: {  	v61 =	vadd.s32 $0xC, v52  }
0x240: {  	v54 =	vadd.f32 v55, v54;
	_ =	sdelay $0x1  }
0x241: {  	[tilespmem:v63+s18+$0x0] =	vst.idx.msk $0xffff, v54  }
0x242: {  	v54 =	vld.idx.msk [tilespmem:v60+s14+$0x0], $0xffff  }
0x243: {  	v62 =	vld.idx.msk [tilespmem:v61+s14+$0x0], $0xffff;
	_ =	sdelay $0x4  }
0x244: {  	v55 =	vsub.f32 v62, v54  }
0x245: {  	v63 =	vadd.s32 v12, v53  }
0x246: {  	v60 =	vadd.s32 $0xD, v51;
	v55 =	vmul.f32 v55, v50  }
0x247: {  	v61 =	vadd.s32 $0xD, v52  }
0x248: {  	v54 =	vadd.f32 v55, v54;
	_ =	sdelay $0x1  }
0x249: {  	[tilespmem:v63+s18+$0x0] =	vst.idx.msk $0xffff, v54  }
0x24a: {  	v54 =	vld.idx.msk [tilespmem:v60+s14+$0x0], $0xffff  }
0x24b: {  	v62 =	vld.idx.msk [tilespmem:v61+s14+$0x0], $0xffff;
	_ =	sdelay $0x4  }
0x24c: {  	v55 =	vsub.f32 v62, v54  }
0x24d: {  	v63 =	vadd.s32 v13, v53  }
0x24e: {  	v60 =	vadd.s32 $0xE, v51;
	v55 =	vmul.f32 v55, v50  }
0x24f: {  	v61 =	vadd.s32 $0xE, v52  }
0x250: {  	v54 =	vadd.f32 v55, v54;
	_ =	sdelay $0x1  }
0x251: {  	[tilespmem:v63+s18+$0x0] =	vst.idx.msk $0xffff, v54  }
0x252: {  	v54 =	vld.idx.msk [tilespmem:v60+s14+$0x0], $0xffff  }
0x253: {  	v62 =	vld.idx.msk [tilespmem:v61+s14+$0x0], $0xffff;
	_ =	sdelay $0x4  }
0x254: {  	v55 =	vsub.f32 v62, v54  }
0x255: {  	v63 =	vadd.s32 v14, v53  }
0x256: {  	v60 =	vadd.s32 $0xF, v51;
	v55 =	vmul.f32 v55, v50  }
0x257: {  	v61 =	vadd.s32 $0xF, v52  }
0x258: {  	v54 =	vadd.f32 v55, v54;
	_ =	sdelay $0x1  }
0x259: {  	[tilespmem:v63+s18+$0x0] =	vst.idx.msk $0xffff, v54  }
0x25a: {  	v54 =	vld.idx.msk [tilespmem:v60+s14+$0x0], $0xffff  }
0x25b: {  	v62 =	vld.idx.msk [tilespmem:v61+s14+$0x0], $0xffff;
	_ =	sdelay $0x4  }
0x25c: {  	v55 =	vsub.f32 v62, v54  }
0x25d: {  	v63 =	vadd.s32 v15, v53  }
0x25e: {  	v60 =	vadd.s32 $0x10, v51;
	v55 =	vmul.f32 v55, v50  }
0x25f: {  	v61 =	vadd.s32 $0x10, v52  }
0x260: {  	v54 =	vadd.f32 v55, v54;
	_ =	sdelay $0x1  }
0x261: {  	[tilespmem:v63+s18+$0x0] =	vst.idx.msk $0xffff, v54  }
0x262: {  	v54 =	vld.idx.msk [tilespmem:v60+s14+$0x0], $0xffff  }
0x263: {  	v62 =	vld.idx.msk [tilespmem:v61+s14+$0x0], $0xffff;
	_ =	sdelay $0x4  }
0x264: {  	v55 =	vsub.f32 v62, v54  }
0x265: {  	v63 =	vadd.s32 v16, v53  }
0x266: {  	v60 =	vadd.s32 $0x11, v51;
	v55 =	vmul.f32 v55, v50  }
0x267: {  	v61 =	vadd.s32 $0x11, v52  }
0x268: {  	v54 =	vadd.f32 v55, v54;
	_ =	sdelay $0x1  }
0x269: {  	[tilespmem:v63+s18+$0x0] =	vst.idx.msk $0xffff, v54  }
0x26a: {  	v54 =	vld.idx.msk [tilespmem:v60+s14+$0x0], $0xffff  }
0x26b: {  	v62 =	vld.idx.msk [tilespmem:v61+s14+$0x0], $0xffff;
	_ =	sdelay $0x4  }
0x26c: {  	v55 =	vsub.f32 v62, v54  }
0x26d: {  	v63 =	vadd.s32 v17, v53  }
0x26e: {  	v60 =	vadd.s32 $0x12, v51;
	v55 =	vmul.f32 v55, v50  }
0x26f: {  	v61 =	vadd.s32 $0x12, v52  }
0x270: {  	v54 =	vadd.f32 v55, v54;
	_ =	sdelay $0x1  }
0x271: {  	[tilespmem:v63+s18+$0x0] =	vst.idx.msk $0xffff, v54  }
0x272: {  	v54 =	vld.idx.msk [tilespmem:v60+s14+$0x0], $0xffff  }
0x273: {  	v62 =	vld.idx.msk [tilespmem:v61+s14+$0x0], $0xffff;
	_ =	sdelay $0x4  }
0x274: {  	v55 =	vsub.f32 v62, v54  }
0x275: {  	v63 =	vadd.s32 v18, v53  }
0x276: {  	v60 =	vadd.s32 $0x13, v51;
	v55 =	vmul.f32 v55, v50  }
0x277: {  	v61 =	vadd.s32 $0x13, v52  }
0x278: {  	v54 =	vadd.f32 v55, v54;
	_ =	sdelay $0x1  }
0x279: {  	[tilespmem:v63+s18+$0x0] =	vst.idx.msk $0xffff, v54  }
0x27a: {  	v54 =	vld.idx.msk [tilespmem:v60+s14+$0x0], $0xffff  }
0x27b: {  	v62 =	vld.idx.msk [tilespmem:v61+s14+$0x0], $0xffff;
	_ =	sdelay $0x4  }
0x27c: {  	v55 =	vsub.f32 v62, v54  }
0x27d: {  	v63 =	vadd.s32 v19, v53  }
0x27e: {  	v60 =	vadd.s32 $0x14, v51;
	v55 =	vmul.f32 v55, v50  }
0x27f: {  	v61 =	vadd.s32 $0x14, v52  }
0x280: {  	v54 =	vadd.f32 v55, v54;
	_ =	sdelay $0x1  }
0x281: {  	[tilespmem:v63+s18+$0x0] =	vst.idx.msk $0xffff, v54  }
0x282: {  	v54 =	vld.idx.msk [tilespmem:v60+s14+$0x0], $0xffff  }
0x283: {  	v62 =	vld.idx.msk [tilespmem:v61+s14+$0x0], $0xffff;
	_ =	sdelay $0x4  }
0x284: {  	v55 =	vsub.f32 v62, v54  }
0x285: {  	v63 =	vadd.s32 v20, v53  }
0x286: {  	v60 =	vadd.s32 $0x15, v51;
	v55 =	vmul.f32 v55, v50  }
0x287: {  	v61 =	vadd.s32 $0x15, v52  }
0x288: {  	v54 =	vadd.f32 v55, v54;
	_ =	sdelay $0x1  }
0x289: {  	[tilespmem:v63+s18+$0x0] =	vst.idx.msk $0xffff, v54  }
0x28a: {  	v54 =	vld.idx.msk [tilespmem:v60+s14+$0x0], $0xffff  }
0x28b: {  	v62 =	vld.idx.msk [tilespmem:v61+s14+$0x0], $0xffff;
	_ =	sdelay $0x4  }
0x28c: {  	v55 =	vsub.f32 v62, v54  }
0x28d: {  	v63 =	vadd.s32 v21, v53  }
0x28e: {  	v60 =	vadd.s32 $0x16, v51;
	v55 =	vmul.f32 v55, v50  }
0x28f: {  	v61 =	vadd.s32 $0x16, v52  }
0x290: {  	v54 =	vadd.f32 v55, v54;
	_ =	sdelay $0x1  }
0x291: {  	[tilespmem:v63+s18+$0x0] =	vst.idx.msk $0xffff, v54  }
0x292: {  	v54 =	vld.idx.msk [tilespmem:v60+s14+$0x0], $0xffff  }
0x293: {  	v62 =	vld.idx.msk [tilespmem:v61+s14+$0x0], $0xffff;
	_ =	sdelay $0x4  }
0x294: {  	v55 =	vsub.f32 v62, v54  }
0x295: {  	v63 =	vadd.s32 v22, v53  }
0x296: {  	v60 =	vadd.s32 $0x17, v51;
	v55 =	vmul.f32 v55, v50  }
0x297: {  	v61 =	vadd.s32 $0x17, v52  }
0x298: {  	v54 =	vadd.f32 v55, v54;
	_ =	sdelay $0x1  }
0x299: {  	[tilespmem:v63+s18+$0x0] =	vst.idx.msk $0xffff, v54  }
0x29a: {  	v54 =	vld.idx.msk [tilespmem:v60+s14+$0x0], $0xffff  }
0x29b: {  	v62 =	vld.idx.msk [tilespmem:v61+s14+$0x0], $0xffff;
	_ =	sdelay $0x4  }
0x29c: {  	v55 =	vsub.f32 v62, v54  }
0x29d: {  	v63 =	vadd.s32 v23, v53  }
0x29e: {  	v60 =	vadd.s32 $0x18, v51;
	v55 =	vmul.f32 v55, v50  }
0x29f: {  	v61 =	vadd.s32 $0x18, v52  }
0x2a0: {  	v54 =	vadd.f32 v55, v54;
	_ =	sdelay $0x1  }
0x2a1: {  	[tilespmem:v63+s18+$0x0] =	vst.idx.msk $0xffff, v54  }
0x2a2: {  	v54 =	vld.idx.msk [tilespmem:v60+s14+$0x0], $0xffff  }
0x2a3: {  	v62 =	vld.idx.msk [tilespmem:v61+s14+$0x0], $0xffff;
	_ =	sdelay $0x4  }
0x2a4: {  	v55 =	vsub.f32 v62, v54  }
0x2a5: {  	v63 =	vadd.s32 v24, v53  }
0x2a6: {  	v60 =	vadd.s32 $0x19, v51;
	v55 =	vmul.f32 v55, v50  }
0x2a7: {  	v61 =	vadd.s32 $0x19, v52  }
0x2a8: {  	v54 =	vadd.f32 v55, v54;
	_ =	sdelay $0x1  }
0x2a9: {  	[tilespmem:v63+s18+$0x0] =	vst.idx.msk $0xffff, v54  }
0x2aa: {  	v54 =	vld.idx.msk [tilespmem:v60+s14+$0x0], $0xffff  }
0x2ab: {  	v62 =	vld.idx.msk [tilespmem:v61+s14+$0x0], $0xffff;
	_ =	sdelay $0x4  }
0x2ac: {  	v55 =	vsub.f32 v62, v54  }
0x2ad: {  	v63 =	vadd.s32 v25, v53  }
0x2ae: {  	v60 =	vadd.s32 $0x1A, v51;
	v55 =	vmul.f32 v55, v50  }
0x2af: {  	v61 =	vadd.s32 $0x1A, v52  }
0x2b0: {  	v54 =	vadd.f32 v55, v54;
	_ =	sdelay $0x1  }
0x2b1: {  	[tilespmem:v63+s18+$0x0] =	vst.idx.msk $0xffff, v54  }
0x2b2: {  	v54 =	vld.idx.msk [tilespmem:v60+s14+$0x0], $0xffff  }
0x2b3: {  	v62 =	vld.idx.msk [tilespmem:v61+s14+$0x0], $0xffff;
	_ =	sdelay $0x4  }
0x2b4: {  	v55 =	vsub.f32 v62, v54  }
0x2b5: {  	v63 =	vadd.s32 v26, v53  }
0x2b6: {  	v60 =	vadd.s32 $0x1B, v51;
	v55 =	vmul.f32 v55, v50  }
0x2b7: {  	v61 =	vadd.s32 $0x1B, v52  }
0x2b8: {  	v54 =	vadd.f32 v55, v54;
	_ =	sdelay $0x1  }
0x2b9: {  	[tilespmem:v63+s18+$0x0] =	vst.idx.msk $0xffff, v54  }
0x2ba: {  	v54 =	vld.idx.msk [tilespmem:v60+s14+$0x0], $0xffff  }
0x2bb: {  	v62 =	vld.idx.msk [tilespmem:v61+s14+$0x0], $0xffff;
	_ =	sdelay $0x4  }
0x2bc: {  	v55 =	vsub.f32 v62, v54  }
0x2bd: {  	v63 =	vadd.s32 v27, v53  }
0x2be: {  	v60 =	vadd.s32 $0x1C, v51;
	v55 =	vmul.f32 v55, v50  }
0x2bf: {  	v61 =	vadd.s32 $0x1C, v52  }
0x2c0: {  	v54 =	vadd.f32 v55, v54;
	_ =	sdelay $0x1  }
0x2c1: {  	[tilespmem:v63+s18+$0x0] =	vst.idx.msk $0xffff, v54  }
0x2c2: {  	v54 =	vld.idx.msk [tilespmem:v60+s14+$0x0], $0xffff  }
0x2c3: {  	v62 =	vld.idx.msk [tilespmem:v61+s14+$0x0], $0xffff;
	_ =	sdelay $0x4  }
0x2c4: {  	v55 =	vsub.f32 v62, v54  }
0x2c5: {  	v63 =	vadd.s32 v28, v53  }
0x2c6: {  	v60 =	vadd.s32 $0x1D, v51;
	v55 =	vmul.f32 v55, v50  }
0x2c7: {  	v61 =	vadd.s32 $0x1D, v52  }
0x2c8: {  	v54 =	vadd.f32 v55, v54;
	_ =	sdelay $0x1  }
0x2c9: {  	[tilespmem:v63+s18+$0x0] =	vst.idx.msk $0xffff, v54  }
0x2ca: {  	v54 =	vld.idx.msk [tilespmem:v60+s14+$0x0], $0xffff  }
0x2cb: {  	v62 =	vld.idx.msk [tilespmem:v61+s14+$0x0], $0xffff;
	_ =	sdelay $0x4  }
0x2cc: {  	v55 =	vsub.f32 v62, v54  }
0x2cd: {  	v63 =	vadd.s32 v29, v53  }
0x2ce: {  	v60 =	vadd.s32 $0x1E, v51;
	v55 =	vmul.f32 v55, v50  }
0x2cf: {  	v61 =	vadd.s32 $0x1E, v52  }
0x2d0: {  	v54 =	vadd.f32 v55, v54;
	_ =	sdelay $0x1  }
0x2d1: {  	[tilespmem:v63+s18+$0x0] =	vst.idx.msk $0xffff, v54  }
0x2d2: {  	v54 =	vld.idx.msk [tilespmem:v60+s14+$0x0], $0xffff  }
0x2d3: {  	v62 =	vld.idx.msk [tilespmem:v61+s14+$0x0], $0xffff;
	_ =	sdelay $0x4  }
0x2d4: {  	v55 =	vsub.f32 v62, v54  }
0x2d5: {  	v63 =	vadd.s32 v30, v53  }
0x2d6: {  	v60 =	vadd.s32 $0x1F, v51;
	v55 =	vmul.f32 v55, v50  }
0x2d7: {  	v61 =	vadd.s32 $0x1F, v52  }
0x2d8: {  	v54 =	vadd.f32 v55, v54;
	_ =	sdelay $0x1  }
0x2d9: {  	[tilespmem:v63+s18+$0x0] =	vst.idx.msk $0xffff, v54  }
0x2da: {  	v54 =	vld.idx.msk [tilespmem:v60+s14+$0x0], $0xffff  }
0x2db: {  	v62 =	vld.idx.msk [tilespmem:v61+s14+$0x0], $0xffff;
	_ =	sdelay $0x4  }
0x2dc: {  	v55 =	vsub.f32 v62, v54  }
0x2dd: {  	v63 =	vadd.s32 v31, v53  }
0x2de: {  	v60 =	vadd.s32 $0x20, v51;
	v55 =	vmul.f32 v55, v50  }
0x2df: {  	v61 =	vadd.s32 $0x20, v52  }
0x2e0: {  	v54 =	vadd.f32 v55, v54;
	_ =	sdelay $0x1  }
0x2e1: {  	[tilespmem:v63+s18+$0x0] =	vst.idx.msk $0xffff, v54  }
0x2e2: {  	v54 =	vld.idx.msk [tilespmem:v60+s14+$0x0], $0xffff  }
0x2e3: {  	v62 =	vld.idx.msk [tilespmem:v61+s14+$0x0], $0xffff;
	_ =	sdelay $0x4  }
0x2e4: {  	v55 =	vsub.f32 v62, v54  }
0x2e5: {  	v63 =	vadd.s32 v32, v53  }
0x2e6: {  	v60 =	vadd.s32 $0x21, v51;
	v55 =	vmul.f32 v55, v50  }
0x2e7: {  	v61 =	vadd.s32 $0x21, v52  }
0x2e8: {  	v54 =	vadd.f32 v55, v54;
	_ =	sdelay $0x1  }
0x2e9: {  	[tilespmem:v63+s18+$0x0] =	vst.idx.msk $0xffff, v54  }
0x2ea: {  	v54 =	vld.idx.msk [tilespmem:v60+s14+$0x0], $0xffff  }
0x2eb: {  	v62 =	vld.idx.msk [tilespmem:v61+s14+$0x0], $0xffff;
	_ =	sdelay $0x4  }
0x2ec: {  	v55 =	vsub.f32 v62, v54  }
0x2ed: {  	v63 =	vadd.s32 v33, v53  }
0x2ee: {  	v60 =	vadd.s32 $0x22, v51;
	v55 =	vmul.f32 v55, v50  }
0x2ef: {  	v61 =	vadd.s32 $0x22, v52  }
0x2f0: {  	v54 =	vadd.f32 v55, v54;
	_ =	sdelay $0x1  }
0x2f1: {  	[tilespmem:v63+s18+$0x0] =	vst.idx.msk $0xffff, v54  }
0x2f2: {  	v54 =	vld.idx.msk [tilespmem:v60+s14+$0x0], $0xffff  }
0x2f3: {  	v62 =	vld.idx.msk [tilespmem:v61+s14+$0x0], $0xffff;
	_ =	sdelay $0x4  }
0x2f4: {  	v55 =	vsub.f32 v62, v54  }
0x2f5: {  	v63 =	vadd.s32 v34, v53  }
0x2f6: {  	v60 =	vadd.s32 $0x23, v51;
	v55 =	vmul.f32 v55, v50  }
0x2f7: {  	v61 =	vadd.s32 $0x23, v52  }
0x2f8: {  	v54 =	vadd.f32 v55, v54;
	_ =	sdelay $0x1  }
0x2f9: {  	[tilespmem:v63+s18+$0x0] =	vst.idx.msk $0xffff, v54  }
0x2fa: {  	v54 =	vld.idx.msk [tilespmem:v60+s14+$0x0], $0xffff  }
0x2fb: {  	v62 =	vld.idx.msk [tilespmem:v61+s14+$0x0], $0xffff;
	_ =	sdelay $0x4  }
0x2fc: {  	v55 =	vsub.f32 v62, v54  }
0x2fd: {  	v63 =	vadd.s32 v35, v53  }
0x2fe: {  	v60 =	vadd.s32 $0x24, v51;
	v55 =	vmul.f32 v55, v50  }
0x2ff: {  	v61 =	vadd.s32 $0x24, v52  }
0x300: {  	v54 =	vadd.f32 v55, v54;
	_ =	sdelay $0x1  }
0x301: {  	[tilespmem:v63+s18+$0x0] =	vst.idx.msk $0xffff, v54  }
0x302: {  	v54 =	vld.idx.msk [tilespmem:v60+s14+$0x0], $0xffff  }
0x303: {  	v62 =	vld.idx.msk [tilespmem:v61+s14+$0x0], $0xffff;
	_ =	sdelay $0x4  }
0x304: {  	v55 =	vsub.f32 v62, v54  }
0x305: {  	v63 =	vadd.s32 v36, v53  }
0x306: {  	v60 =	vadd.s32 $0x25, v51;
	v55 =	vmul.f32 v55, v50  }
0x307: {  	v61 =	vadd.s32 $0x25, v52  }
0x308: {  	v54 =	vadd.f32 v55, v54;
	_ =	sdelay $0x1  }
0x309: {  	[tilespmem:v63+s18+$0x0] =	vst.idx.msk $0xffff, v54  }
0x30a: {  	v54 =	vld.idx.msk [tilespmem:v60+s14+$0x0], $0xffff  }
0x30b: {  	v62 =	vld.idx.msk [tilespmem:v61+s14+$0x0], $0xffff;
	_ =	sdelay $0x4  }
0x30c: {  	v55 =	vsub.f32 v62, v54  }
0x30d: {  	v63 =	vadd.s32 v37, v53  }
0x30e: {  	v60 =	vadd.s32 $0x26, v51;
	v55 =	vmul.f32 v55, v50  }
0x30f: {  	v61 =	vadd.s32 $0x26, v52  }
0x310: {  	v54 =	vadd.f32 v55, v54;
	_ =	sdelay $0x1  }
0x311: {  	[tilespmem:v63+s18+$0x0] =	vst.idx.msk $0xffff, v54  }
0x312: {  	v54 =	vld.idx.msk [tilespmem:v60+s14+$0x0], $0xffff  }
0x313: {  	v62 =	vld.idx.msk [tilespmem:v61+s14+$0x0], $0xffff;
	_ =	sdelay $0x4  }
0x314: {  	v55 =	vsub.f32 v62, v54  }
0x315: {  	v63 =	vadd.s32 v38, v53  }
0x316: {  	v60 =	vadd.s32 $0x27, v51;
	v55 =	vmul.f32 v55, v50  }
0x317: {  	v61 =	vadd.s32 $0x27, v52  }
0x318: {  	v54 =	vadd.f32 v55, v54;
	_ =	sdelay $0x1  }
0x319: {  	[tilespmem:v63+s18+$0x0] =	vst.idx.msk $0xffff, v54  }
0x31a: {  	v54 =	vld.idx.msk [tilespmem:v60+s14+$0x0], $0xffff  }
0x31b: {  	v62 =	vld.idx.msk [tilespmem:v61+s14+$0x0], $0xffff;
	_ =	sdelay $0x4  }
0x31c: {  	v55 =	vsub.f32 v62, v54  }
0x31d: {  	v63 =	vadd.s32 v39, v53  }
0x31e: {  	v60 =	vadd.s32 $0x28, v51;
	v55 =	vmul.f32 v55, v50  }
0x31f: {  	v61 =	vadd.s32 $0x28, v52  }
0x320: {  	v54 =	vadd.f32 v55, v54;
	_ =	sdelay $0x1  }
0x321: {  	[tilespmem:v63+s18+$0x0] =	vst.idx.msk $0xffff, v54  }
0x322: {  	v54 =	vld.idx.msk [tilespmem:v60+s14+$0x0], $0xffff  }
0x323: {  	v62 =	vld.idx.msk [tilespmem:v61+s14+$0x0], $0xffff;
	_ =	sdelay $0x4  }
0x324: {  	v55 =	vsub.f32 v62, v54  }
0x325: {  	v63 =	vadd.s32 v40, v53  }
0x326: {  	v60 =	vadd.s32 $0x29, v51;
	v55 =	vmul.f32 v55, v50  }
0x327: {  	v61 =	vadd.s32 $0x29, v52  }
0x328: {  	v54 =	vadd.f32 v55, v54;
	_ =	sdelay $0x1  }
0x329: {  	[tilespmem:v63+s18+$0x0] =	vst.idx.msk $0xffff, v54  }
0x32a: {  	v54 =	vld.idx.msk [tilespmem:v60+s14+$0x0], $0xffff  }
0x32b: {  	v62 =	vld.idx.msk [tilespmem:v61+s14+$0x0], $0xffff;
	_ =	sdelay $0x4  }
0x32c: {  	v55 =	vsub.f32 v62, v54  }
0x32d: {  	v63 =	vadd.s32 v41, v53  }
0x32e: {  	v60 =	vadd.s32 $0x2A, v51;
	v55 =	vmul.f32 v55, v50  }
0x32f: {  	v61 =	vadd.s32 $0x2A, v52  }
0x330: {  	v54 =	vadd.f32 v55, v54;
	_ =	sdelay $0x1  }
0x331: {  	[tilespmem:v63+s18+$0x0] =	vst.idx.msk $0xffff, v54  }
0x332: {  	v54 =	vld.idx.msk [tilespmem:v60+s14+$0x0], $0xffff  }
0x333: {  	v62 =	vld.idx.msk [tilespmem:v61+s14+$0x0], $0xffff;
	_ =	sdelay $0x4  }
0x334: {  	v55 =	vsub.f32 v62, v54  }
0x335: {  	v63 =	vadd.s32 v42, v53  }
0x336: {  	v60 =	vadd.s32 $0x2B, v51;
	v55 =	vmul.f32 v55, v50  }
0x337: {  	v61 =	vadd.s32 $0x2B, v52  }
0x338: {  	v54 =	vadd.f32 v55, v54;
	_ =	sdelay $0x1  }
0x339: {  	[tilespmem:v63+s18+$0x0] =	vst.idx.msk $0xffff, v54  }
0x33a: {  	v54 =	vld.idx.msk [tilespmem:v60+s14+$0x0], $0xffff  }
0x33b: {  	v62 =	vld.idx.msk [tilespmem:v61+s14+$0x0], $0xffff;
	_ =	sdelay $0x4  }
0x33c: {  	v55 =	vsub.f32 v62, v54  }
0x33d: {  	v63 =	vadd.s32 v43, v53  }
0x33e: {  	v60 =	vadd.s32 $0x2C, v51;
	v55 =	vmul.f32 v55, v50  }
0x33f: {  	v61 =	vadd.s32 $0x2C, v52  }
0x340: {  	v54 =	vadd.f32 v55, v54;
	_ =	sdelay $0x1  }
0x341: {  	[tilespmem:v63+s18+$0x0] =	vst.idx.msk $0xffff, v54  }
0x342: {  	v54 =	vld.idx.msk [tilespmem:v60+s14+$0x0], $0xffff  }
0x343: {  	v62 =	vld.idx.msk [tilespmem:v61+s14+$0x0], $0xffff;
	_ =	sdelay $0x4  }
0x344: {  	v55 =	vsub.f32 v62, v54  }
0x345: {  	v63 =	vadd.s32 v44, v53  }
0x346: {  	v60 =	vadd.s32 $0x2D, v51;
	v55 =	vmul.f32 v55, v50  }
0x347: {  	v61 =	vadd.s32 $0x2D, v52  }
0x348: {  	v54 =	vadd.f32 v55, v54;
	_ =	sdelay $0x1  }
0x349: {  	[tilespmem:v63+s18+$0x0] =	vst.idx.msk $0xffff, v54  }
0x34a: {  	v54 =	vld.idx.msk [tilespmem:v60+s14+$0x0], $0xffff  }
0x34b: {  	v62 =	vld.idx.msk [tilespmem:v61+s14+$0x0], $0xffff;
	_ =	sdelay $0x4  }
0x34c: {  	v55 =	vsub.f32 v62, v54  }
0x34d: {  	v63 =	vadd.s32 v45, v53  }
0x34e: {  	v60 =	vadd.s32 $0x2E, v51;
	v55 =	vmul.f32 v55, v50  }
0x34f: {  	v61 =	vadd.s32 $0x2E, v52  }
0x350: {  	v54 =	vadd.f32 v55, v54;
	_ =	sdelay $0x1  }
0x351: {  	[tilespmem:v63+s18+$0x0] =	vst.idx.msk $0xffff, v54  }
0x352: {  	v54 =	vld.idx.msk [tilespmem:v60+s14+$0x0], $0xffff  }
0x353: {  	v62 =	vld.idx.msk [tilespmem:v61+s14+$0x0], $0xffff;
	_ =	sdelay $0x4  }
0x354: {  	v55 =	vsub.f32 v62, v54  }
0x355: {  	v63 =	vadd.s32 v46, v53  }
0x356: {  	v60 =	vadd.s32 $0x2F, v51;
	v55 =	vmul.f32 v55, v50  }
0x357: {  	v61 =	vadd.s32 $0x2F, v52  }
0x358: {  	v54 =	vadd.f32 v55, v54;
	_ =	sdelay $0x1  }
0x359: {  	[tilespmem:v63+s18+$0x0] =	vst.idx.msk $0xffff, v54  }
0x35a: {  	v54 =	vld.idx.msk [tilespmem:v60+s14+$0x0], $0xffff  }
0x35b: {  	v62 =	vld.idx.msk [tilespmem:v61+s14+$0x0], $0xffff;
	_ =	sdelay $0x4  }
0x35c: {  	v55 =	vsub.f32 v62, v54  }
0x35d: {  	v63 =	vadd.s32 v47, v53  }
0x35e: {  	v60 =	vadd.s32 $0x30, v51;
	v55 =	vmul.f32 v55, v50  }
0x35f: {  	v61 =	vadd.s32 $0x30, v52  }
0x360: {  	v54 =	vadd.f32 v55, v54;
	_ =	sdelay $0x1  }
0x361: {  	[tilespmem:v63+s18+$0x0] =	vst.idx.msk $0xffff, v54  }
0x362: {  	v54 =	vld.idx.msk [tilespmem:v60+s14+$0x0], $0xffff  }
0x363: {  	v62 =	vld.idx.msk [tilespmem:v61+s14+$0x0], $0xffff;
	_ =	sdelay $0x4  }
0x364: {  	v55 =	vsub.f32 v62, v54  }
0x365: {  	v63 =	vadd.s32 v48, v53  }
0x366: {  	v51 =	vadd.s32 $0x31, v51;
	v55 =	vmul.f32 v55, v50  }
0x367: {  	v52 =	vadd.s32 $0x31, v52  }
0x368: {  	v54 =	vadd.f32 v55, v54;
	_ =	sdelay $0x1  }
0x369: {  	[tilespmem:v63+s18+$0x0] =	vst.idx.msk $0xffff, v54  }
0x36a: {  	v51 =	vld.idx.msk [tilespmem:v51+s14+$0x0], $0xffff  }
0x36b: {  	v52 =	vld.idx.msk [tilespmem:v52+s14+$0x0], $0xffff;
	_ =	sdelay $0x4  }
0x36c: {  	v52 =	vsub.f32 v52, v51  }
0x36d: {  	p0 =	sne.s32 s24, $0x120;
	v53 =	vadd.s32 v49, v53  }
.Ltmp3:
0x36e: {  	v50 =	vmul.f32 v52, v50;
	(pc) =	sbr.rel @p0 .LBB2_5-.Ltmp3, $3  }
0x36f: {  	_ = 	snop  }
0x370: {  	v50 =	vadd.f32 v50, v51;
	_ =	sdelay $0x1  }
0x371: {  	s24 =	sadd.s32 $0x10, s24;
	s25 =	sadd.s32 $0x10, s25;
	[tilespmem:v53+s18+$0x0] =	vst.idx.msk $0xffff, v50  }
0x372: {  	s24 =	smul.u32 $0x3AA0, s23  }
.Ltmp4:
0x373: {  	_ = 	snop;
	(pc) =	sbr.rel @p1 .LBB2_8-.Ltmp4, $4  }
0x374: {  	s24 =	sshrl.u32 s24, $0x3  }
0x375: {  	s24 =	sadd.s32 s6, s24  }
0x376: {  	s24 =	sadd.s32 $0x754, s24  }
0x377: {  	[hbm4b:s24+s3] =	stream.linear.scatter [tilespmem:s18], [sflag:$0x4], $0x3AA0, $0x38;
	[tilespmem:$0xF200] =	vst v63  }
0x378: {  	s23 =	sadd.s32 $0x3, s23  }
0x379: {  	s24 =	smulhi.u32 $0x55555556, s23;
	_ =	sdelay $0x1  }
0x37a: {  	s24 =	smul.u32 $0x260, s24;
	_ =	sdelay $0x1  }
.Ltmp5:
0x37b: {  	s24 =	sshrl.u32 s24, $0x3;
	(pc) =	sbr.rel .LBB2_2-.Ltmp5, $4  }
0x37c: {  	s23 =	smul.u32 $0x754, s23;
	s24 =	sadd.s32 s5, s24  }
0x37d: {  	[tilespmem:s13], [sflag:$0x2] =	stream.linear.gather [hbm4b:s24+s3], $0x260, $0x38;
	[tilespmem:$0xF200] =	vst v63  }
0x37e: {  	s22 =	sadd.s32 $0x1, s22;
	s23 =	sadd.s32 s4, s23  }
0x37f: {  	[tilespmem:s14], [sflag:$0x2] =	stream.linear.gather [hbm4b:s23+s3], $0x3AA0, $0x38;
	[tilespmem:$0xF200] =	vst v63  }
.LBB2_9:
0x380: {  	_ =	sfence.sel $0x180000  }
0x381: {  	[bflag:$0x0] =	sbarrier.arrive $0xFFFF  }
0x382: {  	p0 =	sne.s32 s0, $0x0;
	_ =	strace $0x9000004A  }
0x383: {  	s0 =	sadd.s32 @!p0 $0x100000, s1;
	[bflag:$0x2] =	sbarrier.arrive $0xFFFF  }
0x384: {  	[sflag:s0] =	ssyncadd.tile.s32 @!p0 $0x1;
	_ =	shalt  }
.Lfunc_end2:
_tile_overlayer_lowered:
.L_overlay_start_2:
0x385: {  	(tag) =	ssettag $0x2  }
0x386: {  	s0 =	rddreg [dreg:$0x0];
	s2 =	stileid.u32  }
0x387: {  	s1 =	rddreg [dreg:$0x1];
	p0 =	sne.s32 s2, $0x0  }
0x388: {  	s3 =	rddreg [dreg:$0x2];
	[bflag:$0x3] =	sbarrier.arrive $0xFFFF;
	s2 =	simm.s32 @!p0 $0x1C05  }
0x389: {  	[timem:s3], [sflag:s2] =	dma.local @!p0 [hbm:s0], s1  }
0x38a: {  	s0 =	simm.s32 @!p0 $0x5  }
0x38b: {  	_ =	swait.ge @!p0 [sflag:s0], s1  }
0x38c: {  	s1 =	ssub.s32 @!p0 $0x0, s1;
	[sflag:s0] =	ssyncset.done @!p0 $0x0  }
0x38d: {  	[sflag:s0] =	ssyncadd.s32 @!p0 s1  }
0x38e: {  	[bflag:$0x3] =	sbarrier.arrive $0xFFFF  }
0x38f: {  	_ =	shalt  }

// kernel: sparse-core-data-format-call.1.cloned.1.call-start
scs
called_computation.1_lowered:
.L_overlay_start_0:
0x0: {  	s2 =	sld [smem:$0x3FD9]  }
0x1: {  	s3 =	sld [smem:$0x3FFE];
	_ =	sdelay $0x1  }
0x2: {  	s1 =	srdreg.scid  }
0x3: {  	s0 =	sand.u32 $0x1, s1  }
0x4: {  	s15 =	sshll.u32 s0, $0xA;
	s2 =	sadd.s32 s3, s2  }
0x5: {  	s2 =	sadd.s32 s2, s15  }
0x6: {  	[smem:$0x3FC7] =	sst s2  }
0x7: {  	_ = 	snop  }
0x8: {  	s2 =	sld [smem:$0x3FD0];
	_ =	sdelay $0x2  }
0x9: {  	s16 =	simm.s32 $0xA;
	s4 =	simm.s32 $0x10  }
0xa: {  	[smem:s4], [sflag:s16] =	dma.local [hbm:s2], $0x1  }
0xb: {  	_ =	swait.eq [sflag:s16], $0x1  }
0xc: {  	[sflag:s16] =	ssyncset.done $0x0  }
0xd: {  	[sflag:s16] =	ssyncadd.s32 $0xFFFFFFFF  }
0xe: {  	s17 =	sld [smem:$0x10];
	(tm) =	ssettm $0x1  }
0xf: {  	s18 =	sld [smem:$0x3FFB];
	_ =	sdelay $0x3  }
0x10: {  	_ =	strace s18  }
0x11: {  	s3 =	sld [smem:$0x3FFC];
	_ =	sdelay $0x3  }
0x12: {  	_ =	strace s3  }
0x13: {  	s3 =	sld [smem:$0x3FFD];
	_ =	sdelay $0x3  }
0x14: {  	_ =	strace s3  }
0x15: {  	_ =	strace $0x8FFFFFFF  }
0x16: {  	s19 =	sld [smem:$0x3FDB];
	_ =	sdelay $0x1  }
0x17: {  	s20 =	simm.s32 $_scs_section_size  }
0x18: {  	s5 =	simm.s32 $_size__tile_overlayer_lowered;
	s6 =	simm.s32 $_tile_overlayer_lowered  }
0x19: {  	s23 =	simm.s32 $0x1BFF;
	s22 =	sshll.u32 s6, $0x1;
	s3 =	sadd.s32 s20, s19  }
0x1a: {  	s7 =	simm.s32 $0x0;
	s21 =	sshll.u32 s5, $0x1;
	s5 =	sadd.s32 s22, s3  }
0x1b: {  	[timem:s7], [sflag:s23] =	dma.local [hbm:s5], s21  }
0x1c: {  	_ =	swait.ge [sflag:s23], s21  }
0x1d: {  	s4 =	ssub.s32 $0x0, s21;
	[sflag:s23] =	ssyncset.done $0x0  }
0x1e: {  	[sflag:s23] =	ssyncadd.s32 s4;
	_ =	sdelay $0x1  }
0x1f: {  	s24 =	simm.s32 $0x1B8B  }
0x20: {  	_ =	swait.ge [sflag:s24], $0x1  }
0x21: {  	[sflag:s24] =	ssyncset.done $0x0  }
0x22: {  	s26 =	simm.s32 $0x1B8E;
	s25 =	sld [smem:$0x3FFE];
	[sflag:s24] =	ssyncadd.s32 $0xFFFFFFFF  }
0x23: {  	s27 =	simm.s32 $execute0_lowered;
	[smem:$0x3FD2] =	sst s26  }
0x24: {  	s5 =	sshll.u32 s27, $0x1;
	_ =	strace $0x8000004C;
	[dreg:$0x1] =	wrdreg $0xFFFFFFFF  }
0x25: {  	s28 =	simm.s32 $_size_execute0_lowered;
	s3 =	sadd.s32 s3, s5;
	[dreg:$0x0] =	wrdreg $0x0  }
0x26: {  	s5 =	sshll.u32 s28, $0x1;
	[dreg:$0x2] =	wrdreg s3  }
0x27: {  	[dreg:$0x3] =	wrdreg s5  }
0x28: {  	[dreg:$0x4] =	wrdreg $0xC0  }
0x29: {  	_ =	task [dreg:s7], $0x5FFFF  }
0x2a: {  	[dreg:$0x1] =	wrdreg $0xFFFFFFFF  }
0x2b: {  	[dreg:$0x0] =	wrdreg $0x60  }
0x2c: {  	[dreg:$0x2] =	wrdreg s25  }
0x2d: {  	[dreg:$0x3] =	wrdreg s17  }
0x2e: {  	[dreg:$0x4] =	wrdreg $0x9  }
0x2f: {  	_ =	task.clear_ibuf [dreg:s7], $0x5FFFF;
	_ =	strace $0x9000004C  }
0x30: {  	s29 =	simm.s32 $0x9;
	_ =	strace $0x8000004E  }
0x31: {  	_ =	swait.ge [sflag:s29], $0x1  }
0x32: {  	[sflag:s29] =	ssyncadd.s32 $0xFFFFFFFF  }
0x33: {  	_ =	strace $0x9000004E  }
0x34: {  	_ =	sfence  }
0x35: {  	s30 =	sld [smem:$0x0];
	_ =	sdelay $0x2  }
0x36: {  	s31 =	sshll.u32 s1, $0xD;
	s1 =	sshrl.u32 s1, $0x2  }
0x37: {  	s3 =	sand.u32 $0x4000, s31;
	s1 =	sadd.s32 s1, s30  }
0x38: {  	s0 =	sor.u32 s3, s0;
	s1 =	sshll.u32 s1, $0x11  }
0x39: {  	s0 =	sor.u32 s1, s0  }
0x3a: {  	s0 =	sadd.s32 $0x8F2B, s0  }
0x3b: {  	[sflag:s0] =	ssyncadd.remote.s32 $0x1  }
0x3c: {  	_ =	sfence.sel $0xFFFF  }
0x3d: {  	[dreg:$0x0] =	wrdreg $0xFFFFFFFF;
	(pc) =	sbr.abs _section_cstart, $3  }
0x3e: {  	[dreg:$0x1] =	wrdreg $0xFFFFFFFF  }
0x3f: {  	_ =	task.clear_ibuf [dreg:s7], $0x2FFFF;
	_ =	strace $0x9FFFFFFF  }
0x40: {  	(tm) =	ssettm $0x7FFFFFFF  }
0x41: {  	_ =	shalt  }
tec
execute0_lowered:
.L_overlay_start_1:
0x0: {  	(tag) =	ssettag $0x1  }
0x1: {  	s5 =	rddreg [dreg:$0x0]  }
0x2: {  	s0 =	srdreg.scid;
	s3 =	rddreg [dreg:$0x1]  }
0x3: {  	s31 =	simm.s32 $0x2;
	s15 =	simm.s32 $0x0;
	s1 =	sshll.u32 s0, $0x4  }
0x4: {  	p0 =	por $0x0, $0x0;
	s0 =	stileid.u32;
	s1 =	sand.u32 $0x10, s1  }
0x5: {  	s8 =	simm.s32 $0x1800;
	s14 =	simm.s32 $0x0;
	s1 =	sor.u32 s0, s1  }
0x6: {  	s9 =	simm.s32 $0x0;
	s10 =	simm.s32 $0x0;
	s2 =	sshll.u32 s1, $0x7  }
.Ltmp0:
0x7: {  	s12 =	simm.s32 $0x0;
	s4 =	ssub.s32 $0x3A80, s2;
	(pc) =	sbr.rel .LBB1_1-.Ltmp0, $4  }
0x8: {  	s13 =	simm.s32 $0x0;
	s1 =	rddreg [dreg:$0x2];
	s6 =	sshrl.u32 s4, $0xC  }
0x9: {  	_ =	strace $0x8000004D;
	s4 =	simm.s32 $0x1;
	s7 =	smul.u32 $0x6, s6  }
0xa: {  	s5 =	sadd.s32 $0xA00, s5;
	s11 =	smov.u32 s2;
	[sflag:s4] =	ssyncpa.u1 $0x0  }
0xb: {  	[sflag:s31] =	ssyncpa.u1 $0x0;
	s6 =	sadd.s32 $0x6, s7;
	s7 =	sadd.s32 $0x7, s7  }
.LBB1_5:
0xc: {  	p1 =	slt.u32 s13, $0x2  }
0xd: {  	s17 =	smov.u32 s15;
	p2 =	sgt.s32 @!p1 s15, $0x3A18;
	s16 =	sshra.s32 @!p1 s15, $0x1F  }
0xe: {  	p3 =	sgt.s32 @!p1 s14, $0x280;
	s18 =	sshra.s32 @!p1 s14, $0x1F;
	p2 =	por !p2, p1  }
0xf: {  	s15 =	sand.u32 @!p1 s16, s15;
	p3 =	por !p3, p1;
	s16 =	smov.u32 s14  }
0x10: {  	s14 =	sand.u32 @!p1 s18, s14;
	s17 =	simm.s32 @p2 $0x3A18;
	s16 =	simm.s32 @p3 $0x280  }
0x11: {  	s15 =	ssub.s32 @!p1 s17, s15;
	s14 =	ssub.s32 @!p1 s16, s14  }
0x12: {  	s18 =	smov.u32 s12;
	s16 =	sadd.s32 @!p1 $0xFFFFC5E8, s15;
	s17 =	sadd.s32 @!p1 $0xFFFFFD80, s14  }
0x13: {  	s15 =	ssub.s32 @!p1 $0x3A98, s15;
	p2 =	sgt.s32 @!p1 s16, $0x7F;
	p3 =	sgt.s32 @!p1 s17, $0x7F  }
0x14: {  	s14 =	ssub.s32 @!p1 $0x300, s14;
	p2 =	por !p2, p1;
	p3 =	por !p3, p1  }
0x15: {  	s16 =	sadd.s32 $0x1000, s11;
	s15 =	simm.s32 @!p2 $0x0;
	s14 =	simm.s32 @!p3 $0x0  }
0x16: {  	p2 =	sgt.s32 s16, $0x3A97;
	s14 =	smul.u32 @!p1 s14, s15;
	s15 =	sadd.s32 $0x80, s12  }
0x17: {  	s18 =	smov.u32 @p2 s15  }
0x18: {  	s16 =	smov.u32 @p2 s2;
	p2 =	sgt.s32 s18, $0x2FF  }
0x19: {  	s18 =	simm.s32 @p2 $0x0;
	p2 =	sne.s32 s13, s7  }
.Ltmp1:
0x1a: {  	p0 =	por !p0, !p0;
	s17 =	simm.s32 @!p1 $0x2;
	(pc) =	sbr.rel @!p2 .LBB1_6-.Ltmp1, $4  }
0x1b: {  	s15 =	smov.u32 s9;
	s9 =	smov.u32 s11;
	s14 =	sand.u32 @!p1 $0x3FFFFFFF, s14  }
0x1c: {  	s11 =	smov.u32 s16;
	_ =	swait.ge @!p1 [sflag:s17], s14;
	s19 =	ssub.s32 @!p1 $0x0, s14  }
0x1d: {  	s14 =	smov.u32 s10;
	s13 =	sadd.s32 $0x1, s13;
	[sflag:s17] =	ssyncset.done @!p1 $0x0  }
0x1e: {  	s10 =	smov.u32 s12;
	s12 =	smov.u32 s18;
	[sflag:s17] =	ssyncadd.s32 @!p1 s19  }
.LBB1_1:
0x1f: {  	p1 =	sge.u32 s13, s6  }
0x20: {  	s16 =	sshrl.u32 @!p1 s12, $0x3  }
0x21: {  	s17 =	sshll.u32 @!p1 s11, $0x3;
	s16 =	smul.u32 @!p1 $0x1D800, s16  }
0x22: {  	s18 =	sshll.u32 @!p1 s12, $0x7;
	s17 =	sand.u32 @!p1 $0xFFFFFC00, s17  }
0x23: {  	s16 =	sadd.s32 @!p1 s16, s17;
	s17 =	sand.u32 @!p1 $0x380, s18  }
0x24: {  	s18 =	sand.u32 @!p1 $0x7F, s11;
	s16 =	sor.u32 @!p1 s17, s16  }
0x25: {  	s17 =	sor.u32 @!p1 s18, s16;
	s16 =	smulhi.u32 @!p1 $0x22B63CBF, s16  }
0x26: {  	s18 =	smulhi.u32 @!p1 $0x22B63CBF, s17  }
0x27: {  	s16 =	sshrl.u32 @!p1 s16, $0xB  }
0x28: {  	s18 =	sshrl.u32 @!p1 s18, $0xB;
	s19 =	smulhi.u32 @!p1 $0x555556, s16  }
0x29: {  	s18 =	smul.u32 @!p1 $0x3B00, s18  }
0x2a: {  	s19 =	smul.u32 @!p1 $0x300, s19  }
0x2b: {  	s20 =	sxor.u32 @!p1 $0xFFFFFFFF, s13  }
0x2c: {  	s17 =	ssub.s32 @!p1 s17, s18;
	s18 =	sshll.u32 @!p1 s20, $0xE;
	s16 =	ssub.s32 @!p1 s16, s19  }
0x2d: {  	s19 =	sshrl.u32 @!p1 s17, $0x3;
	s17 =	sand.u32 @!p1 $0x7, s17;
	s16 =	smul.u32 @!p1 $0x760, s16  }
0x2e: {  	s18 =	sand.u32 @!p1 $0x4000, s18;
	s19 =	sadd.s32 @!p1 s5, s19;
	s17 =	sshll.u32 @!p1 s17, $0x12  }
0x2f: {  	s17 =	sor.u32 @!p1 $0x400, s17;
	s16 =	sadd.s32 @!p1 s16, s19;
	s19 =	simm.s32 @!p1 $0x1D800  }
0x30: {  	[tilespmem:s18], [sflag:$0x1] =	stream.strided.gather @!p1 [hbm4b:s16+s17], $0x4000, s19, s17, $0x38;
	[tilespmem:$0x10100] =	vst v63  }
0x31: {  	p1 =	seq.s32 s13, $0x0  }
0x32: {  	p2 =	sge.u32 @!p1 s13, s7  }
0x33: {  	p1 =	por p1, p2  }
.Ltmp2:
0x34: {  	_ = 	snop;
	(pc) =	sbr.rel @p1 .LBB1_5-.Ltmp2, $1  }
0x35: {  	_ =	sdelay $0x3  }
0x36: {  	s16 =	simm.s32 $0x1  }
0x37: {  	_ =	swait.ge [sflag:s4], $0x4000;
	s16 =	simm.s32 @!p0 $0x0  }
0x38: {  	[sflag:s4] =	ssyncset.done $0x0;
	s17 =	sshll.u32 s16, $0xE  }
0x39: {  	[sflag:s4] =	ssyncadd.s32 $0xFFFFC000;
	s17 =	sor.u32 $0x40, s17  }
0x3a: {  	s16 =	smul.u32 $0x10200, s16;
	v0 =	vld [tilespmem:s17+$0x30]  }
0x3b: {  	v1 =	vld [tilespmem:s17+$0xFFFFFFD0]  }
0x3c: {  	s16 =	sshrl.u32 s16, $0x2;
	v5 =	vld [tilespmem:s17+$0xFFFFFFE0]  }
0x3d: {  	v6 =	vld [tilespmem:s17+$0xFFFFFFF0];
	s19 =	sor.u32 $0x8000, s16  }
0x3e: {  	s31 =	sand.u32 $0x1, s13;
	v4 =	vld [tilespmem:s17+$0x0];
	s18 =	sadd.s32 $0x0, s19  }
0x3f: {  	v3 =	vld [tilespmem:s17+$0x10];
	s16 =	smul.u32 $0x10200, s31;
	[tilespmem:s18+$0x3870 ss:$0x81] =	vst.msk $0xffff, v0  }
0x40: {  	v2 =	vld [tilespmem:s17+$0x20];
	[tilespmem:s18+$0x810 ss:$0x81] =	vst.msk $0xffff, v1  }
0x41: {  	s16 =	sshrl.u32 s16, $0x2;
	v0 =	vld [tilespmem:s17+$0xFFFFFFC0];
	[tilespmem:s18+$0x1020 ss:$0x81] =	vst.msk $0xffff, v5;
	s17 =	sadd.s32 $0x80, s17  }
0x42: {  	s20 =	simm.s32 $0x4;
	s21 =	simm.s32 $0x8;
	s16 =	sor.u32 $0x8000, s16;
	[tilespmem:s18+$0x1830 ss:$0x81] =	vst.msk $0xffff, v6;
	v1 =	vld [tilespmem:s17+$0x30]  }
.LBB1_3:
0x43: {  	p1 =	sne.s32 s21, $0x1FC;
	v5 =	vld [tilespmem:s17+$0xFFFFFFD0];
	[tilespmem:s18+$0x2040 ss:$0x81] =	vst.msk $0xffff, v4  }
0x44: {  	v6 =	vld [tilespmem:s17+$0xFFFFFFE0];
	[tilespmem:s18+$0x2850 ss:$0x81] =	vst.msk $0xffff, v3  }
0x45: {  	s22 =	sshra.s32 s20, $0x2;
	s20 =	smov.u32 s21;
	v7 =	vld [tilespmem:s17+$0xFFFFFFF0];
	[tilespmem:s18+$0x3060 ss:$0x81] =	vst.msk $0xffff, v2  }
.Ltmp3:
0x46: {  	v4 =	vld [tilespmem:s17+$0x0];
	[tilespmem:s18+$0x0 ss:$0x81] =	vst.msk $0xffff, v0;
	s18 =	sadd.s32 s22, s19;
	(pc) =	sbr.rel @p1 .LBB1_3-.Ltmp3, $4  }
0x47: {  	v3 =	vld [tilespmem:s17+$0x10];
	[tilespmem:s18+$0x3870 ss:$0x81] =	vst.msk $0xffff, v1  }
0x48: {  	[tilespmem:s18+$0x810 ss:$0x81] =	vst.msk $0xffff, v5;
	v2 =	vld [tilespmem:s17+$0x20]  }
0x49: {  	v0 =	vld [tilespmem:s17+$0xFFFFFFC0];
	[tilespmem:s18+$0x1020 ss:$0x81] =	vst.msk $0xffff, v6;
	s17 =	sadd.s32 $0x80, s17  }
0x4a: {  	s21 =	sadd.s32 $0x4, s21;
	v1 =	vld [tilespmem:s17+$0x30];
	[tilespmem:s18+$0x1830 ss:$0x81] =	vst.msk $0xffff, v7  }
0x4b: {  	s21 =	sshrl.u32 s9, $0x3  }
0x4c: {  	s22 =	sshll.u32 s10, $0x3;
	s23 =	sshll.u32 s9, $0x7;
	s20 =	sshra.s32 s20, $0x2  }
0x4d: {  	s29 =	sand.u32 $0x7F, s10;
	p1 =	sgt.s32 s9, $0x3A18;
	s21 =	smul.u32 $0x1800, s21  }
0x4e: {  	s24 =	sshra.s32 s9, $0x1F;
	s25 =	sshra.s32 s10, $0x1F;
	s22 =	sand.u32 $0xFFFFFC00, s22  }
0x4f: {  	s28 =	sand.u32 $0x380, s23;
	s23 =	smov.u32 s9;
	s21 =	sadd.s32 s22, s21  }
0x50: {  	s24 =	sand.u32 s24, s9;
	s25 =	sand.u32 s25, s10;
	s21 =	sor.u32 s28, s21  }
0x51: {  	v5 =	vld [tilespmem:s17+$0xFFFFFFD0];
	s23 =	simm.s32 @!p1 $0x3A18;
	s30 =	sor.u32 s29, s21;
	s21 =	smulhi.u32 $0xAAAAAAAB, s21  }
0x52: {  	[tilespmem:s18+$0x2040 ss:$0x81] =	vst.msk $0xffff, v4;
	v58 =	vld [tilespmem:s17+$0xFFFFFFE0];
	p1 =	sgt.s32 s10, $0x280;
	s23 =	ssub.s32 s23, s24;
	s24 =	smov.u32 s10  }
0x53: {  	[tilespmem:s18+$0x2850 ss:$0x81] =	vst.msk $0xffff, v3;
	s24 =	simm.s32 @!p1 $0x280;
	s31 =	smulhi.u32 $0xAAAAAAAB, s30;
	s21 =	sshrl.u32 s21, $0x9  }
0x54: {  	v59 =	vld [tilespmem:s17+$0xFFFFFFF0];
	[tilespmem:s18+$0x3060 ss:$0x81] =	vst.msk $0xffff, v2;
	s27 =	sadd.s32 $0xFFFFC5E8, s23;
	s24 =	ssub.s32 s24, s25;
	s26 =	smulhi.u32 $0x8BCF65, s21  }
0x55: {  	v60 =	vld [tilespmem:s17+$0x0];
	s19 =	sadd.s32 s20, s19;
	[tilespmem:s18+$0x0 ss:$0x81] =	vst.msk $0xffff, v0;
	p1 =	sgt.s32 s27, $0x7F;
	s28 =	sadd.s32 $0xFFFFFD80, s24  }
0x56: {  	v61 =	vld [tilespmem:s17+$0x10];
	[tilespmem:s19+$0x3870 ss:$0x81] =	vst.msk $0xffff, v1;
	p2 =	sgt.s32 s28, $0x7F;
	s22 =	sshrl.u32 s31, $0x9;
	s18 =	sshrl.u32 s26, $0x5  }
0x57: {  	v62 =	vld [tilespmem:s17+$0x20];
	[tilespmem:s19+$0x810 ss:$0x81] =	vst.msk $0xffff, v5;
	s29 =	smul.u32 $0x3A98, s18;
	s18 =	ssub.s32 $0x3A98, s23;
	s23 =	ssub.s32 $0x300, s24  }
0x58: {  	v63 =	vld [tilespmem:s17+$0xFFFFFFC0];
	[tilespmem:s19+$0x1020 ss:$0x81] =	vst.msk $0xffff, v58;
	s22 =	smul.u32 $0x300, s22;
	s18 =	simm.s32 @p1 $0x0;
	s23 =	simm.s32 @p2 $0x0  }
0x59: {  	[tilespmem:s19+$0x1830 ss:$0x81] =	vst.msk $0xffff, v59;
	s18 =	smul.u32 s23, s18  }
.Ltmp4:
0x5a: {  	[tilespmem:s19+$0x2040 ss:$0x81] =	vst.msk $0xffff, v60;
	s20 =	ssub.s32 s30, s22;
	s17 =	ssub.s32 s21, s29;
	(pc) =	sbr.rel .LBB1_5-.Ltmp4, $4  }
0x5b: {  	[tilespmem:s19+$0x2850 ss:$0x81] =	vst.msk $0xffff, v61;
	s30 =	sshrl.u32 s20, $0x3;
	s20 =	sand.u32 $0x7, s20;
	s17 =	smul.u32 $0x60, s17  }
0x5c: {  	[tilespmem:s19+$0x3060 ss:$0x81] =	vst.msk $0xffff, v62;
	s21 =	sadd.s32 s3, s30;
	s20 =	sshll.u32 s20, $0x12  }
0x5d: {  	[tilespmem:s19+$0x0 ss:$0x81] =	vst.msk $0xffff, v63;
	s31 =	sor.u32 $0x400, s20;
	s18 =	sand.u32 $0x3FFFFFFF, s18;
	s17 =	sadd.s32 s17, s21  }
0x5e: {  	[hbm4b:s17+s31] =	stream.strided.scatter [tilespmem:s16], [sflag:$0x2], s18, s8, s31, $0x20;
	[tilespmem:$0x10100] =	vst v63  }
.LBB1_6:
0x5f: {  	_ =	sfence.sel $0x180000  }
0x60: {  	s2 =	simm.s32 $0x1;
	[bflag:$0x0] =	sbarrier.arrive $0xFFFF  }
0x61: {  	s31 =	simm.s32 $0x2;
	[sflag:s2] =	ssyncpa.u1 $0x1  }
0x62: {  	[sflag:s31] =	ssyncpa.u1 $0x1  }
0x63: {  	p0 =	sne.s32 s0, $0x0;
	_ =	strace $0x9000004D  }
0x64: {  	s0 =	sadd.s32 @!p0 $0x100000, s1;
	[bflag:$0x2] =	sbarrier.arrive $0xFFFF  }
0x65: {  	[sflag:s0] =	ssyncadd.tile.s32 @!p0 $0x1;
	_ =	shalt  }
.Lfunc_end1:
_tile_overlayer_lowered:
.L_overlay_start_2:
0x66: {  	(tag) =	ssettag $0x2  }
0x67: {  	s0 =	rddreg [dreg:$0x0];
	s2 =	stileid.u32  }
0x68: {  	s1 =	rddreg [dreg:$0x1];
	p0 =	sne.s32 s2, $0x0  }
0x69: {  	s3 =	rddreg [dreg:$0x2];
	[bflag:$0x3] =	sbarrier.arrive $0xFFFF;
	s2 =	simm.s32 @!p0 $0x1C01  }
0x6a: {  	[timem:s3], [sflag:s2] =	dma.local @!p0 [hbm:s0], s1  }
0x6b: {  	s0 =	simm.s32 @!p0 $0x1  }
0x6c: {  	_ =	swait.ge @!p0 [sflag:s0], s1  }
0x6d: {  	s1 =	ssub.s32 @!p0 $0x0, s1;
	[sflag:s0] =	ssyncset.done @!p0 $0x0  }
0x6e: {  	[sflag:s0] =	ssyncadd.s32 @!p0 s1  }
0x6f: {  	[bflag:$0x3] =	sbarrier.arrive $0xFFFF  }
0x70: {  	_ =	shalt  }

// kernel: sparse-core-data-format-call.2.cloned.1.call-start
scs
called_computation.2_lowered:
.L_overlay_start_0:
0x0: {  	s2 =	sld [smem:$0x3FD9]  }
0x1: {  	s3 =	sld [smem:$0x3FFE];
	_ =	sdelay $0x1  }
0x2: {  	s1 =	srdreg.scid  }
0x3: {  	s0 =	sand.u32 $0x1, s1  }
0x4: {  	s15 =	sshll.u32 s0, $0xA;
	s2 =	sadd.s32 s3, s2  }
0x5: {  	s2 =	sadd.s32 s2, s15  }
0x6: {  	[smem:$0x3FC7] =	sst s2  }
0x7: {  	_ = 	snop  }
0x8: {  	s2 =	sld [smem:$0x3FD0];
	_ =	sdelay $0x2  }
0x9: {  	s16 =	simm.s32 $0xA;
	s4 =	simm.s32 $0x10  }
0xa: {  	[smem:s4], [sflag:s16] =	dma.local [hbm:s2], $0x1  }
0xb: {  	_ =	swait.eq [sflag:s16], $0x1  }
0xc: {  	[sflag:s16] =	ssyncset.done $0x0  }
0xd: {  	[sflag:s16] =	ssyncadd.s32 $0xFFFFFFFF  }
0xe: {  	s17 =	sld [smem:$0x10];
	(tm) =	ssettm $0x1  }
0xf: {  	s18 =	sld [smem:$0x3FFB];
	_ =	sdelay $0x3  }
0x10: {  	_ =	strace s18  }
0x11: {  	s3 =	sld [smem:$0x3FFC];
	_ =	sdelay $0x3  }
0x12: {  	_ =	strace s3  }
0x13: {  	s3 =	sld [smem:$0x3FFD];
	_ =	sdelay $0x3  }
0x14: {  	_ =	strace s3  }
0x15: {  	_ =	strace $0x8FFFFFFF  }
0x16: {  	s19 =	sld [smem:$0x3FDB];
	_ =	sdelay $0x1  }
0x17: {  	s20 =	simm.s32 $_scs_section_size  }
0x18: {  	s5 =	simm.s32 $_size__tile_overlayer_lowered;
	s6 =	simm.s32 $_tile_overlayer_lowered  }
0x19: {  	s23 =	simm.s32 $0x1BFF;
	s22 =	sshll.u32 s6, $0x1;
	s3 =	sadd.s32 s20, s19  }
0x1a: {  	s7 =	simm.s32 $0x0;
	s21 =	sshll.u32 s5, $0x1;
	s5 =	sadd.s32 s22, s3  }
0x1b: {  	[timem:s7], [sflag:s23] =	dma.local [hbm:s5], s21  }
0x1c: {  	_ =	swait.ge [sflag:s23], s21  }
0x1d: {  	s4 =	ssub.s32 $0x0, s21;
	[sflag:s23] =	ssyncset.done $0x0  }
0x1e: {  	[sflag:s23] =	ssyncadd.s32 s4;
	_ =	sdelay $0x1  }
0x1f: {  	s24 =	simm.s32 $0x1B8B  }
0x20: {  	_ =	swait.ge [sflag:s24], $0x1  }
0x21: {  	[sflag:s24] =	ssyncset.done $0x0  }
0x22: {  	s26 =	simm.s32 $0x1B8E;
	s25 =	sld [smem:$0x3FFE];
	[sflag:s24] =	ssyncadd.s32 $0xFFFFFFFF  }
0x23: {  	s27 =	simm.s32 $execute0_lowered;
	[smem:$0x3FD2] =	sst s26  }
0x24: {  	s5 =	sshll.u32 s27, $0x1;
	_ =	strace $0x80000046;
	[dreg:$0x1] =	wrdreg $0xFFFFFFFF  }
0x25: {  	s28 =	simm.s32 $_size_execute0_lowered;
	s3 =	sadd.s32 s3, s5;
	[dreg:$0x0] =	wrdreg $0x0  }
0x26: {  	s5 =	sshll.u32 s28, $0x1;
	[dreg:$0x2] =	wrdreg s3  }
0x27: {  	[dreg:$0x3] =	wrdreg s5  }
0x28: {  	[dreg:$0x4] =	wrdreg $0xC0  }
0x29: {  	_ =	task [dreg:s7], $0x5FFFF  }
0x2a: {  	[dreg:$0x1] =	wrdreg $0xFFFFFFFF  }
0x2b: {  	[dreg:$0x0] =	wrdreg $0x60  }
0x2c: {  	[dreg:$0x2] =	wrdreg s17  }
0x2d: {  	[dreg:$0x3] =	wrdreg s25  }
0x2e: {  	[dreg:$0x4] =	wrdreg $0x9  }
0x2f: {  	_ =	task.clear_ibuf [dreg:s7], $0x5FFFF;
	_ =	strace $0x90000046  }
0x30: {  	s29 =	simm.s32 $0x9;
	_ =	strace $0x80000048  }
0x31: {  	_ =	swait.ge [sflag:s29], $0x1  }
0x32: {  	[sflag:s29] =	ssyncadd.s32 $0xFFFFFFFF  }
0x33: {  	_ =	strace $0x90000048  }
0x34: {  	_ =	sfence  }
0x35: {  	s30 =	sld [smem:$0x0];
	_ =	sdelay $0x2  }
0x36: {  	s31 =	sshll.u32 s1, $0xD;
	s1 =	sshrl.u32 s1, $0x2  }
0x37: {  	s3 =	sand.u32 $0x4000, s31;
	s1 =	sadd.s32 s1, s30  }
0x38: {  	s0 =	sor.u32 s3, s0;
	s1 =	sshll.u32 s1, $0x11  }
0x39: {  	s0 =	sor.u32 s1, s0  }
0x3a: {  	s0 =	sadd.s32 $0x8F2B, s0  }
0x3b: {  	[sflag:s0] =	ssyncadd.remote.s32 $0x1  }
0x3c: {  	_ =	sfence.sel $0xFFFF  }
0x3d: {  	[dreg:$0x0] =	wrdreg $0xFFFFFFFF;
	(pc) =	sbr.abs _section_cstart, $3  }
0x3e: {  	[dreg:$0x1] =	wrdreg $0xFFFFFFFF  }
0x3f: {  	_ =	task.clear_ibuf [dreg:s7], $0x2FFFF;
	_ =	strace $0x9FFFFFFF  }
0x40: {  	(tm) =	ssettm $0x7FFFFFFF  }
0x41: {  	_ =	shalt  }
tec
execute0_lowered:
.L_overlay_start_1:
0x0: {  	(tag) =	ssettag $0x1  }
0x1: {  	s0 =	srdreg.scid;
	s2 =	rddreg [dreg:$0x0]  }
0x2: {  	s5 =	rddreg [dreg:$0x1];
	s1 =	sshll.u32 s0, $0x4  }
0x3: {  	s31 =	simm.s32 $0x2;
	s0 =	stileid.u32;
	s1 =	sand.u32 $0x10, s1  }
0x4: {  	s13 =	simm.s32 $0x0;
	p0 =	por $0x0, $0x0;
	s1 =	sor.u32 s0, s1  }
0x5: {  	s8 =	simm.s32 $0x1D800;
	s12 =	simm.s32 $0x0;
	s3 =	sshll.u32 s1, $0x7  }
.Ltmp0:
0x6: {  	s9 =	simm.s32 $0x0;
	s4 =	ssub.s32 $0x3A80, s3;
	(pc) =	sbr.rel .LBB1_1-.Ltmp0, $4  }
0x7: {  	s11 =	simm.s32 $0x0;
	s1 =	rddreg [dreg:$0x2];
	s6 =	sshrl.u32 s4, $0xC  }
0x8: {  	_ =	strace $0x80000047;
	s4 =	simm.s32 $0x1;
	s7 =	smul.u32 $0x6, s6  }
0x9: {  	s5 =	sadd.s32 $0xA00, s5;
	s10 =	smov.u32 s3;
	[sflag:s4] =	ssyncpa.u1 $0x0  }
0xa: {  	[sflag:s31] =	ssyncpa.u1 $0x0;
	s6 =	sadd.s32 $0x6, s7;
	s7 =	sadd.s32 $0x7, s7  }
.LBB1_5:
0xb: {  	s14 =	sadd.s32 $0x80, s9  }
0xc: {  	s12 =	sadd.s32 $0x1000, s10;
	s16 =	smov.u32 s10;
	p2 =	sgt.s32 s14, $0x2FF  }
0xd: {  	s16 =	smov.u32 @p2 s12  }
0xe: {  	s14 =	simm.s32 @p2 $0x0;
	p2 =	sgt.s32 s16, $0x3A97  }
0xf: {  	s16 =	smov.u32 @p2 s3;
	p2 =	sne.s32 s11, s7  }
.Ltmp1:
0x10: {  	p1 =	slt.u32 s11, $0x2;
	(pc) =	sbr.rel @!p2 .LBB1_6-.Ltmp1, $4  }
0x11: {  	s15 =	simm.s32 @!p1 $0x2  }
0x12: {  	s13 =	smov.u32 s9;
	p0 =	por !p0, !p0;
	_ =	swait.ge @!p1 [sflag:s15], $0x4000  }
0x13: {  	s12 =	smov.u32 s10;
	[sflag:s15] =	ssyncset.done @!p1 $0x0;
	s9 =	smov.u32 s14  }
0x14: {  	s11 =	sadd.s32 $0x1, s11;
	[sflag:s15] =	ssyncadd.s32 @!p1 $0xFFFFC000;
	s10 =	smov.u32 s16  }
.LBB1_1:
0x15: {  	p1 =	sge.u32 s11, s6  }
0x16: {  	s17 =	smov.u32 s10;
	s19 =	smov.u32 s9;
	s14 =	sshrl.u32 @!p1 s10, $0x3  }
0x17: {  	s15 =	sshll.u32 @!p1 s9, $0x3;
	s16 =	sshll.u32 @!p1 s10, $0x7;
	s14 =	smul.u32 @!p1 $0x1800, s14  }
0x18: {  	p2 =	sgt.s32 @!p1 s10, $0x3A18;
	s18 =	sshra.s32 @!p1 s10, $0x1F;
	s15 =	sand.u32 @!p1 $0xFFFFFC00, s15  }
0x19: {  	s20 =	sshra.s32 @!p1 s9, $0x1F;
	s14 =	sadd.s32 @!p1 s14, s15;
	s15 =	sand.u32 @!p1 $0x380, s16  }
0x1a: {  	p2 =	por !p2, p1;
	s16 =	sand.u32 @!p1 $0x7F, s9;
	s14 =	sor.u32 @!p1 s15, s14  }
0x1b: {  	s17 =	simm.s32 @p2 $0x3A18;
	p2 =	sgt.s32 @!p1 s9, $0x280;
	s15 =	sor.u32 @!p1 s16, s14  }
0x1c: {  	s18 =	sand.u32 @!p1 s18, s10;
	p2 =	por !p2, p1;
	s16 =	smulhi.u32 @!p1 $0xAAAAAAAB, s15  }
0x1d: {  	s20 =	sand.u32 @!p1 s20, s9;
	s19 =	simm.s32 @p2 $0x280;
	s14 =	smulhi.u32 @!p1 $0xAAAAAAAB, s14  }
0x1e: {  	s17 =	ssub.s32 @!p1 s17, s18;
	s19 =	ssub.s32 @!p1 s19, s20;
	s16 =	sshrl.u32 @!p1 s16, $0x9  }
0x1f: {  	s20 =	sadd.s32 @!p1 $0xFFFFFD80, s19;
	s14 =	sshrl.u32 @!p1 s14, $0x9;
	s16 =	smul.u32 @!p1 $0x300, s16  }
0x20: {  	s19 =	ssub.s32 @!p1 $0x300, s19;
	p3 =	sgt.s32 @!p1 s20, $0x7F;
	s18 =	smulhi.u32 @!p1 $0x8BCF65, s14  }
0x21: {  	p3 =	por !p3, p1;
	s15 =	ssub.s32 @!p1 s15, s16;
	s16 =	sadd.s32 @!p1 $0xFFFFC5E8, s17  }
0x22: {  	s17 =	ssub.s32 @!p1 $0x3A98, s17;
	p2 =	sgt.s32 @!p1 s16, $0x7F;
	s16 =	sshrl.u32 @!p1 s18, $0x5  }
0x23: {  	s18 =	sxor.u32 @!p1 $0xFFFFFFFF, s11;
	s16 =	smul.u32 @!p1 $0x3A98, s16;
	p2 =	por !p2, p1  }
0x24: {  	s19 =	simm.s32 @!p3 $0x0;
	s18 =	sshll.u32 @!p1 s18, $0xE;
	s17 =	simm.s32 @!p2 $0x0  }
0x25: {  	s18 =	sand.u32 @!p1 $0x4000, s18;
	s14 =	ssub.s32 @!p1 s14, s16;
	s16 =	smul.u32 @!p1 s17, s19  }
0x26: {  	s17 =	sshrl.u32 @!p1 s15, $0x3;
	s15 =	sand.u32 @!p1 $0x7, s15;
	s14 =	smul.u32 @!p1 $0x60, s14  }
0x27: {  	s17 =	sadd.s32 @!p1 s2, s17;
	s15 =	sshll.u32 @!p1 s15, $0x12;
	s16 =	sand.u32 @!p1 $0x3FFFFFFF, s16  }
0x28: {  	s15 =	sor.u32 @!p1 $0x400, s15;
	s14 =	sadd.s32 @!p1 s14, s17;
	s17 =	simm.s32 @!p1 $0x1800  }
0x29: {  	[tilespmem:s18], [sflag:$0x1] =	stream.strided.gather @!p1 [hbm4b:s14+s15], s16, s17, s15, $0x38;
	[tilespmem:$0x10100] =	vst v63  }
0x2a: {  	p1 =	seq.s32 s11, $0x0  }
0x2b: {  	p2 =	sge.u32 @!p1 s11, s7  }
0x2c: {  	p1 =	por p1, p2  }
.Ltmp2:
0x2d: {  	_ = 	snop;
	(pc) =	sbr.rel @p1 .LBB1_5-.Ltmp2, $1  }
0x2e: {  	_ =	sdelay $0x3  }
0x2f: {  	p1 =	sgt.s32 s12, $0x3A18  }
0x30: {  	s14 =	smov.u32 s12;
	s15 =	sshra.s32 s12, $0x1F;
	s16 =	smov.u32 s13  }
0x31: {  	s17 =	sshra.s32 s13, $0x1F;
	s14 =	simm.s32 @!p1 $0x3A18;
	p1 =	sgt.s32 s13, $0x280  }
0x32: {  	s15 =	sand.u32 s15, s12;
	s27 =	sand.u32 s17, s13;
	s16 =	simm.s32 @!p1 $0x280  }
0x33: {  	s14 =	ssub.s32 s14, s15;
	s15 =	ssub.s32 s16, s27  }
0x34: {  	s28 =	sadd.s32 $0xFFFFC5E8, s14;
	s14 =	ssub.s32 $0x3A98, s14;
	s16 =	sadd.s32 $0xFFFFFD80, s15  }
0x35: {  	p1 =	sgt.s32 s28, $0x7F;
	s15 =	ssub.s32 $0x300, s15;
	p2 =	sgt.s32 s16, $0x7F  }
0x36: {  	s14 =	simm.s32 @p1 $0x0;
	s15 =	simm.s32 @p2 $0x0  }
0x37: {  	s14 =	smul.u32 s14, s15;
	_ =	sdelay $0x1  }
0x38: {  	s15 =	simm.s32 $0x1;
	s14 =	sand.u32 $0x3FFFFFFF, s14  }
0x39: {  	s15 =	simm.s32 @!p0 $0x0;
	_ =	swait.ge [sflag:s4], s14  }
0x3a: {  	s29 =	sshll.u32 s15, $0xE;
	s14 =	ssub.s32 $0x0, s14;
	[sflag:s4] =	ssyncset.done $0x0  }
0x3b: {  	s16 =	sor.u32 $0x40, s29;
	[sflag:s4] =	ssyncadd.s32 s14  }
0x3c: {  	s30 =	smul.u32 $0x10200, s15;
	v0 =	vld [tilespmem:s16+$0x30]  }
0x3d: {  	v1 =	vld [tilespmem:s16+$0xFFFFFFD0]  }
0x3e: {  	s14 =	sshrl.u32 s30, $0x2;
	v5 =	vld [tilespmem:s16+$0xFFFFFFE0]  }
0x3f: {  	s15 =	sor.u32 $0x8000, s14;
	v6 =	vld [tilespmem:s16+$0xFFFFFFF0]  }
0x40: {  	s31 =	sand.u32 $0x1, s11;
	v4 =	vld [tilespmem:s16+$0x0];
	s17 =	sadd.s32 $0x0, s15  }
0x41: {  	s14 =	smul.u32 $0x10200, s31;
	v3 =	vld [tilespmem:s16+$0x10];
	[tilespmem:s17+$0x3870 ss:$0x81] =	vst.msk $0xffff, v0  }
0x42: {  	v2 =	vld [tilespmem:s16+$0x20];
	[tilespmem:s17+$0x810 ss:$0x81] =	vst.msk $0xffff, v1  }
0x43: {  	s14 =	sshrl.u32 s14, $0x2;
	v0 =	vld [tilespmem:s16+$0xFFFFFFC0];
	[tilespmem:s17+$0x1020 ss:$0x81] =	vst.msk $0xffff, v5;
	s16 =	sadd.s32 $0x80, s16  }
0x44: {  	s18 =	simm.s32 $0x4;
	s19 =	simm.s32 $0x8;
	s14 =	sor.u32 $0x8000, s14;
	[tilespmem:s17+$0x1830 ss:$0x81] =	vst.msk $0xffff, v6;
	v1 =	vld [tilespmem:s16+$0x30]  }
.LBB1_3:
0x45: {  	p1 =	sne.s32 s19, $0x1FC;
	v5 =	vld [tilespmem:s16+$0xFFFFFFD0];
	[tilespmem:s17+$0x2040 ss:$0x81] =	vst.msk $0xffff, v4  }
0x46: {  	v6 =	vld [tilespmem:s16+$0xFFFFFFE0];
	[tilespmem:s17+$0x2850 ss:$0x81] =	vst.msk $0xffff, v3  }
0x47: {  	s20 =	sshra.s32 s18, $0x2;
	s18 =	smov.u32 s19;
	v7 =	vld [tilespmem:s16+$0xFFFFFFF0];
	[tilespmem:s17+$0x3060 ss:$0x81] =	vst.msk $0xffff, v2  }
.Ltmp3:
0x48: {  	v4 =	vld [tilespmem:s16+$0x0];
	[tilespmem:s17+$0x0 ss:$0x81] =	vst.msk $0xffff, v0;
	s17 =	sadd.s32 s20, s15;
	(pc) =	sbr.rel @p1 .LBB1_3-.Ltmp3, $4  }
0x49: {  	v3 =	vld [tilespmem:s16+$0x10];
	[tilespmem:s17+$0x3870 ss:$0x81] =	vst.msk $0xffff, v1  }
0x4a: {  	[tilespmem:s17+$0x810 ss:$0x81] =	vst.msk $0xffff, v5;
	v2 =	vld [tilespmem:s16+$0x20]  }
0x4b: {  	v0 =	vld [tilespmem:s16+$0xFFFFFFC0];
	[tilespmem:s17+$0x1020 ss:$0x81] =	vst.msk $0xffff, v6;
	s16 =	sadd.s32 $0x80, s16  }
0x4c: {  	s19 =	sadd.s32 $0x4, s19;
	v1 =	vld [tilespmem:s16+$0x30];
	[tilespmem:s17+$0x1830 ss:$0x81] =	vst.msk $0xffff, v7  }
0x4d: {  	s19 =	sshrl.u32 s13, $0x3  }
0x4e: {  	s20 =	sshll.u32 s12, $0x3;
	s19 =	smul.u32 $0x1D800, s19  }
0x4f: {  	s25 =	sshll.u32 s13, $0x7;
	s20 =	sand.u32 $0xFFFFFC00, s20  }
0x50: {  	s13 =	sand.u32 $0x380, s25;
	s19 =	sadd.s32 s20, s19  }
0x51: {  	v5 =	vld [tilespmem:s16+$0xFFFFFFD0];
	[tilespmem:s17+$0x2040 ss:$0x81] =	vst.msk $0xffff, v4;
	s26 =	sand.u32 $0x7F, s12;
	s13 =	sor.u32 s13, s19  }
0x52: {  	v58 =	vld [tilespmem:s16+$0xFFFFFFE0];
	[tilespmem:s17+$0x2850 ss:$0x81] =	vst.msk $0xffff, v3;
	s12 =	sor.u32 s26, s13;
	s13 =	smulhi.u32 $0x22B63CBF, s13  }
0x53: {  	s18 =	sshra.s32 s18, $0x2;
	v59 =	vld [tilespmem:s16+$0xFFFFFFF0];
	[tilespmem:s17+$0x3060 ss:$0x81] =	vst.msk $0xffff, v2;
	s27 =	smulhi.u32 $0x22B63CBF, s12  }
0x54: {  	v60 =	vld [tilespmem:s16+$0x0];
	s15 =	sadd.s32 s18, s15;
	[tilespmem:s17+$0x0 ss:$0x81] =	vst.msk $0xffff, v0;
	s13 =	sshrl.u32 s13, $0xB  }
0x55: {  	v61 =	vld [tilespmem:s16+$0x10];
	[tilespmem:s15+$0x3870 ss:$0x81] =	vst.msk $0xffff, v1;
	s28 =	sshrl.u32 s27, $0xB;
	s29 =	smulhi.u32 $0x555556, s13  }
0x56: {  	v62 =	vld [tilespmem:s16+$0x20];
	[tilespmem:s15+$0x810 ss:$0x81] =	vst.msk $0xffff, v5;
	s17 =	smul.u32 $0x3B00, s28  }
0x57: {  	v63 =	vld [tilespmem:s16+$0xFFFFFFC0];
	[tilespmem:s15+$0x1020 ss:$0x81] =	vst.msk $0xffff, v58;
	s30 =	smul.u32 $0x300, s29  }
0x58: {  	[tilespmem:s15+$0x1830 ss:$0x81] =	vst.msk $0xffff, v59  }
.Ltmp4:
0x59: {  	[tilespmem:s15+$0x2040 ss:$0x81] =	vst.msk $0xffff, v60;
	s12 =	ssub.s32 s12, s17;
	s13 =	ssub.s32 s13, s30;
	(pc) =	sbr.rel .LBB1_5-.Ltmp4, $4  }
0x5a: {  	[tilespmem:s15+$0x2850 ss:$0x81] =	vst.msk $0xffff, v61;
	s31 =	sshrl.u32 s12, $0x3;
	s12 =	sand.u32 $0x7, s12;
	s13 =	smul.u32 $0x760, s13  }
0x5b: {  	[tilespmem:s15+$0x3060 ss:$0x81] =	vst.msk $0xffff, v62;
	s16 =	sadd.s32 s5, s31;
	s12 =	sshll.u32 s12, $0x12  }
0x5c: {  	[tilespmem:s15+$0x0 ss:$0x81] =	vst.msk $0xffff, v63;
	s12 =	sor.u32 $0x400, s12;
	s13 =	sadd.s32 s13, s16  }
0x5d: {  	[hbm4b:s13+s12] =	stream.strided.scatter [tilespmem:s14], [sflag:$0x2], $0x4000, s8, s12, $0x20;
	[tilespmem:$0x10100] =	vst v63  }
.LBB1_6:
0x5e: {  	_ =	sfence.sel $0x180000  }
0x5f: {  	s2 =	simm.s32 $0x1;
	[bflag:$0x0] =	sbarrier.arrive $0xFFFF  }
0x60: {  	s31 =	simm.s32 $0x2;
	[sflag:s2] =	ssyncpa.u1 $0x1  }
0x61: {  	[sflag:s31] =	ssyncpa.u1 $0x1  }
0x62: {  	p0 =	sne.s32 s0, $0x0;
	_ =	strace $0x90000047  }
0x63: {  	s0 =	sadd.s32 @!p0 $0x100000, s1;
	[bflag:$0x2] =	sbarrier.arrive $0xFFFF  }
0x64: {  	[sflag:s0] =	ssyncadd.tile.s32 @!p0 $0x1;
	_ =	shalt  }
.Lfunc_end1:
_tile_overlayer_lowered:
.L_overlay_start_2:
0x65: {  	(tag) =	ssettag $0x2  }
0x66: {  	s0 =	rddreg [dreg:$0x0];
	s2 =	stileid.u32  }
0x67: {  	s1 =	rddreg [dreg:$0x1];
	p0 =	sne.s32 s2, $0x0  }
0x68: {  	s3 =	rddreg [dreg:$0x2];
	[bflag:$0x3] =	sbarrier.arrive $0xFFFF;
	s2 =	simm.s32 @!p0 $0x1C01  }
0x69: {  	[timem:s3], [sflag:s2] =	dma.local @!p0 [hbm:s0], s1  }
0x6a: {  	s0 =	simm.s32 @!p0 $0x1  }
0x6b: {  	_ =	swait.ge @!p0 [sflag:s0], s1  }
0x6c: {  	s1 =	ssub.s32 @!p0 $0x0, s1;
	[sflag:s0] =	ssyncset.done @!p0 $0x0  }
0x6d: {  	[sflag:s0] =	ssyncadd.s32 @!p0 s1  }
0x6e: {  	[bflag:$0x3] =	sbarrier.arrive $0xFFFF  }
0x6f: {  	_ =	shalt  }

// kernel: sparse-core-data-format-call.cloned.1.call-start
scs
called_computation_lowered:
.L_overlay_start_0:
0x0: {  	s2 =	sld [smem:$0x3FD9]  }
0x1: {  	s3 =	sld [smem:$0x3FFE];
	_ =	sdelay $0x1  }
0x2: {  	s1 =	srdreg.scid  }
0x3: {  	s0 =	sand.u32 $0x1, s1  }
0x4: {  	s15 =	sshll.u32 s0, $0xA;
	s2 =	sadd.s32 s3, s2  }
0x5: {  	s2 =	sadd.s32 s2, s15  }
0x6: {  	[smem:$0x3FC7] =	sst s2  }
0x7: {  	_ = 	snop  }
0x8: {  	s2 =	sld [smem:$0x3FD0];
	_ =	sdelay $0x2  }
0x9: {  	s16 =	simm.s32 $0xA;
	s4 =	simm.s32 $0x10  }
0xa: {  	[smem:s4], [sflag:s16] =	dma.local [hbm:s2], $0x1  }
0xb: {  	_ =	swait.eq [sflag:s16], $0x1  }
0xc: {  	[sflag:s16] =	ssyncset.done $0x0  }
0xd: {  	[sflag:s16] =	ssyncadd.s32 $0xFFFFFFFF  }
0xe: {  	s17 =	sld [smem:$0x10];
	(tm) =	ssettm $0x1  }
0xf: {  	s18 =	sld [smem:$0x3FFB];
	_ =	sdelay $0x3  }
0x10: {  	_ =	strace s18  }
0x11: {  	s3 =	sld [smem:$0x3FFC];
	_ =	sdelay $0x3  }
0x12: {  	_ =	strace s3  }
0x13: {  	s3 =	sld [smem:$0x3FFD];
	_ =	sdelay $0x3  }
0x14: {  	_ =	strace s3  }
0x15: {  	_ =	strace $0x8FFFFFFF  }
0x16: {  	s19 =	sld [smem:$0x3FDB];
	_ =	sdelay $0x1  }
0x17: {  	s20 =	simm.s32 $_scs_section_size  }
0x18: {  	s5 =	simm.s32 $_size__tile_overlayer_lowered;
	s6 =	simm.s32 $_tile_overlayer_lowered  }
0x19: {  	s23 =	simm.s32 $0x1BFF;
	s22 =	sshll.u32 s6, $0x1;
	s3 =	sadd.s32 s20, s19  }
0x1a: {  	s7 =	simm.s32 $0x0;
	s21 =	sshll.u32 s5, $0x1;
	s5 =	sadd.s32 s22, s3  }
0x1b: {  	[timem:s7], [sflag:s23] =	dma.local [hbm:s5], s21  }
0x1c: {  	_ =	swait.ge [sflag:s23], s21  }
0x1d: {  	s4 =	ssub.s32 $0x0, s21;
	[sflag:s23] =	ssyncset.done $0x0  }
0x1e: {  	[sflag:s23] =	ssyncadd.s32 s4;
	_ =	sdelay $0x1  }
0x1f: {  	s24 =	simm.s32 $0x1B8B  }
0x20: {  	_ =	swait.ge [sflag:s24], $0x1  }
0x21: {  	[sflag:s24] =	ssyncset.done $0x0  }
0x22: {  	s26 =	simm.s32 $0x1B8E;
	s25 =	sld [smem:$0x3FFE];
	[sflag:s24] =	ssyncadd.s32 $0xFFFFFFFF  }
0x23: {  	s27 =	simm.s32 $execute0_lowered;
	[smem:$0x3FD2] =	sst s26  }
0x24: {  	s5 =	sshll.u32 s27, $0x1;
	_ =	strace $0x8000004F;
	[dreg:$0x1] =	wrdreg $0xFFFFFFFF  }
0x25: {  	s28 =	simm.s32 $_size_execute0_lowered;
	s3 =	sadd.s32 s3, s5;
	[dreg:$0x0] =	wrdreg $0x0  }
0x26: {  	s5 =	sshll.u32 s28, $0x1;
	[dreg:$0x2] =	wrdreg s3  }
0x27: {  	[dreg:$0x3] =	wrdreg s5  }
0x28: {  	[dreg:$0x4] =	wrdreg $0xC0  }
0x29: {  	_ =	task [dreg:s7], $0x5FFFF  }
0x2a: {  	[dreg:$0x1] =	wrdreg $0xFFFFFFFF  }
0x2b: {  	[dreg:$0x0] =	wrdreg $0x60  }
0x2c: {  	[dreg:$0x2] =	wrdreg s25  }
0x2d: {  	[dreg:$0x3] =	wrdreg s17  }
0x2e: {  	[dreg:$0x4] =	wrdreg $0x9  }
0x2f: {  	_ =	task.clear_ibuf [dreg:s7], $0x5FFFF;
	_ =	strace $0x9000004F  }
0x30: {  	s29 =	simm.s32 $0x9;
	_ =	strace $0x80000051  }
0x31: {  	_ =	swait.ge [sflag:s29], $0x1  }
0x32: {  	[sflag:s29] =	ssyncadd.s32 $0xFFFFFFFF  }
0x33: {  	_ =	strace $0x90000051  }
0x34: {  	_ =	sfence  }
0x35: {  	s30 =	sld [smem:$0x0];
	_ =	sdelay $0x2  }
0x36: {  	s31 =	sshll.u32 s1, $0xD;
	s1 =	sshrl.u32 s1, $0x2  }
0x37: {  	s3 =	sand.u32 $0x4000, s31;
	s1 =	sadd.s32 s1, s30  }
0x38: {  	s0 =	sor.u32 s3, s0;
	s1 =	sshll.u32 s1, $0x11  }
0x39: {  	s0 =	sor.u32 s1, s0  }
0x3a: {  	s0 =	sadd.s32 $0x8F2B, s0  }
0x3b: {  	[sflag:s0] =	ssyncadd.remote.s32 $0x1  }
0x3c: {  	_ =	sfence.sel $0xFFFF  }
0x3d: {  	[dreg:$0x0] =	wrdreg $0xFFFFFFFF;
	(pc) =	sbr.abs _section_cstart, $3  }
0x3e: {  	[dreg:$0x1] =	wrdreg $0xFFFFFFFF  }
0x3f: {  	_ =	task.clear_ibuf [dreg:s7], $0x2FFFF;
	_ =	strace $0x9FFFFFFF  }
0x40: {  	(tm) =	ssettm $0x7FFFFFFF  }
0x41: {  	_ =	shalt  }
tec
execute0_lowered:
.L_overlay_start_1:
0x0: {  	(tag) =	ssettag $0x1  }
0x1: {  	s0 =	srdreg.scid  }
0x2: {  	s8 =	rddreg [dreg:$0x0];
	s7 =	simm.s32 $0x2;
	s0 =	sshll.u32 s0, $0x7  }
0x3: {  	s17 =	simm.s32 $0x0;
	p0 =	por $0x0, $0x0;
	s1 =	sand.u32 $0x80, s0  }
0x4: {  	s10 =	simm.s32 $0x100;
	s11 =	simm.s32 $0x3A9800;
	s2 =	ssub.s32 $0x100, s1  }
0x5: {  	s18 =	simm.s32 $0x0;
	s0 =	stileid.u32;
	s3 =	sshrl.u32 s2, $0x7  }
0x6: {  	s4 =	ssub.s32 $0x13B, s0;
	s2 =	sshrl.u32 s2, $0x8;
	s5 =	sand.u32 $0x1, s3  }
0x7: {  	s19 =	simm.s32 $0x0;
	s4 =	sshrl.u32 s4, $0x4;
	s5 =	sadd.s32 s2, s5  }
0x8: {  	s12 =	simm.s32 $0x0;
	s13 =	simm.s32 $0x0;
	s6 =	smul.u32 s5, s4  }
.Ltmp0:
0x9: {  	s14 =	simm.s32 $0x0;
	s3 =	rddreg [dreg:$0x1];
	(pc) =	sbr.rel .LBB1_1-.Ltmp0, $4  }
0xa: {  	s15 =	stileid.u32;
	s16 =	simm.s32 $0x0;
	s2 =	rddreg [dreg:$0x2]  }
0xb: {  	_ =	strace $0x80000050;
	s5 =	simm.s32 $0x1;
	s6 =	smul.u32 $0x19, s6  }
0xc: {  	s4 =	sadd.s32 $0xA00, s8;
	s8 =	sadd.s32 $0x1A00, s8;
	[sflag:s5] =	ssyncpa.u1 $0x0  }
0xd: {  	[sflag:s7] =	ssyncpa.u1 $0x0;
	s7 =	sshll.u32 s1, $0x4;
	s9 =	sadd.s32 $0x1, s6  }
.LBB1_7:
0xe: {  	p1 =	slt.u32 s16, $0x2  }
0xf: {  	p2 =	sgt.s32 @!p1 s18, $0x12B  }
0x10: {  	s19 =	smov.u32 s18;
	s20 =	sshra.s32 @!p1 s18, $0x1F;
	p2 =	por !p2, p1  }
0x11: {  	s21 =	sshra.s32 @!p1 s17, $0x1F;
	s19 =	simm.s32 @p2 $0x12B;
	p2 =	sgt.s32 @!p1 s17, $0x18  }
0x12: {  	s18 =	sand.u32 @!p1 s20, s18;
	s20 =	smov.u32 s17;
	p2 =	por !p2, p1  }
0x13: {  	s17 =	sand.u32 @!p1 s21, s17;
	s18 =	ssub.s32 @!p1 s19, s18;
	s20 =	simm.s32 @p2 $0x18  }
0x14: {  	s21 =	smov.u32 s15;
	s19 =	sadd.s32 @!p1 $0xFFFFFED5, s18;
	s17 =	ssub.s32 @!p1 s20, s17  }
0x15: {  	s18 =	ssub.s32 @!p1 $0x12C, s18;
	p2 =	sgt.s32 @!p1 s19, $0x0;
	s17 =	sadd.s32 @!p1 $0xFFFFFFE8, s17  }
0x16: {  	s18 =	smul.u32 @!p1 $0x3, s18;
	p3 =	sgt.s32 @!p1 s17, $0x0;
	s17 =	sshll.u32 @!p1 s17, $0x8  }
0x17: {  	p2 =	por !p2, p1;
	s17 =	ssub.s32 @!p1 $0x100, s17;
	p3 =	por !p3, p1  }
0x18: {  	s20 =	sadd.s32 $0x1, s14;
	s18 =	simm.s32 @!p2 $0x0;
	s17 =	simm.s32 @!p3 $0x0  }
0x19: {  	p2 =	sgt.s32 s20, $0x18;
	s17 =	smul.u32 @!p1 s18, s17;
	s18 =	sadd.s32 $0x10, s15  }
0x1a: {  	s21 =	smov.u32 @p2 s18  }
0x1b: {  	s20 =	simm.s32 @p2 $0x0;
	p2 =	sgt.s32 s21, $0x12B  }
0x1c: {  	p0 =	por !p0, !p0;
	s21 =	smov.u32 @p2 s0;
	p2 =	sne.s32 s16, s9  }
.Ltmp1:
0x1d: {  	s19 =	simm.s32 @!p1 $0x2;
	s17 =	sand.u32 @!p1 $0x3FFFFF00, s17;
	(pc) =	sbr.rel @!p2 .LBB1_8-.Ltmp1, $4  }
0x1e: {  	s18 =	smov.u32 s13;
	s13 =	smov.u32 s15;
	_ =	swait.ge @!p1 [sflag:s19], s17  }
0x1f: {  	s22 =	ssub.s32 @!p1 $0x0, s17;
	s17 =	smov.u32 s12;
	s16 =	sadd.s32 $0x1, s16  }
0x20: {  	s12 =	smov.u32 s14;
	s14 =	smov.u32 s20;
	[sflag:s19] =	ssyncset.done @!p1 $0x0  }
0x21: {  	s15 =	smov.u32 s21;
	[sflag:s19] =	ssyncadd.s32 @!p1 s22;
	s19 =	smov.u32 s1  }
.LBB1_1:
0x22: {  	p1 =	sge.u32 s16, s6  }
0x23: {  	s20 =	smul.u32 @!p1 $0x32000, s15  }
0x24: {  	s22 =	sshll.u32 @!p1 s14, $0xD  }
0x25: {  	s21 =	sxor.u32 @!p1 $0xFFFFFFFF, s16;
	s20 =	sadd.s32 @!p1 s20, s22  }
0x26: {  	s23 =	simm.s32 @!p1 $0x20;
	s21 =	sshll.u32 @!p1 s21, $0xD;
	s20 =	sor.u32 @!p1 s7, s20  }
0x27: {  	s24 =	simm.s32 @!p1 $0x80;
	s21 =	sand.u32 @!p1 $0x2000, s21;
	s22 =	sadd.s32 @!p1 s4, s20  }
0x28: {  	[tilespmem:s21], [sflag:$0x1] =	stream.strided.gather @!p1 [hbm4b:s22+s23], $0x1000, s24, s23, $0x38;
	[tilespmem:$0x8080] =	vst v63  }
0x29: {  	s31 =	sadd.s32 $0xFFFFFFFF, s16;
	s20 =	sadd.s32 @!p1 s20, s8;
	s21 =	sor.u32 @!p1 $0x1000, s21  }
0x2a: {  	[tilespmem:s21], [sflag:$0x1] =	stream.strided.gather @!p1 [hbm4b:s20+s23], $0x1000, s24, s23, $0x38;
	[tilespmem:$0x8080] =	vst v63  }
0x2b: {  	p1 =	sge.u32 s31, s6  }
.Ltmp2:
0x2c: {  	_ = 	snop;
	(pc) =	sbr.rel @p1 .LBB1_7-.Ltmp2, $1  }
0x2d: {  	_ =	sdelay $0x3  }
0x2e: {  	s20 =	simm.s32 $0x1;
	s22 =	sand.u32 $0x1, s16  }
0x2f: {  	_ =	swait.ge [sflag:s5], $0x2000;
	s20 =	simm.s32 @!p0 $0x0;
	s22 =	smul.u32 $0x8100, s22  }
0x30: {  	p2 =	por $0x1, $0x1;
	[sflag:s5] =	ssyncset.done $0x0;
	s21 =	smul.u32 $0x8100, s20  }
0x31: {  	s23 =	sshll.u32 s20, $0xF;
	[sflag:s5] =	ssyncadd.s32 $0xFFFFE000;
	s30 =	sshrl.u32 s22, $0x2  }
0x32: {  	s31 =	sshrl.u32 s23, $0x2;
	s23 =	simm.s32 $0x0;
	s21 =	sshrl.u32 s21, $0x2  }
0x33: {  	s20 =	sor.u32 $0x4000, s30;
	s22 =	sadd.s32 $0x10, s31;
	s21 =	sor.u32 $0x4000, s21  }
.LBB1_3:
0x34: {  	s24 =	sshll.u32 s23, $0xC  }
0x35: {  	s24 =	sand.u32 $0x3FFFF000, s24  }
0x36: {  	s25 =	sadd.s32 s24, s22  }
0x37: {  	s31 =	sand.u32 $0x1, s23;
	v1 =	vld [tilespmem:s25+$0x0]  }
0x38: {  	s23 =	simm.s32 $0x81;
	p1 =	seq.s32 s31, $0x1;
	v0 =	vld [tilespmem:s25+$0xFFFFFFF0]  }
0x39: {  	s23 =	simm.s32 @!p1 $0x0  }
0x3a: {  	s23 =	sadd.s32 s23, s21  }
0x3b: {  	s26 =	sadd.s32 $0x0, s23  }
0x3c: {  	p1 =	por p2, p2;
	s24 =	simm.s32 $0x4;
	s25 =	sadd.s32 $0x20, s25;
	[tilespmem:s26+$0x1020 ss:$0x102] =	vst.msk $0xffff, v1  }
.LBB1_4:
0x3d: {  	v1 =	vld [tilespmem:s25+$0x0];
	p2 =	sne.s32 s24, $0x1FC;
	[tilespmem:s26+$0x0 ss:$0x102] =	vst.msk $0xffff, v0;
	s26 =	smov.u32 s24;
	s24 =	sadd.s32 $0x4, s24  }
.Ltmp3:
0x3e: {  	v0 =	vld [tilespmem:s25+$0xFFFFFFF0];
	(pc) =	sbr.rel @p2 .LBB1_4-.Ltmp3, $4  }
0x3f: {  	_ = 	snop  }
0x40: {  	s26 =	sshra.s32 s26, $0x2  }
0x41: {  	s26 =	sadd.s32 s26, s23  }
0x42: {  	s25 =	sadd.s32 $0x20, s25;
	[tilespmem:s26+$0x1020 ss:$0x102] =	vst.msk $0xffff, v1  }
.Ltmp4:
0x43: {  	(pc) =	sbr.rel @p1 .LBB1_3-.Ltmp4, $2  }
0x44: {  	_ =	sdelay $0x2  }
0x45: {  	[tilespmem:s26+$0x0 ss:$0x102] =	vst.msk $0xffff, v0;
	s23 =	simm.s32 $0x1;
	p2 =	por $0x0, $0x0  }
0x46: {  	p1 =	sgt.s32 s13, $0x12B  }
0x47: {  	s21 =	smov.u32 s13;
	s22 =	sshra.s32 s13, $0x1F;
	s23 =	smov.u32 s12  }
0x48: {  	s24 =	sshra.s32 s12, $0x1F;
	s21 =	simm.s32 @!p1 $0x12B;
	p1 =	sgt.s32 s12, $0x18  }
0x49: {  	s22 =	sand.u32 s22, s13;
	s24 =	sand.u32 s24, s12;
	s23 =	simm.s32 @!p1 $0x18  }
0x4a: {  	s30 =	smul.u32 $0x640, s13;
	s21 =	ssub.s32 s21, s22;
	s27 =	ssub.s32 s23, s24  }
0x4b: {  	s28 =	sadd.s32 $0xFFFFFED5, s21;
	s21 =	ssub.s32 $0x12C, s21;
	s22 =	sadd.s32 $0xFFFFFFE8, s27  }
0x4c: {  	s21 =	smul.u32 $0x3, s21;
	s29 =	sshll.u32 s22, $0x8  }
0x4d: {  	p1 =	sgt.s32 s28, $0x0;
	p2 =	sgt.s32 s22, $0x0;
	s22 =	ssub.s32 $0x100, s29  }
.Ltmp5:
0x4e: {  	s21 =	simm.s32 @p1 $0x0;
	s22 =	simm.s32 @p2 $0x0;
	(pc) =	sbr.rel .LBB1_7-.Ltmp5, $4  }
0x4f: {  	s31 =	sshll.u32 s12, $0x6;
	s23 =	sadd.s32 s3, s30;
	s21 =	smul.u32 s21, s22  }
0x50: {  	s19 =	sshrl.u32 s19, $0x2;
	s22 =	sadd.s32 s31, s23  }
0x51: {  	s19 =	sadd.s32 s19, s22;
	s21 =	sand.u32 $0x3FFFFF00, s21  }
0x52: {  	[hbm4b:s19+s10] =	stream.strided.scatter [tilespmem:s20], [sflag:$0x2], s21, s11, s10, $0x20;
	[tilespmem:$0x8080] =	vst v63  }
.LBB1_8:
0x53: {  	_ =	sfence.sel $0x180000  }
0x54: {  	s1 =	simm.s32 $0x1;
	[bflag:$0x0] =	sbarrier.arrive $0xFFFF  }
0x55: {  	s31 =	simm.s32 $0x2;
	[sflag:s1] =	ssyncpa.u1 $0x1  }
0x56: {  	[sflag:s31] =	ssyncpa.u1 $0x1  }
0x57: {  	p0 =	sne.s32 s0, $0x0;
	_ =	strace $0x90000050  }
0x58: {  	s0 =	sadd.s32 @!p0 $0x100000, s2;
	[bflag:$0x2] =	sbarrier.arrive $0xFFFF  }
0x59: {  	[sflag:s0] =	ssyncadd.tile.s32 @!p0 $0x1;
	_ =	shalt  }
.Lfunc_end1:
_tile_overlayer_lowered:
.L_overlay_start_2:
0x5a: {  	(tag) =	ssettag $0x2  }
0x5b: {  	s0 =	rddreg [dreg:$0x0];
	s2 =	stileid.u32  }
0x5c: {  	s1 =	rddreg [dreg:$0x1];
	p0 =	sne.s32 s2, $0x0  }
0x5d: {  	s3 =	rddreg [dreg:$0x2];
	[bflag:$0x3] =	sbarrier.arrive $0xFFFF;
	s2 =	simm.s32 @!p0 $0x1C01  }
0x5e: {  	[timem:s3], [sflag:s2] =	dma.local @!p0 [hbm:s0], s1  }
0x5f: {  	s0 =	simm.s32 @!p0 $0x1  }
0x60: {  	_ =	swait.ge @!p0 [sflag:s0], s1  }
0x61: {  	s1 =	ssub.s32 @!p0 $0x0, s1;
	[sflag:s0] =	ssyncset.done @!p0 $0x0  }
0x62: {  	[sflag:s0] =	ssyncadd.s32 @!p0 s1  }
0x63: {  	[bflag:$0x3] =	sbarrier.arrive $0xFFFF  }
0x64: {  	_ =	shalt  }

</sc_bundles>
